<compile_context>
chip_gen: v7x
topology: tpu7x:2x2x1
jax: 0.10.2.dev20260603
libtpu: 0.0.44.dev20260713+nightly
codegen_flags: <defaults>
</compile_context>

<pallas_src>
import functools
import jax
import jax.numpy as jnp
from jax import lax
from jax.experimental import pallas as pl
from jax.experimental.pallas import tpu as pltpu
from jax.experimental.pallas import tpu_sc as plsc

N = 10000
E = 320000
D_IN = 128
D_HID = 128
D_OUT = 40
D_OUT_PAD = 128

NC = 2
NS = 16
NW = NC * NS

B = 128
CH = 80
CH_H = CH // 2
B_DEG = 128
CH_DEG = 80
EPW = B * CH
E_PAD = NW * EPW
N_PAD = 10240
RPS = N_PAD // NS

_mesh = plsc.VectorSubcoreMesh(core_axis_name="c", subcore_axis_name="s")


DEG_W = 128


def _fill_vmem_rows(buf, nrows, width, vec16):
    def frow(r, carry):
        for k in range(width // 16):
            buf[r, pl.ds(k * 16, 16)] = vec16
        return carry

    lax.fori_loop(0, nrows, frow, 0)


def _deg_body(src_hbm, dst_hbm, dP_hbm, sidx_v, didx_v, ones_v, acc, sem):
    c = lax.axis_index("c")
    s = lax.axis_index("s")
    w = s * NC + c

    pltpu.sync_copy(src_hbm.at[w], sidx_v)
    pltpu.sync_copy(dst_hbm.at[w], didx_v)

    def zacc(j, carry):
        pltpu.sync_copy(ones_v, acc.at[pl.ds(s * RPS + j * B_DEG, B_DEG)])
        return carry

    for phase in range(2):
        idx_v = sidx_v if phase == 0 else didx_v
        _fill_vmem_rows(ones_v, B_DEG, DEG_W, jnp.zeros((16,), jnp.float32))
        lax.fori_loop(0, RPS // B_DEG, zacc, 0)
        _fill_vmem_rows(ones_v, B_DEG, DEG_W, jnp.ones((16,), jnp.float32))
        plsc.subcore_barrier()

        def body(j, carry):
            pltpu.sync_copy(ones_v, acc.at[idx_v.at[j]], add=True)
            return carry

        lax.fori_loop(0, CH_DEG, body, 0)
        plsc.subcore_barrier()
        pltpu.sync_copy(
            acc.at[pl.ds(s * RPS, RPS)], dP_hbm.at[c, phase, pl.ds(s * RPS, RPS)]
        )
        plsc.subcore_barrier()


_deg_call = pl.kernel(
    _deg_body,
    out_type=jax.ShapeDtypeStruct((NC, 2, N_PAD, DEG_W), jnp.float32),
    mesh=_mesh,
    scratch_types=[
        pltpu.VMEM((CH_DEG, B_DEG), jnp.int32),
        pltpu.VMEM((CH_DEG, B_DEG), jnp.int32),
        pltpu.VMEM((B_DEG, DEG_W), jnp.float32),
        pltpu.VMEM_SHARED((N_PAD, DEG_W), jnp.float32),
        pltpu.SemaphoreType.DMA,
    ],
)


def _agg_body(D, h_hbm, src_hbm, dst_hbm, z_hbm, out_hbm, sidx_v, didx_v, rows0, rows1, acc, sem0, sem1):
    c = lax.axis_index("c")
    s = lax.axis_index("s")
    w = s * NC + c
    rows = [rows0, rows1]
    sems = [sem0, sem1]

    pltpu.sync_copy(z_hbm, acc.at[pl.ds(s * RPS, RPS)])

    pltpu.sync_copy(dst_hbm.at[w], didx_v)
    plsc.subcore_barrier()

    def _gidx(j):
        return sidx_v.at[pl.ds(pl.multiple_of(j * B, B), B)]

    for half in range(2):
        pltpu.sync_copy(
            src_hbm.at[w, pl.ds(half * CH_H * B, CH_H * B)], sidx_v
        )

        for b in range(2):
            pltpu.async_copy(h_hbm.at[_gidx(b)], rows[b], sems[b])

        def body(i, carry):
            for b in range(2):
                j = i * 2 + b
                pltpu.make_async_copy(h_hbm.at[_gidx(j)], rows[b], sems[b]).wait()
                pltpu.sync_copy(
                    rows[b], acc.at[didx_v.at[half * CH_H + j]], add=True
                )
                pltpu.async_copy(h_hbm.at[_gidx(j + 2)], rows[b], sems[b])
            return carry

        lax.fori_loop(0, CH_H // 2 - 1, body, 0)
        for b in range(2):
            j = CH_H - 2 + b
            pltpu.make_async_copy(h_hbm.at[_gidx(j)], rows[b], sems[b]).wait()
            pltpu.sync_copy(
                rows[b], acc.at[didx_v.at[half * CH_H + j]], add=True
            )

    plsc.subcore_barrier()

    pltpu.sync_copy(acc.at[pl.ds(s * RPS, RPS)], out_hbm.at[c, pl.ds(s * RPS, RPS)])


def _make_agg(D):
    return pl.kernel(
        functools.partial(_agg_body, D),
        out_type=jax.ShapeDtypeStruct((NC, N_PAD, D), jnp.float32),
        mesh=_mesh,
        scratch_types=[
            pltpu.VMEM((EPW // 2,), jnp.int32),
            pltpu.VMEM((CH, B), jnp.int32),
            pltpu.VMEM((B, D), jnp.float32),
            pltpu.VMEM((B, D), jnp.float32),
            pltpu.VMEM_SHARED((N_PAD, D), jnp.float32),
            pltpu.SemaphoreType.DMA,
            pltpu.SemaphoreType.DMA,
        ],
    )


_agg128 = _make_agg(128)


def _norm_body(dP_ref, s1_ref, s23_ref, sf_ref):
    do = dP_ref[0, 0, :, 0:1] + dP_ref[1, 0, :, 0:1]
    di = dP_ref[0, 1, :, 0:1] + dP_ref[1, 1, :, 0:1]
    ns = jnp.where(do > 0, lax.rsqrt(jnp.maximum(do, 1.0)), 0.0)
    nd = jnp.where(di > 0, lax.rsqrt(jnp.maximum(di, 1.0)), 0.0)
    s1_ref[...] = ns
    s23_ref[...] = ns * nd
    sf_ref[...] = nd


RB = 2048

_norm_call = pl.pallas_call(
    _norm_body,
    grid=(N_PAD // RB,),
    in_specs=[pl.BlockSpec((NC, 2, RB, DEG_W), lambda i: (0, 0, i, 0))],
    out_specs=[
        pl.BlockSpec((RB, 1), lambda i: (i, 0)),
        pl.BlockSpec((RB, 1), lambda i: (i, 0)),
        pl.BlockSpec((RB, 1), lambda i: (i, 0)),
    ],
    out_shape=[
        jax.ShapeDtypeStruct((N_PAD, 1), jnp.float32),
        jax.ShapeDtypeStruct((N_PAD, 1), jnp.float32),
        jax.ShapeDtypeStruct((N_PAD, 1), jnp.float32),
    ],
)


def _mm1_body(x_ref, s_ref, w_ref, o_ref):
    o_ref[...] = jnp.dot(
        x_ref[...] * s_ref[...], w_ref[...], preferred_element_type=jnp.float32
    )


def _mm2_body(p_ref, s_ref, w_ref, o_ref):
    x = (p_ref[0] + p_ref[1]) * s_ref[...]
    o_ref[...] = jnp.dot(x, w_ref[...], preferred_element_type=jnp.float32)


def _final_body(p_ref, s_ref, o_ref):
    o_ref[...] = (p_ref[0] + p_ref[1]) * s_ref[...]


def _mm1_call(x, s, w):
    grid = (N_PAD // RB,)
    return pl.pallas_call(
        _mm1_body,
        grid=grid,
        in_specs=[
            pl.BlockSpec((RB, D_IN), lambda i: (i, 0)),
            pl.BlockSpec((RB, 1), lambda i: (i, 0)),
            pl.BlockSpec((D_IN, D_HID), lambda i: (0, 0)),
        ],
        out_specs=pl.BlockSpec((RB, D_HID), lambda i: (i, 0)),
        out_shape=jax.ShapeDtypeStruct((N_PAD, D_HID), jnp.float32),
    )(x, s, w)


def _mm2_call(p, s, w, dout):
    grid = (N_PAD // RB,)
    din = p.shape[-1]
    return pl.pallas_call(
        _mm2_body,
        grid=grid,
        in_specs=[
            pl.BlockSpec((2, RB, din), lambda i: (0, i, 0)),
            pl.BlockSpec((RB, 1), lambda i: (i, 0)),
            pl.BlockSpec((din, dout), lambda i: (0, 0)),
        ],
        out_specs=pl.BlockSpec((RB, dout), lambda i: (i, 0)),
        out_shape=jax.ShapeDtypeStruct((N_PAD, dout), jnp.float32),
    )(p, s, w)


def _final_call(p, s):
    grid = (N_PAD // RB,)
    return pl.pallas_call(
        _final_body,
        grid=grid,
        in_specs=[
            pl.BlockSpec((2, RB, D_OUT_PAD), lambda i: (0, i, 0)),
            pl.BlockSpec((RB, 1), lambda i: (i, 0)),
        ],
        out_specs=pl.BlockSpec((RB, D_OUT_PAD), lambda i: (i, 0)),
        out_shape=jax.ShapeDtypeStruct((N_PAD, D_OUT_PAD), jnp.float32),
    )(p, s)


def kernel(features, edge_index, W1, W2, W3):
    pad_idx = N + jnp.arange(E_PAD - E, dtype=jnp.int32) % (N_PAD - N)
    src_flat = jnp.concatenate([edge_index[0], pad_idx])
    dst_flat = jnp.concatenate([edge_index[1], pad_idx])
    srcp = src_flat.reshape(NW, EPW)
    dstp = dst_flat.reshape(NW, CH, B)
    src_deg = src_flat.reshape(NW, CH_DEG, B_DEG)
    dst_deg = dst_flat.reshape(NW, CH_DEG, B_DEG)
    xp = jnp.pad(features, ((0, N_PAD - N), (0, 0)))
    w3p = jnp.pad(W3, ((0, 0), (0, D_OUT_PAD - D_OUT)))

    zrows = jnp.zeros((RPS, 128), jnp.float32)

    dP = _deg_call(src_deg, dst_deg)
    s1, s23, sf = _norm_call(dP)

    h = _mm1_call(xp, s1, W1)
    p = _agg128(h, srcp, dstp, zrows)
    h = _mm2_call(p, s23, W2, D_HID)
    p = _agg128(h, srcp, dstp, zrows)
    h = _mm2_call(p, s23, w3p, D_OUT_PAD)
    p = _agg128(h, srcp, dstp, zrows)
    out = _final_call(p, sf)
    return out[:N, :D_OUT]

# --- scband reference (transcript-rebuilt; emitter-appended) ---
"""Pipeline reference for scband-gcn-88510686036818 (READ-ONLY COPY).

The authoritative reference and input builder live on the scoring server;
editing this copy changes nothing except your own understanding.
"""

import jax, jax.numpy as jnp
import numpy as np

N = 10000
E = 320000
D_IN = 128
D_HID = 128
D_OUT = 40


def setup_inputs(seed: int = 0) -> dict:
    key = jax.random.key(seed)
    k1, k2, k3, k4, k5 = jax.random.split(key, 5)
    features = jax.random.normal(k1, (N, D_IN), dtype=jnp.float32)
    edge_index = jax.random.randint(k2, (2, E), 0, N, dtype=jnp.int32)
    # Glorot-style init for the three GraphConv weights (bias=False)
    W1 = jax.random.normal(k3, (D_IN, D_HID), dtype=jnp.float32) * (1.0 / np.sqrt(D_IN))
    W2 = jax.random.normal(k4, (D_HID, D_HID), dtype=jnp.float32) * (1.0 / np.sqrt(D_HID))
    W3 = jax.random.normal(k5, (D_HID, D_OUT), dtype=jnp.float32) * (1.0 / np.sqrt(D_HID))
    return {"features": features, "edge_index": edge_index, "W1": W1, "W2": W2, "W3": W3}


def _graph_conv(h, W, src, dst, norm_src, norm_dst):
    # DGL GraphConv with norm='both', bias=False, activation=None:
    # h' = D_dst^{-1/2} A (D_src^{-1/2} h W)
    h = h * norm_src[:, None]
    h = h @ W
    msgs = jnp.take(h, src, axis=0)
    agg = jax.ops.segment_sum(msgs, dst, num_segments=N)
    return agg * norm_dst[:, None]


def reference(features, edge_index, W1, W2, W3):
    src = edge_index[0]
    dst = edge_index[1]
    deg_out = jnp.bincount(src, length=N).astype(features.dtype)
    deg_in = jnp.bincount(dst, length=N).astype(features.dtype)
    norm_src = jnp.where(deg_out > 0, jax.lax.rsqrt(jnp.maximum(deg_out, 1.0)), 0.0)
    norm_dst = jnp.where(deg_in > 0, jax.lax.rsqrt(jnp.maximum(deg_in, 1.0)), 0.0)
    # layer 0 (activation=None per init), dropout p=0.0 -> identity
    h = _graph_conv(features, W1, src, dst, norm_src, norm_dst)
    # layer 1
    h = _graph_conv(h, W2, src, dst, norm_src, norm_dst)
    # output layer (no activation)
    h = _graph_conv(h, W3, src, dst, norm_src, norm_dst)
    return h

if __name__ == "__main__":
    import jax
    _d = setup_inputs()
    print(jax.jit(kernel)(*tuple(_d.values())))

</pallas_src>

<mosaic_0001>
#map = affine_map<(d0, d1) -> (0, 0)>
#map1 = affine_map<(d0, d1) -> (0, 0, 0)>
module attributes {stable_mosaic.version = 14 : i64} {
  func.func @_agg_body(%arg0: i32, %arg1: i32, %arg2: memref<10240x128xf32, #tpu.memory_space<hbm>>, %arg3: memref<32x10240xi32, #tpu.memory_space<hbm>>, %arg4: memref<32x80x128xi32, #tpu.memory_space<hbm>>, %arg5: memref<640x128xf32, #tpu.memory_space<hbm>>, %arg6: memref<2x10240x128xf32, #tpu.memory_space<hbm>>, %arg7: memref<5120xi32, #tpu.memory_space<vmem>>, %arg8: memref<80x128xi32, #tpu.memory_space<vmem>>, %arg9: memref<128x128xf32, #tpu.memory_space<vmem>>, %arg10: memref<128x128xf32, #tpu.memory_space<vmem>>, %arg11: memref<10240x128xf32, #tpu.memory_space<vmem_shared>>, %arg12: memref<!tpu.dma_semaphore, #tpu.memory_space<semaphore_mem>>, %arg13: memref<!tpu.dma_semaphore, #tpu.memory_space<semaphore_mem>>) attributes {dimension_semantics = [#tpu.dimension_semantics<core_parallel>, #tpu.dimension_semantics<subcore_parallel>], iteration_bounds = array<i64: 2, 16>, scalar_prefetch = 0 : i64, scratch_operands = 7 : i64, tpu.core_type = #tpu.core_type<sc_vector_subcore>, window_params = [{transform_indices = #map}, {transform_indices = #map}, {transform_indices = #map1}, {transform_indices = #map}, {transform_indices = #map1}]} {
    %mul3A = arith.constant 2 : i32
    %mul3A_0 = arith.muli %arg1, %mul3A : i32
    %add3A = arith.addi %mul3A_0, %arg0 : i32
    %mul3A_1 = arith.constant 640 : i32
    %mul3A_2 = arith.muli %arg1, %mul3A_1 : i32
    "tpu.region"() ({
      %run_scoped3A_67 = tpu.sem_alloc : memref<!tpu.dma_semaphore, #tpu.memory_space<semaphore_mem>>
      %dma_start3A_68 = arith.constant 0 : i32
      %dma_start3A_69 = tpu.memref_slice %arg11[%mul3A_2, %dma_start3A_68] : memref<10240x128xf32, #tpu.memory_space<vmem_shared>> -> memref<640x128xf32, #tpu.memory_space<vmem_shared>>
      tpu.enqueue_dma source(%arg5 : memref<640x128xf32, #tpu.memory_space<hbm>>) target(%dma_start3A_69 : memref<640x128xf32, #tpu.memory_space<vmem_shared>>) target_semaphore(%run_scoped3A_67 : memref<!tpu.dma_semaphore, #tpu.memory_space<semaphore_mem>>)
      %dma_wait3A_70 = arith.constant 0 : i32
      %dma_wait3A_71 = tpu.memref_slice %arg11[%mul3A_2, %dma_wait3A_70] : memref<10240x128xf32, #tpu.memory_space<vmem_shared>> -> memref<640x128xf32, #tpu.memory_space<vmem_shared>>
      tpu.wait_dma2 semaphore(%run_scoped3A_67 : memref<!tpu.dma_semaphore, #tpu.memory_space<semaphore_mem>>) src(%arg5 : memref<640x128xf32, #tpu.memory_space<hbm>>) dst(%dma_wait3A_71 : memref<640x128xf32, #tpu.memory_space<vmem_shared>>)
      tpu.yield
    }) : () -> ()
    "tpu.region"() ({
      %run_scoped3A_67 = tpu.sem_alloc : memref<!tpu.dma_semaphore, #tpu.memory_space<semaphore_mem>>
      %dma_start3A_68 = arith.constant 0 : i32
      %dma_start3A_69 = arith.constant 0 : i32
      %dma_start3A_70 = tpu.memref_slice %arg4[%add3A, %dma_start3A_68, %dma_start3A_69] : memref<32x80x128xi32, #tpu.memory_space<hbm>> -> memref<1x80x128xi32, #tpu.memory_space<hbm>>
      %dma_start3A_71 = tpu.memref_squeeze %dma_start3A_70 : memref<1x80x128xi32, #tpu.memory_space<hbm>> -> memref<80x128xi32, #tpu.memory_space<hbm>>
      %dma_start3A_72 = arith.constant 0 : i32
      %dma_start3A_73 = arith.constant 0 : i32
      %dma_start3A_74 = tpu.memref_slice %arg4[%add3A, %dma_start3A_72, %dma_start3A_73] : memref<32x80x128xi32, #tpu.memory_space<hbm>> -> memref<1x80x128xi32, #tpu.memory_space<hbm>>
      %dma_start3A_75 = tpu.memref_squeeze %dma_start3A_74 : memref<1x80x128xi32, #tpu.memory_space<hbm>> -> memref<80x128xi32, #tpu.memory_space<hbm>>
      tpu.enqueue_dma source(%dma_start3A_75 : memref<80x128xi32, #tpu.memory_space<hbm>>) target(%arg8 : memref<80x128xi32, #tpu.memory_space<vmem>>) target_semaphore(%run_scoped3A_67 : memref<!tpu.dma_semaphore, #tpu.memory_space<semaphore_mem>>)
      %dma_wait3A_76 = arith.constant 0 : i32
      %dma_wait3A_77 = arith.constant 0 : i32
      %dma_wait3A_78 = tpu.memref_slice %arg4[%add3A, %dma_wait3A_76, %dma_wait3A_77] : memref<32x80x128xi32, #tpu.memory_space<hbm>> -> memref<1x80x128xi32, #tpu.memory_space<hbm>>
      %dma_wait3A_79 = tpu.memref_squeeze %dma_wait3A_78 : memref<1x80x128xi32, #tpu.memory_space<hbm>> -> memref<80x128xi32, #tpu.memory_space<hbm>>
      %dma_wait3A_80 = arith.constant 0 : i32
      %dma_wait3A_81 = arith.constant 0 : i32
      %dma_wait3A_82 = tpu.memref_slice %arg4[%add3A, %dma_wait3A_80, %dma_wait3A_81] : memref<32x80x128xi32, #tpu.memory_space<hbm>> -> memref<1x80x128xi32, #tpu.memory_space<hbm>>
      %dma_wait3A_83 = tpu.memref_squeeze %dma_wait3A_82 : memref<1x80x128xi32, #tpu.memory_space<hbm>> -> memref<80x128xi32, #tpu.memory_space<hbm>>
      tpu.wait_dma2 semaphore(%run_scoped3A_67 : memref<!tpu.dma_semaphore, #tpu.memory_space<semaphore_mem>>) src(%dma_wait3A_83 : memref<80x128xi32, #tpu.memory_space<hbm>>) dst(%arg8 : memref<80x128xi32, #tpu.memory_space<vmem>>)
      tpu.yield
    }) : () -> ()
    %barrier3A = arith.constant 0 : index
    tpu.barrier barrier_id(%barrier3A)
    "tpu.region"() ({
      %run_scoped3A_67 = tpu.sem_alloc : memref<!tpu.dma_semaphore, #tpu.memory_space<semaphore_mem>>
      %dma_start3A_68 = arith.constant 0 : i32
      %dma_start3A_69 = tpu.memref_slice %arg3[%add3A, %dma_start3A_68] : memref<32x10240xi32, #tpu.memory_space<hbm>> -> memref<1x5120xi32, #tpu.memory_space<hbm>>
      %dma_start3A_70 = tpu.memref_squeeze %dma_start3A_69 : memref<1x5120xi32, #tpu.memory_space<hbm>> -> memref<5120xi32, #tpu.memory_space<hbm>>
      %dma_start3A_71 = arith.constant 0 : i32
      %dma_start3A_72 = tpu.memref_slice %arg3[%add3A, %dma_start3A_71] : memref<32x10240xi32, #tpu.memory_space<hbm>> -> memref<1x5120xi32, #tpu.memory_space<hbm>>
      %dma_start3A_73 = tpu.memref_squeeze %dma_start3A_72 : memref<1x5120xi32, #tpu.memory_space<hbm>> -> memref<5120xi32, #tpu.memory_space<hbm>>
      tpu.enqueue_dma source(%dma_start3A_73 : memref<5120xi32, #tpu.memory_space<hbm>>) target(%arg7 : memref<5120xi32, #tpu.memory_space<vmem>>) target_semaphore(%run_scoped3A_67 : memref<!tpu.dma_semaphore, #tpu.memory_space<semaphore_mem>>)
      %dma_wait3A_74 = arith.constant 0 : i32
      %dma_wait3A_75 = tpu.memref_slice %arg3[%add3A, %dma_wait3A_74] : memref<32x10240xi32, #tpu.memory_space<hbm>> -> memref<1x5120xi32, #tpu.memory_space<hbm>>
      %dma_wait3A_76 = tpu.memref_squeeze %dma_wait3A_75 : memref<1x5120xi32, #tpu.memory_space<hbm>> -> memref<5120xi32, #tpu.memory_space<hbm>>
      %dma_wait3A_77 = arith.constant 0 : i32
      %dma_wait3A_78 = tpu.memref_slice %arg3[%add3A, %dma_wait3A_77] : memref<32x10240xi32, #tpu.memory_space<hbm>> -> memref<1x5120xi32, #tpu.memory_space<hbm>>
      %dma_wait3A_79 = tpu.memref_squeeze %dma_wait3A_78 : memref<1x5120xi32, #tpu.memory_space<hbm>> -> memref<5120xi32, #tpu.memory_space<hbm>>
      tpu.wait_dma2 semaphore(%run_scoped3A_67 : memref<!tpu.dma_semaphore, #tpu.memory_space<semaphore_mem>>) src(%dma_wait3A_79 : memref<5120xi32, #tpu.memory_space<hbm>>) dst(%arg7 : memref<5120xi32, #tpu.memory_space<vmem>>)
      tpu.yield
    }) : () -> ()
    %multiple_of3A = arith.constant 0 : i32
    %multiple_of3A_3 = tpu.assume_multiple %multiple_of3A, 128 : i32
    %dma_start3A = tpu.memref_slice %arg7[%multiple_of3A_3] : memref<5120xi32, #tpu.memory_space<vmem>> -> memref<128xi32, #tpu.memory_space<vmem>>
    %dma_start3A_4 = arith.constant 0 : i32
    %dma_start3A_5 = arith.constant 0 : i32
    %dma_start3A_6 = tpu.memref_slice %arg2[%dma_start3A_4, %dma_start3A_5] : memref<10240x128xf32, #tpu.memory_space<hbm>> -> memref<10240x128xf32, #tpu.memory_space<hbm>>
    tpu.enqueue_indirect_dma source(%dma_start3A_6 : memref<10240x128xf32, #tpu.memory_space<hbm>>) target(%arg9 : memref<128x128xf32, #tpu.memory_space<vmem>>) offsets(%dma_start3A : memref<128xi32, #tpu.memory_space<vmem>>) semaphore(%arg12 : memref<!tpu.dma_semaphore, #tpu.memory_space<semaphore_mem>>)
    %multiple_of3A_7 = arith.constant 128 : i32
    %multiple_of3A_8 = tpu.assume_multiple %multiple_of3A_7, 128 : i32
    %dma_start3A_9 = tpu.memref_slice %arg7[%multiple_of3A_8] : memref<5120xi32, #tpu.memory_space<vmem>> -> memref<128xi32, #tpu.memory_space<vmem>>
    %dma_start3A_10 = arith.constant 0 : i32
    %dma_start3A_11 = arith.constant 0 : i32
    %dma_start3A_12 = tpu.memref_slice %arg2[%dma_start3A_10, %dma_start3A_11] : memref<10240x128xf32, #tpu.memory_space<hbm>> -> memref<10240x128xf32, #tpu.memory_space<hbm>>
    tpu.enqueue_indirect_dma source(%dma_start3A_12 : memref<10240x128xf32, #tpu.memory_space<hbm>>) target(%arg10 : memref<128x128xf32, #tpu.memory_space<vmem>>) offsets(%dma_start3A_9 : memref<128xi32, #tpu.memory_space<vmem>>) semaphore(%arg13 : memref<!tpu.dma_semaphore, #tpu.memory_space<semaphore_mem>>)
    %scan3A = arith.constant 0 : i32
    %scan3A_13 = arith.constant 0 : i32
    %scan3A_14 = arith.constant 19 : i32
    %scan3A_15 = arith.addi %scan3A_13, %scan3A_14 : i32
    %scan3A_16 = arith.constant 1 : i32
    scf.for %scan3A_67 = %scan3A_13 to %scan3A_15 step %scan3A_16  : i32 {
      %mul3A_68 = arith.constant 2 : i32
      %mul3A_69 = arith.muli %scan3A_67, %mul3A_68 : i32
      %add3A_70 = arith.constant 0 : i32
      %add3A_71 = arith.addi %mul3A_69, %add3A_70 : i32
      %mul3A_72 = arith.constant 128 : i32
      %mul3A_73 = arith.muli %add3A_71, %mul3A_72 : i32
      %multiple_of3A_74 = tpu.assume_multiple %mul3A_73, 128 : i32
      %dma_wait3A_75 = tpu.memref_slice %arg7[%multiple_of3A_74] : memref<5120xi32, #tpu.memory_space<vmem>> -> memref<128xi32, #tpu.memory_space<vmem>>
      %dma_wait3A_76 = arith.constant 0 : i32
      %dma_wait3A_77 = arith.constant 0 : i32
      %dma_wait3A_78 = tpu.memref_slice %arg2[%dma_wait3A_76, %dma_wait3A_77] : memref<10240x128xf32, #tpu.memory_space<hbm>> -> memref<10240x128xf32, #tpu.memory_space<hbm>>
      tpu.wait_indirect_dma semaphore(%arg12 : memref<!tpu.dma_semaphore, #tpu.memory_space<semaphore_mem>>) src(%dma_wait3A_78 : memref<10240x128xf32, #tpu.memory_space<hbm>>) dst(%arg9 : memref<128x128xf32, #tpu.memory_space<vmem>>)
      %add3A_79 = arith.constant 0 : i32
      %add3A_80 = arith.addi %add3A_79, %add3A_71 : i32
      "tpu.region"() ({
        %run_scoped3A_112 = tpu.sem_alloc : memref<!tpu.dma_semaphore, #tpu.memory_space<semaphore_mem>>
        %dma_start3A_113 = arith.constant 0 : i32
        %dma_start3A_114 = tpu.memref_slice %arg8[%add3A_80, %dma_start3A_113] : memref<80x128xi32, #tpu.memory_space<vmem>> -> memref<1x128xi32, #tpu.memory_space<vmem>>
        %dma_start3A_115 = tpu.memref_squeeze %dma_start3A_114 : memref<1x128xi32, #tpu.memory_space<vmem>> -> memref<128xi32, #tpu.memory_space<vmem>>
        %dma_start3A_116 = arith.constant 0 : i32
        %dma_start3A_117 = arith.constant 0 : i32
        %dma_start3A_118 = tpu.memref_slice %arg11[%dma_start3A_116, %dma_start3A_117] : memref<10240x128xf32, #tpu.memory_space<vmem_shared>> -> memref<10240x128xf32, #tpu.memory_space<vmem_shared>>
        tpu.enqueue_indirect_dma source(%arg9 : memref<128x128xf32, #tpu.memory_space<vmem>>) target(%dma_start3A_118 : memref<10240x128xf32, #tpu.memory_space<vmem_shared>>) offsets(%dma_start3A_115 : memref<128xi32, #tpu.memory_space<vmem>>) semaphore(%run_scoped3A_112 : memref<!tpu.dma_semaphore, #tpu.memory_space<semaphore_mem>>) {add = true}
        %dma_wait3A_119 = arith.constant 0 : i32
        %dma_wait3A_120 = tpu.memref_slice %arg8[%add3A_80, %dma_wait3A_119] : memref<80x128xi32, #tpu.memory_space<vmem>> -> memref<1x128xi32, #tpu.memory_space<vmem>>
        %dma_wait3A_121 = tpu.memref_squeeze %dma_wait3A_120 : memref<1x128xi32, #tpu.memory_space<vmem>> -> memref<128xi32, #tpu.memory_space<vmem>>
        %dma_wait3A_122 = arith.constant 0 : i32
        %dma_wait3A_123 = arith.constant 0 : i32
        %dma_wait3A_124 = tpu.memref_slice %arg11[%dma_wait3A_122, %dma_wait3A_123] : memref<10240x128xf32, #tpu.memory_space<vmem_shared>> -> memref<10240x128xf32, #tpu.memory_space<vmem_shared>>
        tpu.wait_indirect_dma semaphore(%run_scoped3A_112 : memref<!tpu.dma_semaphore, #tpu.memory_space<semaphore_mem>>) src(%arg9 : memref<128x128xf32, #tpu.memory_space<vmem>>) dst(%dma_wait3A_124 : memref<10240x128xf32, #tpu.memory_space<vmem_shared>>)
        tpu.yield
      }) : () -> ()
      %add3A_81 = arith.constant 2 : i32
      %add3A_82 = arith.addi %add3A_71, %add3A_81 : i32
      %mul3A_83 = arith.constant 128 : i32
      %mul3A_84 = arith.muli %add3A_82, %mul3A_83 : i32
      %multiple_of3A_85 = tpu.assume_multiple %mul3A_84, 128 : i32
      %dma_start3A_86 = tpu.memref_slice %arg7[%multiple_of3A_85] : memref<5120xi32, #tpu.memory_space<vmem>> -> memref<128xi32, #tpu.memory_space<vmem>>
      %dma_start3A_87 = arith.constant 0 : i32
      %dma_start3A_88 = arith.constant 0 : i32
      %dma_start3A_89 = tpu.memref_slice %arg2[%dma_start3A_87, %dma_start3A_88] : memref<10240x128xf32, #tpu.memory_space<hbm>> -> memref<10240x128xf32, #tpu.memory_space<hbm>>
      tpu.enqueue_indirect_dma source(%dma_start3A_89 : memref<10240x128xf32, #tpu.memory_space<hbm>>) target(%arg9 : memref<128x128xf32, #tpu.memory_space<vmem>>) offsets(%dma_start3A_86 : memref<128xi32, #tpu.memory_space<vmem>>) semaphore(%arg12 : memref<!tpu.dma_semaphore, #tpu.memory_space<semaphore_mem>>)
      %mul3A_90 = arith.constant 2 : i32
      %mul3A_91 = arith.muli %scan3A_67, %mul3A_90 : i32
      %add3A_92 = arith.constant 1 : i32
      %add3A_93 = arith.addi %mul3A_91, %add3A_92 : i32
      %mul3A_94 = arith.constant 128 : i32
      %mul3A_95 = arith.muli %add3A_93, %mul3A_94 : i32
      %multiple_of3A_96 = tpu.assume_multiple %mul3A_95, 128 : i32
      %dma_wait3A_97 = tpu.memref_slice %arg7[%multiple_of3A_96] : memref<5120xi32, #tpu.memory_space<vmem>> -> memref<128xi32, #tpu.memory_space<vmem>>
      %dma_wait3A_98 = arith.constant 0 : i32
      %dma_wait3A_99 = arith.constant 0 : i32
      %dma_wait3A_100 = tpu.memref_slice %arg2[%dma_wait3A_98, %dma_wait3A_99] : memref<10240x128xf32, #tpu.memory_space<hbm>> -> memref<10240x128xf32, #tpu.memory_space<hbm>>
      tpu.wait_indirect_dma semaphore(%arg13 : memref<!tpu.dma_semaphore, #tpu.memory_space<semaphore_mem>>) src(%dma_wait3A_100 : memref<10240x128xf32, #tpu.memory_space<hbm>>) dst(%arg10 : memref<128x128xf32, #tpu.memory_space<vmem>>)
      %add3A_101 = arith.constant 0 : i32
      %add3A_102 = arith.addi %add3A_101, %add3A_93 : i32
      "tpu.region"() ({
        %run_scoped3A_112 = tpu.sem_alloc : memref<!tpu.dma_semaphore, #tpu.memory_space<semaphore_mem>>
        %dma_start3A_113 = arith.constant 0 : i32
        %dma_start3A_114 = tpu.memref_slice %arg8[%add3A_102, %dma_start3A_113] : memref<80x128xi32, #tpu.memory_space<vmem>> -> memref<1x128xi32, #tpu.memory_space<vmem>>
        %dma_start3A_115 = tpu.memref_squeeze %dma_start3A_114 : memref<1x128xi32, #tpu.memory_space<vmem>> -> memref<128xi32, #tpu.memory_space<vmem>>
        %dma_start3A_116 = arith.constant 0 : i32
        %dma_start3A_117 = arith.constant 0 : i32
        %dma_start3A_118 = tpu.memref_slice %arg11[%dma_start3A_116, %dma_start3A_117] : memref<10240x128xf32, #tpu.memory_space<vmem_shared>> -> memref<10240x128xf32, #tpu.memory_space<vmem_shared>>
        tpu.enqueue_indirect_dma source(%arg10 : memref<128x128xf32, #tpu.memory_space<vmem>>) target(%dma_start3A_118 : memref<10240x128xf32, #tpu.memory_space<vmem_shared>>) offsets(%dma_start3A_115 : memref<128xi32, #tpu.memory_space<vmem>>) semaphore(%run_scoped3A_112 : memref<!tpu.dma_semaphore, #tpu.memory_space<semaphore_mem>>) {add = true}
        %dma_wait3A_119 = arith.constant 0 : i32
        %dma_wait3A_120 = tpu.memref_slice %arg8[%add3A_102, %dma_wait3A_119] : memref<80x128xi32, #tpu.memory_space<vmem>> -> memref<1x128xi32, #tpu.memory_space<vmem>>
        %dma_wait3A_121 = tpu.memref_squeeze %dma_wait3A_120 : memref<1x128xi32, #tpu.memory_space<vmem>> -> memref<128xi32, #tpu.memory_space<vmem>>
        %dma_wait3A_122 = arith.constant 0 : i32
        %dma_wait3A_123 = arith.constant 0 : i32
        %dma_wait3A_124 = tpu.memref_slice %arg11[%dma_wait3A_122, %dma_wait3A_123] : memref<10240x128xf32, #tpu.memory_space<vmem_shared>> -> memref<10240x128xf32, #tpu.memory_space<vmem_shared>>
        tpu.wait_indirect_dma semaphore(%run_scoped3A_112 : memref<!tpu.dma_semaphore, #tpu.memory_space<semaphore_mem>>) src(%arg10 : memref<128x128xf32, #tpu.memory_space<vmem>>) dst(%dma_wait3A_124 : memref<10240x128xf32, #tpu.memory_space<vmem_shared>>)
        tpu.yield
      }) : () -> ()
      %add3A_103 = arith.constant 2 : i32
      %add3A_104 = arith.addi %add3A_93, %add3A_103 : i32
      %mul3A_105 = arith.constant 128 : i32
      %mul3A_106 = arith.muli %add3A_104, %mul3A_105 : i32
      %multiple_of3A_107 = tpu.assume_multiple %mul3A_106, 128 : i32
      %dma_start3A_108 = tpu.memref_slice %arg7[%multiple_of3A_107] : memref<5120xi32, #tpu.memory_space<vmem>> -> memref<128xi32, #tpu.memory_space<vmem>>
      %dma_start3A_109 = arith.constant 0 : i32
      %dma_start3A_110 = arith.constant 0 : i32
      %dma_start3A_111 = tpu.memref_slice %arg2[%dma_start3A_109, %dma_start3A_110] : memref<10240x128xf32, #tpu.memory_space<hbm>> -> memref<10240x128xf32, #tpu.memory_space<hbm>>
      tpu.enqueue_indirect_dma source(%dma_start3A_111 : memref<10240x128xf32, #tpu.memory_space<hbm>>) target(%arg10 : memref<128x128xf32, #tpu.memory_space<vmem>>) offsets(%dma_start3A_108 : memref<128xi32, #tpu.memory_space<vmem>>) semaphore(%arg13 : memref<!tpu.dma_semaphore, #tpu.memory_space<semaphore_mem>>)
    }
    %scan3A_17 = arith.constant 19 : i32
    %multiple_of3A_18 = arith.constant 4864 : i32
    %multiple_of3A_19 = tpu.assume_multiple %multiple_of3A_18, 128 : i32
    %dma_wait3A = tpu.memref_slice %arg7[%multiple_of3A_19] : memref<5120xi32, #tpu.memory_space<vmem>> -> memref<128xi32, #tpu.memory_space<vmem>>
    %dma_wait3A_20 = arith.constant 0 : i32
    %dma_wait3A_21 = arith.constant 0 : i32
    %dma_wait3A_22 = tpu.memref_slice %arg2[%dma_wait3A_20, %dma_wait3A_21] : memref<10240x128xf32, #tpu.memory_space<hbm>> -> memref<10240x128xf32, #tpu.memory_space<hbm>>
    tpu.wait_indirect_dma semaphore(%arg12 : memref<!tpu.dma_semaphore, #tpu.memory_space<semaphore_mem>>) src(%dma_wait3A_22 : memref<10240x128xf32, #tpu.memory_space<hbm>>) dst(%arg9 : memref<128x128xf32, #tpu.memory_space<vmem>>)
    %run_scoped3A = arith.constant 38 : i32
    "tpu.region"() ({
      %run_scoped3A_67 = tpu.sem_alloc : memref<!tpu.dma_semaphore, #tpu.memory_space<semaphore_mem>>
      %dma_start3A_68 = arith.constant 0 : i32
      %dma_start3A_69 = tpu.memref_slice %arg8[%run_scoped3A, %dma_start3A_68] : memref<80x128xi32, #tpu.memory_space<vmem>> -> memref<1x128xi32, #tpu.memory_space<vmem>>
      %dma_start3A_70 = tpu.memref_squeeze %dma_start3A_69 : memref<1x128xi32, #tpu.memory_space<vmem>> -> memref<128xi32, #tpu.memory_space<vmem>>
      %dma_start3A_71 = arith.constant 0 : i32
      %dma_start3A_72 = arith.constant 0 : i32
      %dma_start3A_73 = tpu.memref_slice %arg11[%dma_start3A_71, %dma_start3A_72] : memref<10240x128xf32, #tpu.memory_space<vmem_shared>> -> memref<10240x128xf32, #tpu.memory_space<vmem_shared>>
      tpu.enqueue_indirect_dma source(%arg9 : memref<128x128xf32, #tpu.memory_space<vmem>>) target(%dma_start3A_73 : memref<10240x128xf32, #tpu.memory_space<vmem_shared>>) offsets(%dma_start3A_70 : memref<128xi32, #tpu.memory_space<vmem>>) semaphore(%run_scoped3A_67 : memref<!tpu.dma_semaphore, #tpu.memory_space<semaphore_mem>>) {add = true}
      %dma_wait3A_74 = arith.constant 0 : i32
      %dma_wait3A_75 = tpu.memref_slice %arg8[%run_scoped3A, %dma_wait3A_74] : memref<80x128xi32, #tpu.memory_space<vmem>> -> memref<1x128xi32, #tpu.memory_space<vmem>>
      %dma_wait3A_76 = tpu.memref_squeeze %dma_wait3A_75 : memref<1x128xi32, #tpu.memory_space<vmem>> -> memref<128xi32, #tpu.memory_space<vmem>>
      %dma_wait3A_77 = arith.constant 0 : i32
      %dma_wait3A_78 = arith.constant 0 : i32
      %dma_wait3A_79 = tpu.memref_slice %arg11[%dma_wait3A_77, %dma_wait3A_78] : memref<10240x128xf32, #tpu.memory_space<vmem_shared>> -> memref<10240x128xf32, #tpu.memory_space<vmem_shared>>
      tpu.wait_indirect_dma semaphore(%run_scoped3A_67 : memref<!tpu.dma_semaphore, #tpu.memory_space<semaphore_mem>>) src(%arg9 : memref<128x128xf32, #tpu.memory_space<vmem>>) dst(%dma_wait3A_79 : memref<10240x128xf32, #tpu.memory_space<vmem_shared>>)
      tpu.yield
    }) : () -> ()
    %multiple_of3A_23 = arith.constant 4992 : i32
    %multiple_of3A_24 = tpu.assume_multiple %multiple_of3A_23, 128 : i32
    %dma_wait3A_25 = tpu.memref_slice %arg7[%multiple_of3A_24] : memref<5120xi32, #tpu.memory_space<vmem>> -> memref<128xi32, #tpu.memory_space<vmem>>
    %dma_wait3A_26 = arith.constant 0 : i32
    %dma_wait3A_27 = arith.constant 0 : i32
    %dma_wait3A_28 = tpu.memref_slice %arg2[%dma_wait3A_26, %dma_wait3A_27] : memref<10240x128xf32, #tpu.memory_space<hbm>> -> memref<10240x128xf32, #tpu.memory_space<hbm>>
    tpu.wait_indirect_dma semaphore(%arg13 : memref<!tpu.dma_semaphore, #tpu.memory_space<semaphore_mem>>) src(%dma_wait3A_28 : memref<10240x128xf32, #tpu.memory_space<hbm>>) dst(%arg10 : memref<128x128xf32, #tpu.memory_space<vmem>>)
    %run_scoped3A_29 = arith.constant 39 : i32
    "tpu.region"() ({
      %run_scoped3A_67 = tpu.sem_alloc : memref<!tpu.dma_semaphore, #tpu.memory_space<semaphore_mem>>
      %dma_start3A_68 = arith.constant 0 : i32
      %dma_start3A_69 = tpu.memref_slice %arg8[%run_scoped3A_29, %dma_start3A_68] : memref<80x128xi32, #tpu.memory_space<vmem>> -> memref<1x128xi32, #tpu.memory_space<vmem>>
      %dma_start3A_70 = tpu.memref_squeeze %dma_start3A_69 : memref<1x128xi32, #tpu.memory_space<vmem>> -> memref<128xi32, #tpu.memory_space<vmem>>
      %dma_start3A_71 = arith.constant 0 : i32
      %dma_start3A_72 = arith.constant 0 : i32
      %dma_start3A_73 = tpu.memref_slice %arg11[%dma_start3A_71, %dma_start3A_72] : memref<10240x128xf32, #tpu.memory_space<vmem_shared>> -> memref<10240x128xf32, #tpu.memory_space<vmem_shared>>
      tpu.enqueue_indirect_dma source(%arg10 : memref<128x128xf32, #tpu.memory_space<vmem>>) target(%dma_start3A_73 : memref<10240x128xf32, #tpu.memory_space<vmem_shared>>) offsets(%dma_start3A_70 : memref<128xi32, #tpu.memory_space<vmem>>) semaphore(%run_scoped3A_67 : memref<!tpu.dma_semaphore, #tpu.memory_space<semaphore_mem>>) {add = true}
      %dma_wait3A_74 = arith.constant 0 : i32
      %dma_wait3A_75 = tpu.memref_slice %arg8[%run_scoped3A_29, %dma_wait3A_74] : memref<80x128xi32, #tpu.memory_space<vmem>> -> memref<1x128xi32, #tpu.memory_space<vmem>>
      %dma_wait3A_76 = tpu.memref_squeeze %dma_wait3A_75 : memref<1x128xi32, #tpu.memory_space<vmem>> -> memref<128xi32, #tpu.memory_space<vmem>>
      %dma_wait3A_77 = arith.constant 0 : i32
      %dma_wait3A_78 = arith.constant 0 : i32
      %dma_wait3A_79 = tpu.memref_slice %arg11[%dma_wait3A_77, %dma_wait3A_78] : memref<10240x128xf32, #tpu.memory_space<vmem_shared>> -> memref<10240x128xf32, #tpu.memory_space<vmem_shared>>
      tpu.wait_indirect_dma semaphore(%run_scoped3A_67 : memref<!tpu.dma_semaphore, #tpu.memory_space<semaphore_mem>>) src(%arg10 : memref<128x128xf32, #tpu.memory_space<vmem>>) dst(%dma_wait3A_79 : memref<10240x128xf32, #tpu.memory_space<vmem_shared>>)
      tpu.yield
    }) : () -> ()
    "tpu.region"() ({
      %run_scoped3A_67 = tpu.sem_alloc : memref<!tpu.dma_semaphore, #tpu.memory_space<semaphore_mem>>
      %dma_start3A_68 = arith.constant 5120 : i32
      %dma_start3A_69 = tpu.memref_slice %arg3[%add3A, %dma_start3A_68] : memref<32x10240xi32, #tpu.memory_space<hbm>> -> memref<1x5120xi32, #tpu.memory_space<hbm>>
      %dma_start3A_70 = tpu.memref_squeeze %dma_start3A_69 : memref<1x5120xi32, #tpu.memory_space<hbm>> -> memref<5120xi32, #tpu.memory_space<hbm>>
      %dma_start3A_71 = arith.constant 5120 : i32
      %dma_start3A_72 = tpu.memref_slice %arg3[%add3A, %dma_start3A_71] : memref<32x10240xi32, #tpu.memory_space<hbm>> -> memref<1x5120xi32, #tpu.memory_space<hbm>>
      %dma_start3A_73 = tpu.memref_squeeze %dma_start3A_72 : memref<1x5120xi32, #tpu.memory_space<hbm>> -> memref<5120xi32, #tpu.memory_space<hbm>>
      tpu.enqueue_dma source(%dma_start3A_73 : memref<5120xi32, #tpu.memory_space<hbm>>) target(%arg7 : memref<5120xi32, #tpu.memory_space<vmem>>) target_semaphore(%run_scoped3A_67 : memref<!tpu.dma_semaphore, #tpu.memory_space<semaphore_mem>>)
      %dma_wait3A_74 = arith.constant 5120 : i32
      %dma_wait3A_75 = tpu.memref_slice %arg3[%add3A, %dma_wait3A_74] : memref<32x10240xi32, #tpu.memory_space<hbm>> -> memref<1x5120xi32, #tpu.memory_space<hbm>>
      %dma_wait3A_76 = tpu.memref_squeeze %dma_wait3A_75 : memref<1x5120xi32, #tpu.memory_space<hbm>> -> memref<5120xi32, #tpu.memory_space<hbm>>
      %dma_wait3A_77 = arith.constant 5120 : i32
      %dma_wait3A_78 = tpu.memref_slice %arg3[%add3A, %dma_wait3A_77] : memref<32x10240xi32, #tpu.memory_space<hbm>> -> memref<1x5120xi32, #tpu.memory_space<hbm>>
      %dma_wait3A_79 = tpu.memref_squeeze %dma_wait3A_78 : memref<1x5120xi32, #tpu.memory_space<hbm>> -> memref<5120xi32, #tpu.memory_space<hbm>>
      tpu.wait_dma2 semaphore(%run_scoped3A_67 : memref<!tpu.dma_semaphore, #tpu.memory_space<semaphore_mem>>) src(%dma_wait3A_79 : memref<5120xi32, #tpu.memory_space<hbm>>) dst(%arg7 : memref<5120xi32, #tpu.memory_space<vmem>>)
      tpu.yield
    }) : () -> ()
    %multiple_of3A_30 = arith.constant 0 : i32
    %multiple_of3A_31 = tpu.assume_multiple %multiple_of3A_30, 128 : i32
    %dma_start3A_32 = tpu.memref_slice %arg7[%multiple_of3A_31] : memref<5120xi32, #tpu.memory_space<vmem>> -> memref<128xi32, #tpu.memory_space<vmem>>
    %dma_start3A_33 = arith.constant 0 : i32
    %dma_start3A_34 = arith.constant 0 : i32
    %dma_start3A_35 = tpu.memref_slice %arg2[%dma_start3A_33, %dma_start3A_34] : memref<10240x128xf32, #tpu.memory_space<hbm>> -> memref<10240x128xf32, #tpu.memory_space<hbm>>
    tpu.enqueue_indirect_dma source(%dma_start3A_35 : memref<10240x128xf32, #tpu.memory_space<hbm>>) target(%arg9 : memref<128x128xf32, #tpu.memory_space<vmem>>) offsets(%dma_start3A_32 : memref<128xi32, #tpu.memory_space<vmem>>) semaphore(%arg12 : memref<!tpu.dma_semaphore, #tpu.memory_space<semaphore_mem>>)
    %multiple_of3A_36 = arith.constant 128 : i32
    %multiple_of3A_37 = tpu.assume_multiple %multiple_of3A_36, 128 : i32
    %dma_start3A_38 = tpu.memref_slice %arg7[%multiple_of3A_37] : memref<5120xi32, #tpu.memory_space<vmem>> -> memref<128xi32, #tpu.memory_space<vmem>>
    %dma_start3A_39 = arith.constant 0 : i32
    %dma_start3A_40 = arith.constant 0 : i32
    %dma_start3A_41 = tpu.memref_slice %arg2[%dma_start3A_39, %dma_start3A_40] : memref<10240x128xf32, #tpu.memory_space<hbm>> -> memref<10240x128xf32, #tpu.memory_space<hbm>>
    tpu.enqueue_indirect_dma source(%dma_start3A_41 : memref<10240x128xf32, #tpu.memory_space<hbm>>) target(%arg10 : memref<128x128xf32, #tpu.memory_space<vmem>>) offsets(%dma_start3A_38 : memref<128xi32, #tpu.memory_space<vmem>>) semaphore(%arg13 : memref<!tpu.dma_semaphore, #tpu.memory_space<semaphore_mem>>)
    %scan3A_42 = arith.constant 0 : i32
    %scan3A_43 = arith.constant 0 : i32
    %scan3A_44 = arith.constant 19 : i32
    %scan3A_45 = arith.addi %scan3A_43, %scan3A_44 : i32
    %scan3A_46 = arith.constant 1 : i32
    scf.for %scan3A_67 = %scan3A_43 to %scan3A_45 step %scan3A_46  : i32 {
      %mul3A_68 = arith.constant 2 : i32
      %mul3A_69 = arith.muli %scan3A_67, %mul3A_68 : i32
      %add3A_70 = arith.constant 0 : i32
      %add3A_71 = arith.addi %mul3A_69, %add3A_70 : i32
      %mul3A_72 = arith.constant 128 : i32
      %mul3A_73 = arith.muli %add3A_71, %mul3A_72 : i32
      %multiple_of3A_74 = tpu.assume_multiple %mul3A_73, 128 : i32
      %dma_wait3A_75 = tpu.memref_slice %arg7[%multiple_of3A_74] : memref<5120xi32, #tpu.memory_space<vmem>> -> memref<128xi32, #tpu.memory_space<vmem>>
      %dma_wait3A_76 = arith.constant 0 : i32
      %dma_wait3A_77 = arith.constant 0 : i32
      %dma_wait3A_78 = tpu.memref_slice %arg2[%dma_wait3A_76, %dma_wait3A_77] : memref<10240x128xf32, #tpu.memory_space<hbm>> -> memref<10240x128xf32, #tpu.memory_space<hbm>>
      tpu.wait_indirect_dma semaphore(%arg12 : memref<!tpu.dma_semaphore, #tpu.memory_space<semaphore_mem>>) src(%dma_wait3A_78 : memref<10240x128xf32, #tpu.memory_space<hbm>>) dst(%arg9 : memref<128x128xf32, #tpu.memory_space<vmem>>)
      %add3A_79 = arith.constant 40 : i32
      %add3A_80 = arith.addi %add3A_79, %add3A_71 : i32
      "tpu.region"() ({
        %run_scoped3A_112 = tpu.sem_alloc : memref<!tpu.dma_semaphore, #tpu.memory_space<semaphore_mem>>
        %dma_start3A_113 = arith.constant 0 : i32
        %dma_start3A_114 = tpu.memref_slice %arg8[%add3A_80, %dma_start3A_113] : memref<80x128xi32, #tpu.memory_space<vmem>> -> memref<1x128xi32, #tpu.memory_space<vmem>>
        %dma_start3A_115 = tpu.memref_squeeze %dma_start3A_114 : memref<1x128xi32, #tpu.memory_space<vmem>> -> memref<128xi32, #tpu.memory_space<vmem>>
        %dma_start3A_116 = arith.constant 0 : i32
        %dma_start3A_117 = arith.constant 0 : i32
        %dma_start3A_118 = tpu.memref_slice %arg11[%dma_start3A_116, %dma_start3A_117] : memref<10240x128xf32, #tpu.memory_space<vmem_shared>> -> memref<10240x128xf32, #tpu.memory_space<vmem_shared>>
        tpu.enqueue_indirect_dma source(%arg9 : memref<128x128xf32, #tpu.memory_space<vmem>>) target(%dma_start3A_118 : memref<10240x128xf32, #tpu.memory_space<vmem_shared>>) offsets(%dma_start3A_115 : memref<128xi32, #tpu.memory_space<vmem>>) semaphore(%run_scoped3A_112 : memref<!tpu.dma_semaphore, #tpu.memory_space<semaphore_mem>>) {add = true}
        %dma_wait3A_119 = arith.constant 0 : i32
        %dma_wait3A_120 = tpu.memref_slice %arg8[%add3A_80, %dma_wait3A_119] : memref<80x128xi32, #tpu.memory_space<vmem>> -> memref<1x128xi32, #tpu.memory_space<vmem>>
        %dma_wait3A_121 = tpu.memref_squeeze %dma_wait3A_120 : memref<1x128xi32, #tpu.memory_space<vmem>> -> memref<128xi32, #tpu.memory_space<vmem>>
        %dma_wait3A_122 = arith.constant 0 : i32
        %dma_wait3A_123 = arith.constant 0 : i32
        %dma_wait3A_124 = tpu.memref_slice %arg11[%dma_wait3A_122, %dma_wait3A_123] : memref<10240x128xf32, #tpu.memory_space<vmem_shared>> -> memref<10240x128xf32, #tpu.memory_space<vmem_shared>>
        tpu.wait_indirect_dma semaphore(%run_scoped3A_112 : memref<!tpu.dma_semaphore, #tpu.memory_space<semaphore_mem>>) src(%arg9 : memref<128x128xf32, #tpu.memory_space<vmem>>) dst(%dma_wait3A_124 : memref<10240x128xf32, #tpu.memory_space<vmem_shared>>)
        tpu.yield
      }) : () -> ()
      %add3A_81 = arith.constant 2 : i32
      %add3A_82 = arith.addi %add3A_71, %add3A_81 : i32
      %mul3A_83 = arith.constant 128 : i32
      %mul3A_84 = arith.muli %add3A_82, %mul3A_83 : i32
      %multiple_of3A_85 = tpu.assume_multiple %mul3A_84, 128 : i32
      %dma_start3A_86 = tpu.memref_slice %arg7[%multiple_of3A_85] : memref<5120xi32, #tpu.memory_space<vmem>> -> memref<128xi32, #tpu.memory_space<vmem>>
      %dma_start3A_87 = arith.constant 0 : i32
      %dma_start3A_88 = arith.constant 0 : i32
      %dma_start3A_89 = tpu.memref_slice %arg2[%dma_start3A_87, %dma_start3A_88] : memref<10240x128xf32, #tpu.memory_space<hbm>> -> memref<10240x128xf32, #tpu.memory_space<hbm>>
      tpu.enqueue_indirect_dma source(%dma_start3A_89 : memref<10240x128xf32, #tpu.memory_space<hbm>>) target(%arg9 : memref<128x128xf32, #tpu.memory_space<vmem>>) offsets(%dma_start3A_86 : memref<128xi32, #tpu.memory_space<vmem>>) semaphore(%arg12 : memref<!tpu.dma_semaphore, #tpu.memory_space<semaphore_mem>>)
      %mul3A_90 = arith.constant 2 : i32
      %mul3A_91 = arith.muli %scan3A_67, %mul3A_90 : i32
      %add3A_92 = arith.constant 1 : i32
      %add3A_93 = arith.addi %mul3A_91, %add3A_92 : i32
      %mul3A_94 = arith.constant 128 : i32
      %mul3A_95 = arith.muli %add3A_93, %mul3A_94 : i32
      %multiple_of3A_96 = tpu.assume_multiple %mul3A_95, 128 : i32
      %dma_wait3A_97 = tpu.memref_slice %arg7[%multiple_of3A_96] : memref<5120xi32, #tpu.memory_space<vmem>> -> memref<128xi32, #tpu.memory_space<vmem>>
      %dma_wait3A_98 = arith.constant 0 : i32
      %dma_wait3A_99 = arith.constant 0 : i32
      %dma_wait3A_100 = tpu.memref_slice %arg2[%dma_wait3A_98, %dma_wait3A_99] : memref<10240x128xf32, #tpu.memory_space<hbm>> -> memref<10240x128xf32, #tpu.memory_space<hbm>>
      tpu.wait_indirect_dma semaphore(%arg13 : memref<!tpu.dma_semaphore, #tpu.memory_space<semaphore_mem>>) src(%dma_wait3A_100 : memref<10240x128xf32, #tpu.memory_space<hbm>>) dst(%arg10 : memref<128x128xf32, #tpu.memory_space<vmem>>)
      %add3A_101 = arith.constant 40 : i32
      %add3A_102 = arith.addi %add3A_101, %add3A_93 : i32
      "tpu.region"() ({
        %run_scoped3A_112 = tpu.sem_alloc : memref<!tpu.dma_semaphore, #tpu.memory_space<semaphore_mem>>
        %dma_start3A_113 = arith.constant 0 : i32
        %dma_start3A_114 = tpu.memref_slice %arg8[%add3A_102, %dma_start3A_113] : memref<80x128xi32, #tpu.memory_space<vmem>> -> memref<1x128xi32, #tpu.memory_space<vmem>>
        %dma_start3A_115 = tpu.memref_squeeze %dma_start3A_114 : memref<1x128xi32, #tpu.memory_space<vmem>> -> memref<128xi32, #tpu.memory_space<vmem>>
        %dma_start3A_116 = arith.constant 0 : i32
        %dma_start3A_117 = arith.constant 0 : i32
        %dma_start3A_118 = tpu.memref_slice %arg11[%dma_start3A_116, %dma_start3A_117] : memref<10240x128xf32, #tpu.memory_space<vmem_shared>> -> memref<10240x128xf32, #tpu.memory_space<vmem_shared>>
        tpu.enqueue_indirect_dma source(%arg10 : memref<128x128xf32, #tpu.memory_space<vmem>>) target(%dma_start3A_118 : memref<10240x128xf32, #tpu.memory_space<vmem_shared>>) offsets(%dma_start3A_115 : memref<128xi32, #tpu.memory_space<vmem>>) semaphore(%run_scoped3A_112 : memref<!tpu.dma_semaphore, #tpu.memory_space<semaphore_mem>>) {add = true}
        %dma_wait3A_119 = arith.constant 0 : i32
        %dma_wait3A_120 = tpu.memref_slice %arg8[%add3A_102, %dma_wait3A_119] : memref<80x128xi32, #tpu.memory_space<vmem>> -> memref<1x128xi32, #tpu.memory_space<vmem>>
        %dma_wait3A_121 = tpu.memref_squeeze %dma_wait3A_120 : memref<1x128xi32, #tpu.memory_space<vmem>> -> memref<128xi32, #tpu.memory_space<vmem>>
        %dma_wait3A_122 = arith.constant 0 : i32
        %dma_wait3A_123 = arith.constant 0 : i32
        %dma_wait3A_124 = tpu.memref_slice %arg11[%dma_wait3A_122, %dma_wait3A_123] : memref<10240x128xf32, #tpu.memory_space<vmem_shared>> -> memref<10240x128xf32, #tpu.memory_space<vmem_shared>>
        tpu.wait_indirect_dma semaphore(%run_scoped3A_112 : memref<!tpu.dma_semaphore, #tpu.memory_space<semaphore_mem>>) src(%arg10 : memref<128x128xf32, #tpu.memory_space<vmem>>) dst(%dma_wait3A_124 : memref<10240x128xf32, #tpu.memory_space<vmem_shared>>)
        tpu.yield
      }) : () -> ()
      %add3A_103 = arith.constant 2 : i32
      %add3A_104 = arith.addi %add3A_93, %add3A_103 : i32
      %mul3A_105 = arith.constant 128 : i32
      %mul3A_106 = arith.muli %add3A_104, %mul3A_105 : i32
      %multiple_of3A_107 = tpu.assume_multiple %mul3A_106, 128 : i32
      %dma_start3A_108 = tpu.memref_slice %arg7[%multiple_of3A_107] : memref<5120xi32, #tpu.memory_space<vmem>> -> memref<128xi32, #tpu.memory_space<vmem>>
      %dma_start3A_109 = arith.constant 0 : i32
      %dma_start3A_110 = arith.constant 0 : i32
      %dma_start3A_111 = tpu.memref_slice %arg2[%dma_start3A_109, %dma_start3A_110] : memref<10240x128xf32, #tpu.memory_space<hbm>> -> memref<10240x128xf32, #tpu.memory_space<hbm>>
      tpu.enqueue_indirect_dma source(%dma_start3A_111 : memref<10240x128xf32, #tpu.memory_space<hbm>>) target(%arg10 : memref<128x128xf32, #tpu.memory_space<vmem>>) offsets(%dma_start3A_108 : memref<128xi32, #tpu.memory_space<vmem>>) semaphore(%arg13 : memref<!tpu.dma_semaphore, #tpu.memory_space<semaphore_mem>>)
    }
    %scan3A_47 = arith.constant 19 : i32
    %multiple_of3A_48 = arith.constant 4864 : i32
    %multiple_of3A_49 = tpu.assume_multiple %multiple_of3A_48, 128 : i32
    %dma_wait3A_50 = tpu.memref_slice %arg7[%multiple_of3A_49] : memref<5120xi32, #tpu.memory_space<vmem>> -> memref<128xi32, #tpu.memory_space<vmem>>
    %dma_wait3A_51 = arith.constant 0 : i32
    %dma_wait3A_52 = arith.constant 0 : i32
    %dma_wait3A_53 = tpu.memref_slice %arg2[%dma_wait3A_51, %dma_wait3A_52] : memref<10240x128xf32, #tpu.memory_space<hbm>> -> memref<10240x128xf32, #tpu.memory_space<hbm>>
    tpu.wait_indirect_dma semaphore(%arg12 : memref<!tpu.dma_semaphore, #tpu.memory_space<semaphore_mem>>) src(%dma_wait3A_53 : memref<10240x128xf32, #tpu.memory_space<hbm>>) dst(%arg9 : memref<128x128xf32, #tpu.memory_space<vmem>>)
    %run_scoped3A_54 = arith.constant 78 : i32
    "tpu.region"() ({
      %run_scoped3A_67 = tpu.sem_alloc : memref<!tpu.dma_semaphore, #tpu.memory_space<semaphore_mem>>
      %dma_start3A_68 = arith.constant 0 : i32
      %dma_start3A_69 = tpu.memref_slice %arg8[%run_scoped3A_54, %dma_start3A_68] : memref<80x128xi32, #tpu.memory_space<vmem>> -> memref<1x128xi32, #tpu.memory_space<vmem>>
      %dma_start3A_70 = tpu.memref_squeeze %dma_start3A_69 : memref<1x128xi32, #tpu.memory_space<vmem>> -> memref<128xi32, #tpu.memory_space<vmem>>
      %dma_start3A_71 = arith.constant 0 : i32
      %dma_start3A_72 = arith.constant 0 : i32
      %dma_start3A_73 = tpu.memref_slice %arg11[%dma_start3A_71, %dma_start3A_72] : memref<10240x128xf32, #tpu.memory_space<vmem_shared>> -> memref<10240x128xf32, #tpu.memory_space<vmem_shared>>
      tpu.enqueue_indirect_dma source(%arg9 : memref<128x128xf32, #tpu.memory_space<vmem>>) target(%dma_start3A_73 : memref<10240x128xf32, #tpu.memory_space<vmem_shared>>) offsets(%dma_start3A_70 : memref<128xi32, #tpu.memory_space<vmem>>) semaphore(%run_scoped3A_67 : memref<!tpu.dma_semaphore, #tpu.memory_space<semaphore_mem>>) {add = true}
      %dma_wait3A_74 = arith.constant 0 : i32
      %dma_wait3A_75 = tpu.memref_slice %arg8[%run_scoped3A_54, %dma_wait3A_74] : memref<80x128xi32, #tpu.memory_space<vmem>> -> memref<1x128xi32, #tpu.memory_space<vmem>>
      %dma_wait3A_76 = tpu.memref_squeeze %dma_wait3A_75 : memref<1x128xi32, #tpu.memory_space<vmem>> -> memref<128xi32, #tpu.memory_space<vmem>>
      %dma_wait3A_77 = arith.constant 0 : i32
      %dma_wait3A_78 = arith.constant 0 : i32
      %dma_wait3A_79 = tpu.memref_slice %arg11[%dma_wait3A_77, %dma_wait3A_78] : memref<10240x128xf32, #tpu.memory_space<vmem_shared>> -> memref<10240x128xf32, #tpu.memory_space<vmem_shared>>
      tpu.wait_indirect_dma semaphore(%run_scoped3A_67 : memref<!tpu.dma_semaphore, #tpu.memory_space<semaphore_mem>>) src(%arg9 : memref<128x128xf32, #tpu.memory_space<vmem>>) dst(%dma_wait3A_79 : memref<10240x128xf32, #tpu.memory_space<vmem_shared>>)
      tpu.yield
    }) : () -> ()
    %multiple_of3A_55 = arith.constant 4992 : i32
    %multiple_of3A_56 = tpu.assume_multiple %multiple_of3A_55, 128 : i32
    %dma_wait3A_57 = tpu.memref_slice %arg7[%multiple_of3A_56] : memref<5120xi32, #tpu.memory_space<vmem>> -> memref<128xi32, #tpu.memory_space<vmem>>
    %dma_wait3A_58 = arith.constant 0 : i32
    %dma_wait3A_59 = arith.constant 0 : i32
    %dma_wait3A_60 = tpu.memref_slice %arg2[%dma_wait3A_58, %dma_wait3A_59] : memref<10240x128xf32, #tpu.memory_space<hbm>> -> memref<10240x128xf32, #tpu.memory_space<hbm>>
    tpu.wait_indirect_dma semaphore(%arg13 : memref<!tpu.dma_semaphore, #tpu.memory_space<semaphore_mem>>) src(%dma_wait3A_60 : memref<10240x128xf32, #tpu.memory_space<hbm>>) dst(%arg10 : memref<128x128xf32, #tpu.memory_space<vmem>>)
    %run_scoped3A_61 = arith.constant 79 : i32
    "tpu.region"() ({
      %run_scoped3A_67 = tpu.sem_alloc : memref<!tpu.dma_semaphore, #tpu.memory_space<semaphore_mem>>
      %dma_start3A_68 = arith.constant 0 : i32
      %dma_start3A_69 = tpu.memref_slice %arg8[%run_scoped3A_61, %dma_start3A_68] : memref<80x128xi32, #tpu.memory_space<vmem>> -> memref<1x128xi32, #tpu.memory_space<vmem>>
      %dma_start3A_70 = tpu.memref_squeeze %dma_start3A_69 : memref<1x128xi32, #tpu.memory_space<vmem>> -> memref<128xi32, #tpu.memory_space<vmem>>
      %dma_start3A_71 = arith.constant 0 : i32
      %dma_start3A_72 = arith.constant 0 : i32
      %dma_start3A_73 = tpu.memref_slice %arg11[%dma_start3A_71, %dma_start3A_72] : memref<10240x128xf32, #tpu.memory_space<vmem_shared>> -> memref<10240x128xf32, #tpu.memory_space<vmem_shared>>
      tpu.enqueue_indirect_dma source(%arg10 : memref<128x128xf32, #tpu.memory_space<vmem>>) target(%dma_start3A_73 : memref<10240x128xf32, #tpu.memory_space<vmem_shared>>) offsets(%dma_start3A_70 : memref<128xi32, #tpu.memory_space<vmem>>) semaphore(%run_scoped3A_67 : memref<!tpu.dma_semaphore, #tpu.memory_space<semaphore_mem>>) {add = true}
      %dma_wait3A_74 = arith.constant 0 : i32
      %dma_wait3A_75 = tpu.memref_slice %arg8[%run_scoped3A_61, %dma_wait3A_74] : memref<80x128xi32, #tpu.memory_space<vmem>> -> memref<1x128xi32, #tpu.memory_space<vmem>>
      %dma_wait3A_76 = tpu.memref_squeeze %dma_wait3A_75 : memref<1x128xi32, #tpu.memory_space<vmem>> -> memref<128xi32, #tpu.memory_space<vmem>>
      %dma_wait3A_77 = arith.constant 0 : i32
      %dma_wait3A_78 = arith.constant 0 : i32
      %dma_wait3A_79 = tpu.memref_slice %arg11[%dma_wait3A_77, %dma_wait3A_78] : memref<10240x128xf32, #tpu.memory_space<vmem_shared>> -> memref<10240x128xf32, #tpu.memory_space<vmem_shared>>
      tpu.wait_indirect_dma semaphore(%run_scoped3A_67 : memref<!tpu.dma_semaphore, #tpu.memory_space<semaphore_mem>>) src(%arg10 : memref<128x128xf32, #tpu.memory_space<vmem>>) dst(%dma_wait3A_79 : memref<10240x128xf32, #tpu.memory_space<vmem_shared>>)
      tpu.yield
    }) : () -> ()
    %barrier3A_62 = arith.constant 0 : index
    tpu.barrier barrier_id(%barrier3A_62)
    %mul3A_63 = arith.constant 640 : i32
    %mul3A_64 = arith.muli %arg1, %mul3A_63 : i32
    %mul3A_65 = arith.constant 640 : i32
    %mul3A_66 = arith.muli %arg1, %mul3A_65 : i32
    "tpu.region"() ({
      %run_scoped3A_67 = tpu.sem_alloc : memref<!tpu.dma_semaphore, #tpu.memory_space<semaphore_mem>>
      %dma_start3A_68 = arith.constant 0 : i32
      %dma_start3A_69 = tpu.memref_slice %arg6[%arg0, %mul3A_66, %dma_start3A_68] : memref<2x10240x128xf32, #tpu.memory_space<hbm>> -> memref<1x640x128xf32, #tpu.memory_space<hbm>>
      %dma_start3A_70 = tpu.memref_squeeze %dma_start3A_69 : memref<1x640x128xf32, #tpu.memory_space<hbm>> -> memref<640x128xf32, #tpu.memory_space<hbm>>
      %dma_start3A_71 = arith.constant 0 : i32
      %dma_start3A_72 = tpu.memref_slice %arg11[%mul3A_64, %dma_start3A_71] : memref<10240x128xf32, #tpu.memory_space<vmem_shared>> -> memref<640x128xf32, #tpu.memory_space<vmem_shared>>
      tpu.enqueue_dma source(%dma_start3A_72 : memref<640x128xf32, #tpu.memory_space<vmem_shared>>) target(%dma_start3A_70 : memref<640x128xf32, #tpu.memory_space<hbm>>) target_semaphore(%run_scoped3A_67 : memref<!tpu.dma_semaphore, #tpu.memory_space<semaphore_mem>>)
      %dma_wait3A_73 = arith.constant 0 : i32
      %dma_wait3A_74 = tpu.memref_slice %arg6[%arg0, %mul3A_66, %dma_wait3A_73] : memref<2x10240x128xf32, #tpu.memory_space<hbm>> -> memref<1x640x128xf32, #tpu.memory_space<hbm>>
      %dma_wait3A_75 = tpu.memref_squeeze %dma_wait3A_74 : memref<1x640x128xf32, #tpu.memory_space<hbm>> -> memref<640x128xf32, #tpu.memory_space<hbm>>
      %dma_wait3A_76 = arith.constant 0 : i32
      %dma_wait3A_77 = tpu.memref_slice %arg11[%mul3A_64, %dma_wait3A_76] : memref<10240x128xf32, #tpu.memory_space<vmem_shared>> -> memref<640x128xf32, #tpu.memory_space<vmem_shared>>
      tpu.wait_dma2 semaphore(%run_scoped3A_67 : memref<!tpu.dma_semaphore, #tpu.memory_space<semaphore_mem>>) src(%dma_wait3A_77 : memref<640x128xf32, #tpu.memory_space<vmem_shared>>) dst(%dma_wait3A_75 : memref<640x128xf32, #tpu.memory_space<hbm>>)
      tpu.yield
    }) : () -> ()
    return
  }
}

#map = affine_map<(d0, d1) -> (0, 0, 0)>
#map1 = affine_map<(d0, d1) -> (0, 0, 0, 0)>
module attributes {stable_mosaic.version = 14 : i64} {
  func.func @_deg_body(%arg0: i32, %arg1: i32, %arg2: memref<32x80x128xi32, #tpu.memory_space<hbm>>, %arg3: memref<32x80x128xi32, #tpu.memory_space<hbm>>, %arg4: memref<2x2x10240x128xf32, #tpu.memory_space<hbm>>, %arg5: memref<80x128xi32, #tpu.memory_space<vmem>>, %arg6: memref<80x128xi32, #tpu.memory_space<vmem>>, %arg7: memref<128x128xf32, #tpu.memory_space<vmem>>, %arg8: memref<10240x128xf32, #tpu.memory_space<vmem_shared>>, %arg9: memref<!tpu.dma_semaphore, #tpu.memory_space<semaphore_mem>>) attributes {dimension_semantics = [#tpu.dimension_semantics<core_parallel>, #tpu.dimension_semantics<subcore_parallel>], iteration_bounds = array<i64: 2, 16>, scalar_prefetch = 0 : i64, scratch_operands = 5 : i64, tpu.core_type = #tpu.core_type<sc_vector_subcore>, window_params = [{transform_indices = #map}, {transform_indices = #map}, {transform_indices = #map1}]} {
    %mul3A = arith.constant 2 : i32
    %mul3A_0 = arith.muli %arg1, %mul3A : i32
    %add3A = arith.addi %mul3A_0, %arg0 : i32
    "tpu.region"() ({
      %run_scoped3A_69 = tpu.sem_alloc : memref<!tpu.dma_semaphore, #tpu.memory_space<semaphore_mem>>
      %dma_start3A = arith.constant 0 : i32
      %dma_start3A_70 = arith.constant 0 : i32
      %dma_start3A_71 = tpu.memref_slice %arg2[%add3A, %dma_start3A, %dma_start3A_70] : memref<32x80x128xi32, #tpu.memory_space<hbm>> -> memref<1x80x128xi32, #tpu.memory_space<hbm>>
      %dma_start3A_72 = tpu.memref_squeeze %dma_start3A_71 : memref<1x80x128xi32, #tpu.memory_space<hbm>> -> memref<80x128xi32, #tpu.memory_space<hbm>>
      %dma_start3A_73 = arith.constant 0 : i32
      %dma_start3A_74 = arith.constant 0 : i32
      %dma_start3A_75 = tpu.memref_slice %arg2[%add3A, %dma_start3A_73, %dma_start3A_74] : memref<32x80x128xi32, #tpu.memory_space<hbm>> -> memref<1x80x128xi32, #tpu.memory_space<hbm>>
      %dma_start3A_76 = tpu.memref_squeeze %dma_start3A_75 : memref<1x80x128xi32, #tpu.memory_space<hbm>> -> memref<80x128xi32, #tpu.memory_space<hbm>>
      tpu.enqueue_dma source(%dma_start3A_76 : memref<80x128xi32, #tpu.memory_space<hbm>>) target(%arg5 : memref<80x128xi32, #tpu.memory_space<vmem>>) target_semaphore(%run_scoped3A_69 : memref<!tpu.dma_semaphore, #tpu.memory_space<semaphore_mem>>)
      %dma_wait3A = arith.constant 0 : i32
      %dma_wait3A_77 = arith.constant 0 : i32
      %dma_wait3A_78 = tpu.memref_slice %arg2[%add3A, %dma_wait3A, %dma_wait3A_77] : memref<32x80x128xi32, #tpu.memory_space<hbm>> -> memref<1x80x128xi32, #tpu.memory_space<hbm>>
      %dma_wait3A_79 = tpu.memref_squeeze %dma_wait3A_78 : memref<1x80x128xi32, #tpu.memory_space<hbm>> -> memref<80x128xi32, #tpu.memory_space<hbm>>
      %dma_wait3A_80 = arith.constant 0 : i32
      %dma_wait3A_81 = arith.constant 0 : i32
      %dma_wait3A_82 = tpu.memref_slice %arg2[%add3A, %dma_wait3A_80, %dma_wait3A_81] : memref<32x80x128xi32, #tpu.memory_space<hbm>> -> memref<1x80x128xi32, #tpu.memory_space<hbm>>
      %dma_wait3A_83 = tpu.memref_squeeze %dma_wait3A_82 : memref<1x80x128xi32, #tpu.memory_space<hbm>> -> memref<80x128xi32, #tpu.memory_space<hbm>>
      tpu.wait_dma2 semaphore(%run_scoped3A_69 : memref<!tpu.dma_semaphore, #tpu.memory_space<semaphore_mem>>) src(%dma_wait3A_83 : memref<80x128xi32, #tpu.memory_space<hbm>>) dst(%arg5 : memref<80x128xi32, #tpu.memory_space<vmem>>)
      tpu.yield
    }) : () -> ()
    "tpu.region"() ({
      %run_scoped3A_69 = tpu.sem_alloc : memref<!tpu.dma_semaphore, #tpu.memory_space<semaphore_mem>>
      %dma_start3A = arith.constant 0 : i32
      %dma_start3A_70 = arith.constant 0 : i32
      %dma_start3A_71 = tpu.memref_slice %arg3[%add3A, %dma_start3A, %dma_start3A_70] : memref<32x80x128xi32, #tpu.memory_space<hbm>> -> memref<1x80x128xi32, #tpu.memory_space<hbm>>
      %dma_start3A_72 = tpu.memref_squeeze %dma_start3A_71 : memref<1x80x128xi32, #tpu.memory_space<hbm>> -> memref<80x128xi32, #tpu.memory_space<hbm>>
      %dma_start3A_73 = arith.constant 0 : i32
      %dma_start3A_74 = arith.constant 0 : i32
      %dma_start3A_75 = tpu.memref_slice %arg3[%add3A, %dma_start3A_73, %dma_start3A_74] : memref<32x80x128xi32, #tpu.memory_space<hbm>> -> memref<1x80x128xi32, #tpu.memory_space<hbm>>
      %dma_start3A_76 = tpu.memref_squeeze %dma_start3A_75 : memref<1x80x128xi32, #tpu.memory_space<hbm>> -> memref<80x128xi32, #tpu.memory_space<hbm>>
      tpu.enqueue_dma source(%dma_start3A_76 : memref<80x128xi32, #tpu.memory_space<hbm>>) target(%arg6 : memref<80x128xi32, #tpu.memory_space<vmem>>) target_semaphore(%run_scoped3A_69 : memref<!tpu.dma_semaphore, #tpu.memory_space<semaphore_mem>>)
      %dma_wait3A = arith.constant 0 : i32
      %dma_wait3A_77 = arith.constant 0 : i32
      %dma_wait3A_78 = tpu.memref_slice %arg3[%add3A, %dma_wait3A, %dma_wait3A_77] : memref<32x80x128xi32, #tpu.memory_space<hbm>> -> memref<1x80x128xi32, #tpu.memory_space<hbm>>
      %dma_wait3A_79 = tpu.memref_squeeze %dma_wait3A_78 : memref<1x80x128xi32, #tpu.memory_space<hbm>> -> memref<80x128xi32, #tpu.memory_space<hbm>>
      %dma_wait3A_80 = arith.constant 0 : i32
      %dma_wait3A_81 = arith.constant 0 : i32
      %dma_wait3A_82 = tpu.memref_slice %arg3[%add3A, %dma_wait3A_80, %dma_wait3A_81] : memref<32x80x128xi32, #tpu.memory_space<hbm>> -> memref<1x80x128xi32, #tpu.memory_space<hbm>>
      %dma_wait3A_83 = tpu.memref_squeeze %dma_wait3A_82 : memref<1x80x128xi32, #tpu.memory_space<hbm>> -> memref<80x128xi32, #tpu.memory_space<hbm>>
      tpu.wait_dma2 semaphore(%run_scoped3A_69 : memref<!tpu.dma_semaphore, #tpu.memory_space<semaphore_mem>>) src(%dma_wait3A_83 : memref<80x128xi32, #tpu.memory_space<hbm>>) dst(%arg6 : memref<80x128xi32, #tpu.memory_space<vmem>>)
      tpu.yield
    }) : () -> ()
    %broadcast_in_dim3A = arith.constant 0.000000e+00 : f32
    %broadcast_in_dim3A_1 = vector.broadcast %broadcast_in_dim3A : f32 to vector<16xf32>
    %scan3A = arith.constant 0 : i32
    %scan3A_2 = arith.constant 0 : i32
    %scan3A_3 = arith.constant 128 : i32
    %scan3A_4 = arith.addi %scan3A_2, %scan3A_3 : i32
    %scan3A_5 = arith.constant 1 : i32
    scf.for %scan3A_69 = %scan3A_2 to %scan3A_4 step %scan3A_5  : i32 {
      %swap3A = arith.index_cast %scan3A_69 : i32 to index
      %swap3A_70 = arith.constant 0 : index
      %swap3A_71 = tpu.vector_load %arg7[%swap3A, %swap3A_70] {strides = array<i32>} : memref<128x128xf32, #tpu.memory_space<vmem>>, vector<1x16xf32>,
      %swap3A_72 = vector.shape_cast %swap3A_71 : vector<1x16xf32> to vector<16xf32>
      %swap3A_73 = vector.shape_cast %broadcast_in_dim3A_1 : vector<16xf32> to vector<1x16xf32>
      tpu.vector_store %arg7[%swap3A, %swap3A_70], %swap3A_73 {strides = array<i32>} : memref<128x128xf32, #tpu.memory_space<vmem>>, vector<1x16xf32>,
      %swap3A_74 = arith.index_cast %scan3A_69 : i32 to index
      %swap3A_75 = arith.constant 16 : index
      %swap3A_76 = tpu.vector_load %arg7[%swap3A_74, %swap3A_75] {strides = array<i32>} : memref<128x128xf32, #tpu.memory_space<vmem>>, vector<1x16xf32>,
      %swap3A_77 = vector.shape_cast %swap3A_76 : vector<1x16xf32> to vector<16xf32>
      %swap3A_78 = vector.shape_cast %broadcast_in_dim3A_1 : vector<16xf32> to vector<1x16xf32>
      tpu.vector_store %arg7[%swap3A_74, %swap3A_75], %swap3A_78 {strides = array<i32>} : memref<128x128xf32, #tpu.memory_space<vmem>>, vector<1x16xf32>,
      %swap3A_79 = arith.index_cast %scan3A_69 : i32 to index
      %swap3A_80 = arith.constant 32 : index
      %swap3A_81 = tpu.vector_load %arg7[%swap3A_79, %swap3A_80] {strides = array<i32>} : memref<128x128xf32, #tpu.memory_space<vmem>>, vector<1x16xf32>,
      %swap3A_82 = vector.shape_cast %swap3A_81 : vector<1x16xf32> to vector<16xf32>
      %swap3A_83 = vector.shape_cast %broadcast_in_dim3A_1 : vector<16xf32> to vector<1x16xf32>
      tpu.vector_store %arg7[%swap3A_79, %swap3A_80], %swap3A_83 {strides = array<i32>} : memref<128x128xf32, #tpu.memory_space<vmem>>, vector<1x16xf32>,
      %swap3A_84 = arith.index_cast %scan3A_69 : i32 to index
      %swap3A_85 = arith.constant 48 : index
      %swap3A_86 = tpu.vector_load %arg7[%swap3A_84, %swap3A_85] {strides = array<i32>} : memref<128x128xf32, #tpu.memory_space<vmem>>, vector<1x16xf32>,
      %swap3A_87 = vector.shape_cast %swap3A_86 : vector<1x16xf32> to vector<16xf32>
      %swap3A_88 = vector.shape_cast %broadcast_in_dim3A_1 : vector<16xf32> to vector<1x16xf32>
      tpu.vector_store %arg7[%swap3A_84, %swap3A_85], %swap3A_88 {strides = array<i32>} : memref<128x128xf32, #tpu.memory_space<vmem>>, vector<1x16xf32>,
      %swap3A_89 = arith.index_cast %scan3A_69 : i32 to index
      %swap3A_90 = arith.constant 64 : index
      %swap3A_91 = tpu.vector_load %arg7[%swap3A_89, %swap3A_90] {strides = array<i32>} : memref<128x128xf32, #tpu.memory_space<vmem>>, vector<1x16xf32>,
      %swap3A_92 = vector.shape_cast %swap3A_91 : vector<1x16xf32> to vector<16xf32>
      %swap3A_93 = vector.shape_cast %broadcast_in_dim3A_1 : vector<16xf32> to vector<1x16xf32>
      tpu.vector_store %arg7[%swap3A_89, %swap3A_90], %swap3A_93 {strides = array<i32>} : memref<128x128xf32, #tpu.memory_space<vmem>>, vector<1x16xf32>,
      %swap3A_94 = arith.index_cast %scan3A_69 : i32 to index
      %swap3A_95 = arith.constant 80 : index
      %swap3A_96 = tpu.vector_load %arg7[%swap3A_94, %swap3A_95] {strides = array<i32>} : memref<128x128xf32, #tpu.memory_space<vmem>>, vector<1x16xf32>,
      %swap3A_97 = vector.shape_cast %swap3A_96 : vector<1x16xf32> to vector<16xf32>
      %swap3A_98 = vector.shape_cast %broadcast_in_dim3A_1 : vector<16xf32> to vector<1x16xf32>
      tpu.vector_store %arg7[%swap3A_94, %swap3A_95], %swap3A_98 {strides = array<i32>} : memref<128x128xf32, #tpu.memory_space<vmem>>, vector<1x16xf32>,
      %swap3A_99 = arith.index_cast %scan3A_69 : i32 to index
      %swap3A_100 = arith.constant 96 : index
      %swap3A_101 = tpu.vector_load %arg7[%swap3A_99, %swap3A_100] {strides = array<i32>} : memref<128x128xf32, #tpu.memory_space<vmem>>, vector<1x16xf32>,
      %swap3A_102 = vector.shape_cast %swap3A_101 : vector<1x16xf32> to vector<16xf32>
      %swap3A_103 = vector.shape_cast %broadcast_in_dim3A_1 : vector<16xf32> to vector<1x16xf32>
      tpu.vector_store %arg7[%swap3A_99, %swap3A_100], %swap3A_103 {strides = array<i32>} : memref<128x128xf32, #tpu.memory_space<vmem>>, vector<1x16xf32>,
      %swap3A_104 = arith.index_cast %scan3A_69 : i32 to index
      %swap3A_105 = arith.constant 112 : index
      %swap3A_106 = tpu.vector_load %arg7[%swap3A_104, %swap3A_105] {strides = array<i32>} : memref<128x128xf32, #tpu.memory_space<vmem>>, vector<1x16xf32>,
      %swap3A_107 = vector.shape_cast %swap3A_106 : vector<1x16xf32> to vector<16xf32>
      %swap3A_108 = vector.shape_cast %broadcast_in_dim3A_1 : vector<16xf32> to vector<1x16xf32>
      tpu.vector_store %arg7[%swap3A_104, %swap3A_105], %swap3A_108 {strides = array<i32>} : memref<128x128xf32, #tpu.memory_space<vmem>>, vector<1x16xf32>,
    }
    %scan3A_6 = arith.constant 128 : i32
    %scan3A_7 = arith.constant 0 : i32
    %scan3A_8 = arith.constant 0 : i32
    %scan3A_9 = arith.constant 5 : i32
    %scan3A_10 = arith.addi %scan3A_8, %scan3A_9 : i32
    %scan3A_11 = arith.constant 1 : i32
    scf.for %scan3A_69 = %scan3A_8 to %scan3A_10 step %scan3A_11  : i32 {
      %mul3A_70 = arith.constant 640 : i32
      %mul3A_71 = arith.muli %arg1, %mul3A_70 : i32
      %mul3A_72 = arith.constant 128 : i32
      %mul3A_73 = arith.muli %scan3A_69, %mul3A_72 : i32
      %add3A_74 = arith.addi %mul3A_71, %mul3A_73 : i32
      "tpu.region"() ({
        %run_scoped3A_75 = tpu.sem_alloc : memref<!tpu.dma_semaphore, #tpu.memory_space<semaphore_mem>>
        %dma_start3A = arith.constant 0 : i32
        %dma_start3A_76 = tpu.memref_slice %arg8[%add3A_74, %dma_start3A] : memref<10240x128xf32, #tpu.memory_space<vmem_shared>> -> memref<128x128xf32, #tpu.memory_space<vmem_shared>>
        %dma_start3A_77 = arith.constant 0 : i32
        %dma_start3A_78 = tpu.memref_slice %arg8[%add3A_74, %dma_start3A_77] : memref<10240x128xf32, #tpu.memory_space<vmem_shared>> -> memref<128x128xf32, #tpu.memory_space<vmem_shared>>
        tpu.enqueue_dma source(%arg7 : memref<128x128xf32, #tpu.memory_space<vmem>>) target(%dma_start3A_78 : memref<128x128xf32, #tpu.memory_space<vmem_shared>>) target_semaphore(%run_scoped3A_75 : memref<!tpu.dma_semaphore, #tpu.memory_space<semaphore_mem>>)
        %dma_wait3A = arith.constant 0 : i32
        %dma_wait3A_79 = tpu.memref_slice %arg8[%add3A_74, %dma_wait3A] : memref<10240x128xf32, #tpu.memory_space<vmem_shared>> -> memref<128x128xf32, #tpu.memory_space<vmem_shared>>
        %dma_wait3A_80 = arith.constant 0 : i32
        %dma_wait3A_81 = tpu.memref_slice %arg8[%add3A_74, %dma_wait3A_80] : memref<10240x128xf32, #tpu.memory_space<vmem_shared>> -> memref<128x128xf32, #tpu.memory_space<vmem_shared>>
        tpu.wait_dma2 semaphore(%run_scoped3A_75 : memref<!tpu.dma_semaphore, #tpu.memory_space<semaphore_mem>>) src(%arg7 : memref<128x128xf32, #tpu.memory_space<vmem>>) dst(%dma_wait3A_81 : memref<128x128xf32, #tpu.memory_space<vmem_shared>>)
        tpu.yield
      }) : () -> ()
    }
    %scan3A_12 = arith.constant 5 : i32
    %broadcast_in_dim3A_13 = arith.constant 1.000000e+00 : f32
    %broadcast_in_dim3A_14 = vector.broadcast %broadcast_in_dim3A_13 : f32 to vector<16xf32>
    %scan3A_15 = arith.constant 0 : i32
    %scan3A_16 = arith.constant 0 : i32
    %scan3A_17 = arith.constant 128 : i32
    %scan3A_18 = arith.addi %scan3A_16, %scan3A_17 : i32
    %scan3A_19 = arith.constant 1 : i32
    scf.for %scan3A_69 = %scan3A_16 to %scan3A_18 step %scan3A_19  : i32 {
      %swap3A = arith.index_cast %scan3A_69 : i32 to index
      %swap3A_70 = arith.constant 0 : index
      %swap3A_71 = tpu.vector_load %arg7[%swap3A, %swap3A_70] {strides = array<i32>} : memref<128x128xf32, #tpu.memory_space<vmem>>, vector<1x16xf32>,
      %swap3A_72 = vector.shape_cast %swap3A_71 : vector<1x16xf32> to vector<16xf32>
      %swap3A_73 = vector.shape_cast %broadcast_in_dim3A_14 : vector<16xf32> to vector<1x16xf32>
      tpu.vector_store %arg7[%swap3A, %swap3A_70], %swap3A_73 {strides = array<i32>} : memref<128x128xf32, #tpu.memory_space<vmem>>, vector<1x16xf32>,
      %swap3A_74 = arith.index_cast %scan3A_69 : i32 to index
      %swap3A_75 = arith.constant 16 : index
      %swap3A_76 = tpu.vector_load %arg7[%swap3A_74, %swap3A_75] {strides = array<i32>} : memref<128x128xf32, #tpu.memory_space<vmem>>, vector<1x16xf32>,
      %swap3A_77 = vector.shape_cast %swap3A_76 : vector<1x16xf32> to vector<16xf32>
      %swap3A_78 = vector.shape_cast %broadcast_in_dim3A_14 : vector<16xf32> to vector<1x16xf32>
      tpu.vector_store %arg7[%swap3A_74, %swap3A_75], %swap3A_78 {strides = array<i32>} : memref<128x128xf32, #tpu.memory_space<vmem>>, vector<1x16xf32>,
      %swap3A_79 = arith.index_cast %scan3A_69 : i32 to index
      %swap3A_80 = arith.constant 32 : index
      %swap3A_81 = tpu.vector_load %arg7[%swap3A_79, %swap3A_80] {strides = array<i32>} : memref<128x128xf32, #tpu.memory_space<vmem>>, vector<1x16xf32>,
      %swap3A_82 = vector.shape_cast %swap3A_81 : vector<1x16xf32> to vector<16xf32>
      %swap3A_83 = vector.shape_cast %broadcast_in_dim3A_14 : vector<16xf32> to vector<1x16xf32>
      tpu.vector_store %arg7[%swap3A_79, %swap3A_80], %swap3A_83 {strides = array<i32>} : memref<128x128xf32, #tpu.memory_space<vmem>>, vector<1x16xf32>,
      %swap3A_84 = arith.index_cast %scan3A_69 : i32 to index
      %swap3A_85 = arith.constant 48 : index
      %swap3A_86 = tpu.vector_load %arg7[%swap3A_84, %swap3A_85] {strides = array<i32>} : memref<128x128xf32, #tpu.memory_space<vmem>>, vector<1x16xf32>,
      %swap3A_87 = vector.shape_cast %swap3A_86 : vector<1x16xf32> to vector<16xf32>
      %swap3A_88 = vector.shape_cast %broadcast_in_dim3A_14 : vector<16xf32> to vector<1x16xf32>
      tpu.vector_store %arg7[%swap3A_84, %swap3A_85], %swap3A_88 {strides = array<i32>} : memref<128x128xf32, #tpu.memory_space<vmem>>, vector<1x16xf32>,
      %swap3A_89 = arith.index_cast %scan3A_69 : i32 to index
      %swap3A_90 = arith.constant 64 : index
      %swap3A_91 = tpu.vector_load %arg7[%swap3A_89, %swap3A_90] {strides = array<i32>} : memref<128x128xf32, #tpu.memory_space<vmem>>, vector<1x16xf32>,
      %swap3A_92 = vector.shape_cast %swap3A_91 : vector<1x16xf32> to vector<16xf32>
      %swap3A_93 = vector.shape_cast %broadcast_in_dim3A_14 : vector<16xf32> to vector<1x16xf32>
      tpu.vector_store %arg7[%swap3A_89, %swap3A_90], %swap3A_93 {strides = array<i32>} : memref<128x128xf32, #tpu.memory_space<vmem>>, vector<1x16xf32>,
      %swap3A_94 = arith.index_cast %scan3A_69 : i32 to index
      %swap3A_95 = arith.constant 80 : index
      %swap3A_96 = tpu.vector_load %arg7[%swap3A_94, %swap3A_95] {strides = array<i32>} : memref<128x128xf32, #tpu.memory_space<vmem>>, vector<1x16xf32>,
      %swap3A_97 = vector.shape_cast %swap3A_96 : vector<1x16xf32> to vector<16xf32>
      %swap3A_98 = vector.shape_cast %broadcast_in_dim3A_14 : vector<16xf32> to vector<1x16xf32>
      tpu.vector_store %arg7[%swap3A_94, %swap3A_95], %swap3A_98 {strides = array<i32>} : memref<128x128xf32, #tpu.memory_space<vmem>>, vector<1x16xf32>,
      %swap3A_99 = arith.index_cast %scan3A_69 : i32 to index
      %swap3A_100 = arith.constant 96 : index
      %swap3A_101 = tpu.vector_load %arg7[%swap3A_99, %swap3A_100] {strides = array<i32>} : memref<128x128xf32, #tpu.memory_space<vmem>>, vector<1x16xf32>,
      %swap3A_102 = vector.shape_cast %swap3A_101 : vector<1x16xf32> to vector<16xf32>
      %swap3A_103 = vector.shape_cast %broadcast_in_dim3A_14 : vector<16xf32> to vector<1x16xf32>
      tpu.vector_store %arg7[%swap3A_99, %swap3A_100], %swap3A_103 {strides = array<i32>} : memref<128x128xf32, #tpu.memory_space<vmem>>, vector<1x16xf32>,
      %swap3A_104 = arith.index_cast %scan3A_69 : i32 to index
      %swap3A_105 = arith.constant 112 : index
      %swap3A_106 = tpu.vector_load %arg7[%swap3A_104, %swap3A_105] {strides = array<i32>} : memref<128x128xf32, #tpu.memory_space<vmem>>, vector<1x16xf32>,
      %swap3A_107 = vector.shape_cast %swap3A_106 : vector<1x16xf32> to vector<16xf32>
      %swap3A_108 = vector.shape_cast %broadcast_in_dim3A_14 : vector<16xf32> to vector<1x16xf32>
      tpu.vector_store %arg7[%swap3A_104, %swap3A_105], %swap3A_108 {strides = array<i32>} : memref<128x128xf32, #tpu.memory_space<vmem>>, vector<1x16xf32>,
    }
    %scan3A_20 = arith.constant 128 : i32
    %barrier3A = arith.constant 0 : index
    tpu.barrier barrier_id(%barrier3A)
    %scan3A_21 = arith.constant 0 : i32
    %scan3A_22 = arith.constant 0 : i32
    %scan3A_23 = arith.constant 80 : i32
    %scan3A_24 = arith.addi %scan3A_22, %scan3A_23 : i32
    %scan3A_25 = arith.constant 1 : i32
    scf.for %scan3A_69 = %scan3A_22 to %scan3A_24 step %scan3A_25  : i32 {
      "tpu.region"() ({
        %run_scoped3A_70 = tpu.sem_alloc : memref<!tpu.dma_semaphore, #tpu.memory_space<semaphore_mem>>
        %dma_start3A = arith.constant 0 : i32
        %dma_start3A_71 = tpu.memref_slice %arg5[%scan3A_69, %dma_start3A] : memref<80x128xi32, #tpu.memory_space<vmem>> -> memref<1x128xi32, #tpu.memory_space<vmem>>
        %dma_start3A_72 = tpu.memref_squeeze %dma_start3A_71 : memref<1x128xi32, #tpu.memory_space<vmem>> -> memref<128xi32, #tpu.memory_space<vmem>>
        %dma_start3A_73 = arith.constant 0 : i32
        %dma_start3A_74 = arith.constant 0 : i32
        %dma_start3A_75 = tpu.memref_slice %arg8[%dma_start3A_73, %dma_start3A_74] : memref<10240x128xf32, #tpu.memory_space<vmem_shared>> -> memref<10240x128xf32, #tpu.memory_space<vmem_shared>>
        tpu.enqueue_indirect_dma source(%arg7 : memref<128x128xf32, #tpu.memory_space<vmem>>) target(%dma_start3A_75 : memref<10240x128xf32, #tpu.memory_space<vmem_shared>>) offsets(%dma_start3A_72 : memref<128xi32, #tpu.memory_space<vmem>>) semaphore(%run_scoped3A_70 : memref<!tpu.dma_semaphore, #tpu.memory_space<semaphore_mem>>) {add = true}
        %dma_wait3A = arith.constant 0 : i32
        %dma_wait3A_76 = tpu.memref_slice %arg5[%scan3A_69, %dma_wait3A] : memref<80x128xi32, #tpu.memory_space<vmem>> -> memref<1x128xi32, #tpu.memory_space<vmem>>
        %dma_wait3A_77 = tpu.memref_squeeze %dma_wait3A_76 : memref<1x128xi32, #tpu.memory_space<vmem>> -> memref<128xi32, #tpu.memory_space<vmem>>
        %dma_wait3A_78 = arith.constant 0 : i32
        %dma_wait3A_79 = arith.constant 0 : i32
        %dma_wait3A_80 = tpu.memref_slice %arg8[%dma_wait3A_78, %dma_wait3A_79] : memref<10240x128xf32, #tpu.memory_space<vmem_shared>> -> memref<10240x128xf32, #tpu.memory_space<vmem_shared>>
        tpu.wait_indirect_dma semaphore(%run_scoped3A_70 : memref<!tpu.dma_semaphore, #tpu.memory_space<semaphore_mem>>) src(%arg7 : memref<128x128xf32, #tpu.memory_space<vmem>>) dst(%dma_wait3A_80 : memref<10240x128xf32, #tpu.memory_space<vmem_shared>>)
        tpu.yield
      }) : () -> ()
    }
    %scan3A_26 = arith.constant 80 : i32
    %barrier3A_27 = arith.constant 0 : index
    tpu.barrier barrier_id(%barrier3A_27)
    %mul3A_28 = arith.constant 640 : i32
    %mul3A_29 = arith.muli %arg1, %mul3A_28 : i32
    %mul3A_30 = arith.constant 640 : i32
    %mul3A_31 = arith.muli %arg1, %mul3A_30 : i32
    %run_scoped3A = arith.constant 0 : i32
    "tpu.region"() ({
      %run_scoped3A_69 = tpu.sem_alloc : memref<!tpu.dma_semaphore, #tpu.memory_space<semaphore_mem>>
      %dma_start3A = arith.constant 0 : i32
      %dma_start3A_70 = tpu.memref_slice %arg4[%arg0, %run_scoped3A, %mul3A_31, %dma_start3A] : memref<2x2x10240x128xf32, #tpu.memory_space<hbm>> -> memref<1x1x640x128xf32, #tpu.memory_space<hbm>>
      %dma_start3A_71 = tpu.memref_squeeze %dma_start3A_70 : memref<1x1x640x128xf32, #tpu.memory_space<hbm>> -> memref<640x128xf32, #tpu.memory_space<hbm>>
      %dma_start3A_72 = arith.constant 0 : i32
      %dma_start3A_73 = tpu.memref_slice %arg8[%mul3A_29, %dma_start3A_72] : memref<10240x128xf32, #tpu.memory_space<vmem_shared>> -> memref<640x128xf32, #tpu.memory_space<vmem_shared>>
      tpu.enqueue_dma source(%dma_start3A_73 : memref<640x128xf32, #tpu.memory_space<vmem_shared>>) target(%dma_start3A_71 : memref<640x128xf32, #tpu.memory_space<hbm>>) target_semaphore(%run_scoped3A_69 : memref<!tpu.dma_semaphore, #tpu.memory_space<semaphore_mem>>)
      %dma_wait3A = arith.constant 0 : i32
      %dma_wait3A_74 = tpu.memref_slice %arg4[%arg0, %run_scoped3A, %mul3A_31, %dma_wait3A] : memref<2x2x10240x128xf32, #tpu.memory_space<hbm>> -> memref<1x1x640x128xf32, #tpu.memory_space<hbm>>
      %dma_wait3A_75 = tpu.memref_squeeze %dma_wait3A_74 : memref<1x1x640x128xf32, #tpu.memory_space<hbm>> -> memref<640x128xf32, #tpu.memory_space<hbm>>
      %dma_wait3A_76 = arith.constant 0 : i32
      %dma_wait3A_77 = tpu.memref_slice %arg8[%mul3A_29, %dma_wait3A_76] : memref<10240x128xf32, #tpu.memory_space<vmem_shared>> -> memref<640x128xf32, #tpu.memory_space<vmem_shared>>
      tpu.wait_dma2 semaphore(%run_scoped3A_69 : memref<!tpu.dma_semaphore, #tpu.memory_space<semaphore_mem>>) src(%dma_wait3A_77 : memref<640x128xf32, #tpu.memory_space<vmem_shared>>) dst(%dma_wait3A_75 : memref<640x128xf32, #tpu.memory_space<hbm>>)
      tpu.yield
    }) : () -> ()
    %barrier3A_32 = arith.constant 0 : index
    tpu.barrier barrier_id(%barrier3A_32)
    %broadcast_in_dim3A_33 = arith.constant 0.000000e+00 : f32
    %broadcast_in_dim3A_34 = vector.broadcast %broadcast_in_dim3A_33 : f32 to vector<16xf32>
    %scan3A_35 = arith.constant 0 : i32
    %scan3A_36 = arith.constant 0 : i32
    %scan3A_37 = arith.constant 128 : i32
    %scan3A_38 = arith.addi %scan3A_36, %scan3A_37 : i32
    %scan3A_39 = arith.constant 1 : i32
    scf.for %scan3A_69 = %scan3A_36 to %scan3A_38 step %scan3A_39  : i32 {
      %swap3A = arith.index_cast %scan3A_69 : i32 to index
      %swap3A_70 = arith.constant 0 : index
      %swap3A_71 = tpu.vector_load %arg7[%swap3A, %swap3A_70] {strides = array<i32>} : memref<128x128xf32, #tpu.memory_space<vmem>>, vector<1x16xf32>,
      %swap3A_72 = vector.shape_cast %swap3A_71 : vector<1x16xf32> to vector<16xf32>
      %swap3A_73 = vector.shape_cast %broadcast_in_dim3A_34 : vector<16xf32> to vector<1x16xf32>
      tpu.vector_store %arg7[%swap3A, %swap3A_70], %swap3A_73 {strides = array<i32>} : memref<128x128xf32, #tpu.memory_space<vmem>>, vector<1x16xf32>,
      %swap3A_74 = arith.index_cast %scan3A_69 : i32 to index
      %swap3A_75 = arith.constant 16 : index
      %swap3A_76 = tpu.vector_load %arg7[%swap3A_74, %swap3A_75] {strides = array<i32>} : memref<128x128xf32, #tpu.memory_space<vmem>>, vector<1x16xf32>,
      %swap3A_77 = vector.shape_cast %swap3A_76 : vector<1x16xf32> to vector<16xf32>
      %swap3A_78 = vector.shape_cast %broadcast_in_dim3A_34 : vector<16xf32> to vector<1x16xf32>
      tpu.vector_store %arg7[%swap3A_74, %swap3A_75], %swap3A_78 {strides = array<i32>} : memref<128x128xf32, #tpu.memory_space<vmem>>, vector<1x16xf32>,
      %swap3A_79 = arith.index_cast %scan3A_69 : i32 to index
      %swap3A_80 = arith.constant 32 : index
      %swap3A_81 = tpu.vector_load %arg7[%swap3A_79, %swap3A_80] {strides = array<i32>} : memref<128x128xf32, #tpu.memory_space<vmem>>, vector<1x16xf32>,
      %swap3A_82 = vector.shape_cast %swap3A_81 : vector<1x16xf32> to vector<16xf32>
      %swap3A_83 = vector.shape_cast %broadcast_in_dim3A_34 : vector<16xf32> to vector<1x16xf32>
      tpu.vector_store %arg7[%swap3A_79, %swap3A_80], %swap3A_83 {strides = array<i32>} : memref<128x128xf32, #tpu.memory_space<vmem>>, vector<1x16xf32>,
      %swap3A_84 = arith.index_cast %scan3A_69 : i32 to index
      %swap3A_85 = arith.constant 48 : index
      %swap3A_86 = tpu.vector_load %arg7[%swap3A_84, %swap3A_85] {strides = array<i32>} : memref<128x128xf32, #tpu.memory_space<vmem>>, vector<1x16xf32>,
      %swap3A_87 = vector.shape_cast %swap3A_86 : vector<1x16xf32> to vector<16xf32>
      %swap3A_88 = vector.shape_cast %broadcast_in_dim3A_34 : vector<16xf32> to vector<1x16xf32>
      tpu.vector_store %arg7[%swap3A_84, %swap3A_85], %swap3A_88 {strides = array<i32>} : memref<128x128xf32, #tpu.memory_space<vmem>>, vector<1x16xf32>,
      %swap3A_89 = arith.index_cast %scan3A_69 : i32 to index
      %swap3A_90 = arith.constant 64 : index
      %swap3A_91 = tpu.vector_load %arg7[%swap3A_89, %swap3A_90] {strides = array<i32>} : memref<128x128xf32, #tpu.memory_space<vmem>>, vector<1x16xf32>,
      %swap3A_92 = vector.shape_cast %swap3A_91 : vector<1x16xf32> to vector<16xf32>
      %swap3A_93 = vector.shape_cast %broadcast_in_dim3A_34 : vector<16xf32> to vector<1x16xf32>
      tpu.vector_store %arg7[%swap3A_89, %swap3A_90], %swap3A_93 {strides = array<i32>} : memref<128x128xf32, #tpu.memory_space<vmem>>, vector<1x16xf32>,
      %swap3A_94 = arith.index_cast %scan3A_69 : i32 to index
      %swap3A_95 = arith.constant 80 : index
      %swap3A_96 = tpu.vector_load %arg7[%swap3A_94, %swap3A_95] {strides = array<i32>} : memref<128x128xf32, #tpu.memory_space<vmem>>, vector<1x16xf32>,
      %swap3A_97 = vector.shape_cast %swap3A_96 : vector<1x16xf32> to vector<16xf32>
      %swap3A_98 = vector.shape_cast %broadcast_in_dim3A_34 : vector<16xf32> to vector<1x16xf32>
      tpu.vector_store %arg7[%swap3A_94, %swap3A_95], %swap3A_98 {strides = array<i32>} : memref<128x128xf32, #tpu.memory_space<vmem>>, vector<1x16xf32>,
      %swap3A_99 = arith.index_cast %scan3A_69 : i32 to index
      %swap3A_100 = arith.constant 96 : index
      %swap3A_101 = tpu.vector_load %arg7[%swap3A_99, %swap3A_100] {strides = array<i32>} : memref<128x128xf32, #tpu.memory_space<vmem>>, vector<1x16xf32>,
      %swap3A_102 = vector.shape_cast %swap3A_101 : vector<1x16xf32> to vector<16xf32>
      %swap3A_103 = vector.shape_cast %broadcast_in_dim3A_34 : vector<16xf32> to vector<1x16xf32>
      tpu.vector_store %arg7[%swap3A_99, %swap3A_100], %swap3A_103 {strides = array<i32>} : memref<128x128xf32, #tpu.memory_space<vmem>>, vector<1x16xf32>,
      %swap3A_104 = arith.index_cast %scan3A_69 : i32 to index
      %swap3A_105 = arith.constant 112 : index
      %swap3A_106 = tpu.vector_load %arg7[%swap3A_104, %swap3A_105] {strides = array<i32>} : memref<128x128xf32, #tpu.memory_space<vmem>>, vector<1x16xf32>,
      %swap3A_107 = vector.shape_cast %swap3A_106 : vector<1x16xf32> to vector<16xf32>
      %swap3A_108 = vector.shape_cast %broadcast_in_dim3A_34 : vector<16xf32> to vector<1x16xf32>
      tpu.vector_store %arg7[%swap3A_104, %swap3A_105], %swap3A_108 {strides = array<i32>} : memref<128x128xf32, #tpu.memory_space<vmem>>, vector<1x16xf32>,
    }
    %scan3A_40 = arith.constant 128 : i32
    %scan3A_41 = arith.constant 0 : i32
    %scan3A_42 = arith.constant 0 : i32
    %scan3A_43 = arith.constant 5 : i32
    %scan3A_44 = arith.addi %scan3A_42, %scan3A_43 : i32
    %scan3A_45 = arith.constant 1 : i32
    scf.for %scan3A_69 = %scan3A_42 to %scan3A_44 step %scan3A_45  : i32 {
      %mul3A_70 = arith.constant 640 : i32
      %mul3A_71 = arith.muli %arg1, %mul3A_70 : i32
      %mul3A_72 = arith.constant 128 : i32
      %mul3A_73 = arith.muli %scan3A_69, %mul3A_72 : i32
      %add3A_74 = arith.addi %mul3A_71, %mul3A_73 : i32
      "tpu.region"() ({
        %run_scoped3A_75 = tpu.sem_alloc : memref<!tpu.dma_semaphore, #tpu.memory_space<semaphore_mem>>
        %dma_start3A = arith.constant 0 : i32
        %dma_start3A_76 = tpu.memref_slice %arg8[%add3A_74, %dma_start3A] : memref<10240x128xf32, #tpu.memory_space<vmem_shared>> -> memref<128x128xf32, #tpu.memory_space<vmem_shared>>
        %dma_start3A_77 = arith.constant 0 : i32
        %dma_start3A_78 = tpu.memref_slice %arg8[%add3A_74, %dma_start3A_77] : memref<10240x128xf32, #tpu.memory_space<vmem_shared>> -> memref<128x128xf32, #tpu.memory_space<vmem_shared>>
        tpu.enqueue_dma source(%arg7 : memref<128x128xf32, #tpu.memory_space<vmem>>) target(%dma_start3A_78 : memref<128x128xf32, #tpu.memory_space<vmem_shared>>) target_semaphore(%run_scoped3A_75 : memref<!tpu.dma_semaphore, #tpu.memory_space<semaphore_mem>>)
        %dma_wait3A = arith.constant 0 : i32
        %dma_wait3A_79 = tpu.memref_slice %arg8[%add3A_74, %dma_wait3A] : memref<10240x128xf32, #tpu.memory_space<vmem_shared>> -> memref<128x128xf32, #tpu.memory_space<vmem_shared>>
        %dma_wait3A_80 = arith.constant 0 : i32
        %dma_wait3A_81 = tpu.memref_slice %arg8[%add3A_74, %dma_wait3A_80] : memref<10240x128xf32, #tpu.memory_space<vmem_shared>> -> memref<128x128xf32, #tpu.memory_space<vmem_shared>>
        tpu.wait_dma2 semaphore(%run_scoped3A_75 : memref<!tpu.dma_semaphore, #tpu.memory_space<semaphore_mem>>) src(%arg7 : memref<128x128xf32, #tpu.memory_space<vmem>>) dst(%dma_wait3A_81 : memref<128x128xf32, #tpu.memory_space<vmem_shared>>)
        tpu.yield
      }) : () -> ()
    }
    %scan3A_46 = arith.constant 5 : i32
    %broadcast_in_dim3A_47 = arith.constant 1.000000e+00 : f32
    %broadcast_in_dim3A_48 = vector.broadcast %broadcast_in_dim3A_47 : f32 to vector<16xf32>
    %scan3A_49 = arith.constant 0 : i32
    %scan3A_50 = arith.constant 0 : i32
    %scan3A_51 = arith.constant 128 : i32
    %scan3A_52 = arith.addi %scan3A_50, %scan3A_51 : i32
    %scan3A_53 = arith.constant 1 : i32
    scf.for %scan3A_69 = %scan3A_50 to %scan3A_52 step %scan3A_53  : i32 {
      %swap3A = arith.index_cast %scan3A_69 : i32 to index
      %swap3A_70 = arith.constant 0 : index
      %swap3A_71 = tpu.vector_load %arg7[%swap3A, %swap3A_70] {strides = array<i32>} : memref<128x128xf32, #tpu.memory_space<vmem>>, vector<1x16xf32>,
      %swap3A_72 = vector.shape_cast %swap3A_71 : vector<1x16xf32> to vector<16xf32>
      %swap3A_73 = vector.shape_cast %broadcast_in_dim3A_48 : vector<16xf32> to vector<1x16xf32>
      tpu.vector_store %arg7[%swap3A, %swap3A_70], %swap3A_73 {strides = array<i32>} : memref<128x128xf32, #tpu.memory_space<vmem>>, vector<1x16xf32>,
      %swap3A_74 = arith.index_cast %scan3A_69 : i32 to index
      %swap3A_75 = arith.constant 16 : index
      %swap3A_76 = tpu.vector_load %arg7[%swap3A_74, %swap3A_75] {strides = array<i32>} : memref<128x128xf32, #tpu.memory_space<vmem>>, vector<1x16xf32>,
      %swap3A_77 = vector.shape_cast %swap3A_76 : vector<1x16xf32> to vector<16xf32>
      %swap3A_78 = vector.shape_cast %broadcast_in_dim3A_48 : vector<16xf32> to vector<1x16xf32>
      tpu.vector_store %arg7[%swap3A_74, %swap3A_75], %swap3A_78 {strides = array<i32>} : memref<128x128xf32, #tpu.memory_space<vmem>>, vector<1x16xf32>,
      %swap3A_79 = arith.index_cast %scan3A_69 : i32 to index
      %swap3A_80 = arith.constant 32 : index
      %swap3A_81 = tpu.vector_load %arg7[%swap3A_79, %swap3A_80] {strides = array<i32>} : memref<128x128xf32, #tpu.memory_space<vmem>>, vector<1x16xf32>,
      %swap3A_82 = vector.shape_cast %swap3A_81 : vector<1x16xf32> to vector<16xf32>
      %swap3A_83 = vector.shape_cast %broadcast_in_dim3A_48 : vector<16xf32> to vector<1x16xf32>
      tpu.vector_store %arg7[%swap3A_79, %swap3A_80], %swap3A_83 {strides = array<i32>} : memref<128x128xf32, #tpu.memory_space<vmem>>, vector<1x16xf32>,
      %swap3A_84 = arith.index_cast %scan3A_69 : i32 to index
      %swap3A_85 = arith.constant 48 : index
      %swap3A_86 = tpu.vector_load %arg7[%swap3A_84, %swap3A_85] {strides = array<i32>} : memref<128x128xf32, #tpu.memory_space<vmem>>, vector<1x16xf32>,
      %swap3A_87 = vector.shape_cast %swap3A_86 : vector<1x16xf32> to vector<16xf32>
      %swap3A_88 = vector.shape_cast %broadcast_in_dim3A_48 : vector<16xf32> to vector<1x16xf32>
      tpu.vector_store %arg7[%swap3A_84, %swap3A_85], %swap3A_88 {strides = array<i32>} : memref<128x128xf32, #tpu.memory_space<vmem>>, vector<1x16xf32>,
      %swap3A_89 = arith.index_cast %scan3A_69 : i32 to index
      %swap3A_90 = arith.constant 64 : index
      %swap3A_91 = tpu.vector_load %arg7[%swap3A_89, %swap3A_90] {strides = array<i32>} : memref<128x128xf32, #tpu.memory_space<vmem>>, vector<1x16xf32>,
      %swap3A_92 = vector.shape_cast %swap3A_91 : vector<1x16xf32> to vector<16xf32>
      %swap3A_93 = vector.shape_cast %broadcast_in_dim3A_48 : vector<16xf32> to vector<1x16xf32>
      tpu.vector_store %arg7[%swap3A_89, %swap3A_90], %swap3A_93 {strides = array<i32>} : memref<128x128xf32, #tpu.memory_space<vmem>>, vector<1x16xf32>,
      %swap3A_94 = arith.index_cast %scan3A_69 : i32 to index
      %swap3A_95 = arith.constant 80 : index
      %swap3A_96 = tpu.vector_load %arg7[%swap3A_94, %swap3A_95] {strides = array<i32>} : memref<128x128xf32, #tpu.memory_space<vmem>>, vector<1x16xf32>,
      %swap3A_97 = vector.shape_cast %swap3A_96 : vector<1x16xf32> to vector<16xf32>
      %swap3A_98 = vector.shape_cast %broadcast_in_dim3A_48 : vector<16xf32> to vector<1x16xf32>
      tpu.vector_store %arg7[%swap3A_94, %swap3A_95], %swap3A_98 {strides = array<i32>} : memref<128x128xf32, #tpu.memory_space<vmem>>, vector<1x16xf32>,
      %swap3A_99 = arith.index_cast %scan3A_69 : i32 to index
      %swap3A_100 = arith.constant 96 : index
      %swap3A_101 = tpu.vector_load %arg7[%swap3A_99, %swap3A_100] {strides = array<i32>} : memref<128x128xf32, #tpu.memory_space<vmem>>, vector<1x16xf32>,
      %swap3A_102 = vector.shape_cast %swap3A_101 : vector<1x16xf32> to vector<16xf32>
      %swap3A_103 = vector.shape_cast %broadcast_in_dim3A_48 : vector<16xf32> to vector<1x16xf32>
      tpu.vector_store %arg7[%swap3A_99, %swap3A_100], %swap3A_103 {strides = array<i32>} : memref<128x128xf32, #tpu.memory_space<vmem>>, vector<1x16xf32>,
      %swap3A_104 = arith.index_cast %scan3A_69 : i32 to index
      %swap3A_105 = arith.constant 112 : index
      %swap3A_106 = tpu.vector_load %arg7[%swap3A_104, %swap3A_105] {strides = array<i32>} : memref<128x128xf32, #tpu.memory_space<vmem>>, vector<1x16xf32>,
      %swap3A_107 = vector.shape_cast %swap3A_106 : vector<1x16xf32> to vector<16xf32>
      %swap3A_108 = vector.shape_cast %broadcast_in_dim3A_48 : vector<16xf32> to vector<1x16xf32>
      tpu.vector_store %arg7[%swap3A_104, %swap3A_105], %swap3A_108 {strides = array<i32>} : memref<128x128xf32, #tpu.memory_space<vmem>>, vector<1x16xf32>,
    }
    %scan3A_54 = arith.constant 128 : i32
    %barrier3A_55 = arith.constant 0 : index
    tpu.barrier barrier_id(%barrier3A_55)
    %scan3A_56 = arith.constant 0 : i32
    %scan3A_57 = arith.constant 0 : i32
    %scan3A_58 = arith.constant 80 : i32
    %scan3A_59 = arith.addi %scan3A_57, %scan3A_58 : i32
    %scan3A_60 = arith.constant 1 : i32
    scf.for %scan3A_69 = %scan3A_57 to %scan3A_59 step %scan3A_60  : i32 {
      "tpu.region"() ({
        %run_scoped3A_70 = tpu.sem_alloc : memref<!tpu.dma_semaphore, #tpu.memory_space<semaphore_mem>>
        %dma_start3A = arith.constant 0 : i32
        %dma_start3A_71 = tpu.memref_slice %arg6[%scan3A_69, %dma_start3A] : memref<80x128xi32, #tpu.memory_space<vmem>> -> memref<1x128xi32, #tpu.memory_space<vmem>>
        %dma_start3A_72 = tpu.memref_squeeze %dma_start3A_71 : memref<1x128xi32, #tpu.memory_space<vmem>> -> memref<128xi32, #tpu.memory_space<vmem>>
        %dma_start3A_73 = arith.constant 0 : i32
        %dma_start3A_74 = arith.constant 0 : i32
        %dma_start3A_75 = tpu.memref_slice %arg8[%dma_start3A_73, %dma_start3A_74] : memref<10240x128xf32, #tpu.memory_space<vmem_shared>> -> memref<10240x128xf32, #tpu.memory_space<vmem_shared>>
        tpu.enqueue_indirect_dma source(%arg7 : memref<128x128xf32, #tpu.memory_space<vmem>>) target(%dma_start3A_75 : memref<10240x128xf32, #tpu.memory_space<vmem_shared>>) offsets(%dma_start3A_72 : memref<128xi32, #tpu.memory_space<vmem>>) semaphore(%run_scoped3A_70 : memref<!tpu.dma_semaphore, #tpu.memory_space<semaphore_mem>>) {add = true}
        %dma_wait3A = arith.constant 0 : i32
        %dma_wait3A_76 = tpu.memref_slice %arg6[%scan3A_69, %dma_wait3A] : memref<80x128xi32, #tpu.memory_space<vmem>> -> memref<1x128xi32, #tpu.memory_space<vmem>>
        %dma_wait3A_77 = tpu.memref_squeeze %dma_wait3A_76 : memref<1x128xi32, #tpu.memory_space<vmem>> -> memref<128xi32, #tpu.memory_space<vmem>>
        %dma_wait3A_78 = arith.constant 0 : i32
        %dma_wait3A_79 = arith.constant 0 : i32
        %dma_wait3A_80 = tpu.memref_slice %arg8[%dma_wait3A_78, %dma_wait3A_79] : memref<10240x128xf32, #tpu.memory_space<vmem_shared>> -> memref<10240x128xf32, #tpu.memory_space<vmem_shared>>
        tpu.wait_indirect_dma semaphore(%run_scoped3A_70 : memref<!tpu.dma_semaphore, #tpu.memory_space<semaphore_mem>>) src(%arg7 : memref<128x128xf32, #tpu.memory_space<vmem>>) dst(%dma_wait3A_80 : memref<10240x128xf32, #tpu.memory_space<vmem_shared>>)
        tpu.yield
      }) : () -> ()
    }
    %scan3A_61 = arith.constant 80 : i32
    %barrier3A_62 = arith.constant 0 : index
    tpu.barrier barrier_id(%barrier3A_62)
    %mul3A_63 = arith.constant 640 : i32
    %mul3A_64 = arith.muli %arg1, %mul3A_63 : i32
    %mul3A_65 = arith.constant 640 : i32
    %mul3A_66 = arith.muli %arg1, %mul3A_65 : i32
    %run_scoped3A_67 = arith.constant 1 : i32
    "tpu.region"() ({
      %run_scoped3A_69 = tpu.sem_alloc : memref<!tpu.dma_semaphore, #tpu.memory_space<semaphore_mem>>
      %dma_start3A = arith.constant 0 : i32
      %dma_start3A_70 = tpu.memref_slice %arg4[%arg0, %run_scoped3A_67, %mul3A_66, %dma_start3A] : memref<2x2x10240x128xf32, #tpu.memory_space<hbm>> -> memref<1x1x640x128xf32, #tpu.memory_space<hbm>>
      %dma_start3A_71 = tpu.memref_squeeze %dma_start3A_70 : memref<1x1x640x128xf32, #tpu.memory_space<hbm>> -> memref<640x128xf32, #tpu.memory_space<hbm>>
      %dma_start3A_72 = arith.constant 0 : i32
      %dma_start3A_73 = tpu.memref_slice %arg8[%mul3A_64, %dma_start3A_72] : memref<10240x128xf32, #tpu.memory_space<vmem_shared>> -> memref<640x128xf32, #tpu.memory_space<vmem_shared>>
      tpu.enqueue_dma source(%dma_start3A_73 : memref<640x128xf32, #tpu.memory_space<vmem_shared>>) target(%dma_start3A_71 : memref<640x128xf32, #tpu.memory_space<hbm>>) target_semaphore(%run_scoped3A_69 : memref<!tpu.dma_semaphore, #tpu.memory_space<semaphore_mem>>)
      %dma_wait3A = arith.constant 0 : i32
      %dma_wait3A_74 = tpu.memref_slice %arg4[%arg0, %run_scoped3A_67, %mul3A_66, %dma_wait3A] : memref<2x2x10240x128xf32, #tpu.memory_space<hbm>> -> memref<1x1x640x128xf32, #tpu.memory_space<hbm>>
      %dma_wait3A_75 = tpu.memref_squeeze %dma_wait3A_74 : memref<1x1x640x128xf32, #tpu.memory_space<hbm>> -> memref<640x128xf32, #tpu.memory_space<hbm>>
      %dma_wait3A_76 = arith.constant 0 : i32
      %dma_wait3A_77 = tpu.memref_slice %arg8[%mul3A_64, %dma_wait3A_76] : memref<10240x128xf32, #tpu.memory_space<vmem_shared>> -> memref<640x128xf32, #tpu.memory_space<vmem_shared>>
      tpu.wait_dma2 semaphore(%run_scoped3A_69 : memref<!tpu.dma_semaphore, #tpu.memory_space<semaphore_mem>>) src(%dma_wait3A_77 : memref<640x128xf32, #tpu.memory_space<vmem_shared>>) dst(%dma_wait3A_75 : memref<640x128xf32, #tpu.memory_space<hbm>>)
      tpu.yield
    }) : () -> ()
    %barrier3A_68 = arith.constant 0 : index
    tpu.barrier barrier_id(%barrier3A_68)
    return
  }
}

#map = affine_map<(d0, d1) -> (0, 0)>
#map1 = affine_map<(d0, d1) -> (0, 0, 0)>
module attributes {stable_mosaic.version = 14 : i64} {
  func.func @_agg_body(%arg0: i32, %arg1: i32, %arg2: memref<10240x128xf32, #tpu.memory_space<hbm>>, %arg3: memref<32x10240xi32, #tpu.memory_space<hbm>>, %arg4: memref<32x80x128xi32, #tpu.memory_space<hbm>>, %arg5: memref<640x128xf32, #tpu.memory_space<hbm>>, %arg6: memref<2x10240x128xf32, #tpu.memory_space<hbm>>, %arg7: memref<5120xi32, #tpu.memory_space<vmem>>, %arg8: memref<80x128xi32, #tpu.memory_space<vmem>>, %arg9: memref<128x128xf32, #tpu.memory_space<vmem>>, %arg10: memref<128x128xf32, #tpu.memory_space<vmem>>, %arg11: memref<10240x128xf32, #tpu.memory_space<vmem_shared>>, %arg12: memref<!tpu.dma_semaphore, #tpu.memory_space<semaphore_mem>>, %arg13: memref<!tpu.dma_semaphore, #tpu.memory_space<semaphore_mem>>) attributes {dimension_semantics = [#tpu.dimension_semantics<core_parallel>, #tpu.dimension_semantics<subcore_parallel>], iteration_bounds = array<i64: 2, 16>, scalar_prefetch = 0 : i64, scratch_operands = 7 : i64, tpu.core_type = #tpu.core_type<sc_vector_subcore>, window_params = [{transform_indices = #map}, {transform_indices = #map}, {transform_indices = #map1}, {transform_indices = #map}, {transform_indices = #map1}]} {
    %mul3A = arith.constant 2 : i32
    %mul3A_0 = arith.muli %arg1, %mul3A : i32
    %add3A = arith.addi %mul3A_0, %arg0 : i32
    %mul3A_1 = arith.constant 640 : i32
    %mul3A_2 = arith.muli %arg1, %mul3A_1 : i32
    "tpu.region"() ({
      %run_scoped3A_67 = tpu.sem_alloc : memref<!tpu.dma_semaphore, #tpu.memory_space<semaphore_mem>>
      %dma_start3A_68 = arith.constant 0 : i32
      %dma_start3A_69 = tpu.memref_slice %arg11[%mul3A_2, %dma_start3A_68] : memref<10240x128xf32, #tpu.memory_space<vmem_shared>> -> memref<640x128xf32, #tpu.memory_space<vmem_shared>>
      tpu.enqueue_dma source(%arg5 : memref<640x128xf32, #tpu.memory_space<hbm>>) target(%dma_start3A_69 : memref<640x128xf32, #tpu.memory_space<vmem_shared>>) target_semaphore(%run_scoped3A_67 : memref<!tpu.dma_semaphore, #tpu.memory_space<semaphore_mem>>)
      %dma_wait3A_70 = arith.constant 0 : i32
      %dma_wait3A_71 = tpu.memref_slice %arg11[%mul3A_2, %dma_wait3A_70] : memref<10240x128xf32, #tpu.memory_space<vmem_shared>> -> memref<640x128xf32, #tpu.memory_space<vmem_shared>>
      tpu.wait_dma2 semaphore(%run_scoped3A_67 : memref<!tpu.dma_semaphore, #tpu.memory_space<semaphore_mem>>) src(%arg5 : memref<640x128xf32, #tpu.memory_space<hbm>>) dst(%dma_wait3A_71 : memref<640x128xf32, #tpu.memory_space<vmem_shared>>)
      tpu.yield
    }) : () -> ()
    "tpu.region"() ({
      %run_scoped3A_67 = tpu.sem_alloc : memref<!tpu.dma_semaphore, #tpu.memory_space<semaphore_mem>>
      %dma_start3A_68 = arith.constant 0 : i32
      %dma_start3A_69 = arith.constant 0 : i32
      %dma_start3A_70 = tpu.memref_slice %arg4[%add3A, %dma_start3A_68, %dma_start3A_69] : memref<32x80x128xi32, #tpu.memory_space<hbm>> -> memref<1x80x128xi32, #tpu.memory_space<hbm>>
      %dma_start3A_71 = tpu.memref_squeeze %dma_start3A_70 : memref<1x80x128xi32, #tpu.memory_space<hbm>> -> memref<80x128xi32, #tpu.memory_space<hbm>>
      %dma_start3A_72 = arith.constant 0 : i32
      %dma_start3A_73 = arith.constant 0 : i32
      %dma_start3A_74 = tpu.memref_slice %arg4[%add3A, %dma_start3A_72, %dma_start3A_73] : memref<32x80x128xi32, #tpu.memory_space<hbm>> -> memref<1x80x128xi32, #tpu.memory_space<hbm>>
      %dma_start3A_75 = tpu.memref_squeeze %dma_start3A_74 : memref<1x80x128xi32, #tpu.memory_space<hbm>> -> memref<80x128xi32, #tpu.memory_space<hbm>>
      tpu.enqueue_dma source(%dma_start3A_75 : memref<80x128xi32, #tpu.memory_space<hbm>>) target(%arg8 : memref<80x128xi32, #tpu.memory_space<vmem>>) target_semaphore(%run_scoped3A_67 : memref<!tpu.dma_semaphore, #tpu.memory_space<semaphore_mem>>)
      %dma_wait3A_76 = arith.constant 0 : i32
      %dma_wait3A_77 = arith.constant 0 : i32
      %dma_wait3A_78 = tpu.memref_slice %arg4[%add3A, %dma_wait3A_76, %dma_wait3A_77] : memref<32x80x128xi32, #tpu.memory_space<hbm>> -> memref<1x80x128xi32, #tpu.memory_space<hbm>>
      %dma_wait3A_79 = tpu.memref_squeeze %dma_wait3A_78 : memref<1x80x128xi32, #tpu.memory_space<hbm>> -> memref<80x128xi32, #tpu.memory_space<hbm>>
      %dma_wait3A_80 = arith.constant 0 : i32
      %dma_wait3A_81 = arith.constant 0 : i32
      %dma_wait3A_82 = tpu.memref_slice %arg4[%add3A, %dma_wait3A_80, %dma_wait3A_81] : memref<32x80x128xi32, #tpu.memory_space<hbm>> -> memref<1x80x128xi32, #tpu.memory_space<hbm>>
      %dma_wait3A_83 = tpu.memref_squeeze %dma_wait3A_82 : memref<1x80x128xi32, #tpu.memory_space<hbm>> -> memref<80x128xi32, #tpu.memory_space<hbm>>
      tpu.wait_dma2 semaphore(%run_scoped3A_67 : memref<!tpu.dma_semaphore, #tpu.memory_space<semaphore_mem>>) src(%dma_wait3A_83 : memref<80x128xi32, #tpu.memory_space<hbm>>) dst(%arg8 : memref<80x128xi32, #tpu.memory_space<vmem>>)
      tpu.yield
    }) : () -> ()
    %barrier3A = arith.constant 0 : index
    tpu.barrier barrier_id(%barrier3A)
    "tpu.region"() ({
      %run_scoped3A_67 = tpu.sem_alloc : memref<!tpu.dma_semaphore, #tpu.memory_space<semaphore_mem>>
      %dma_start3A_68 = arith.constant 0 : i32
      %dma_start3A_69 = tpu.memref_slice %arg3[%add3A, %dma_start3A_68] : memref<32x10240xi32, #tpu.memory_space<hbm>> -> memref<1x5120xi32, #tpu.memory_space<hbm>>
      %dma_start3A_70 = tpu.memref_squeeze %dma_start3A_69 : memref<1x5120xi32, #tpu.memory_space<hbm>> -> memref<5120xi32, #tpu.memory_space<hbm>>
      %dma_start3A_71 = arith.constant 0 : i32
      %dma_start3A_72 = tpu.memref_slice %arg3[%add3A, %dma_start3A_71] : memref<32x10240xi32, #tpu.memory_space<hbm>> -> memref<1x5120xi32, #tpu.memory_space<hbm>>
      %dma_start3A_73 = tpu.memref_squeeze %dma_start3A_72 : memref<1x5120xi32, #tpu.memory_space<hbm>> -> memref<5120xi32, #tpu.memory_space<hbm>>
      tpu.enqueue_dma source(%dma_start3A_73 : memref<5120xi32, #tpu.memory_space<hbm>>) target(%arg7 : memref<5120xi32, #tpu.memory_space<vmem>>) target_semaphore(%run_scoped3A_67 : memref<!tpu.dma_semaphore, #tpu.memory_space<semaphore_mem>>)
      %dma_wait3A_74 = arith.constant 0 : i32
      %dma_wait3A_75 = tpu.memref_slice %arg3[%add3A, %dma_wait3A_74] : memref<32x10240xi32, #tpu.memory_space<hbm>> -> memref<1x5120xi32, #tpu.memory_space<hbm>>
      %dma_wait3A_76 = tpu.memref_squeeze %dma_wait3A_75 : memref<1x5120xi32, #tpu.memory_space<hbm>> -> memref<5120xi32, #tpu.memory_space<hbm>>
      %dma_wait3A_77 = arith.constant 0 : i32
      %dma_wait3A_78 = tpu.memref_slice %arg3[%add3A, %dma_wait3A_77] : memref<32x10240xi32, #tpu.memory_space<hbm>> -> memref<1x5120xi32, #tpu.memory_space<hbm>>
      %dma_wait3A_79 = tpu.memref_squeeze %dma_wait3A_78 : memref<1x5120xi32, #tpu.memory_space<hbm>> -> memref<5120xi32, #tpu.memory_space<hbm>>
      tpu.wait_dma2 semaphore(%run_scoped3A_67 : memref<!tpu.dma_semaphore, #tpu.memory_space<semaphore_mem>>) src(%dma_wait3A_79 : memref<5120xi32, #tpu.memory_space<hbm>>) dst(%arg7 : memref<5120xi32, #tpu.memory_space<vmem>>)
      tpu.yield
    }) : () -> ()
    %multiple_of3A = arith.constant 0 : i32
    %multiple_of3A_3 = tpu.assume_multiple %multiple_of3A, 128 : i32
    %dma_start3A = tpu.memref_slice %arg7[%multiple_of3A_3] : memref<5120xi32, #tpu.memory_space<vmem>> -> memref<128xi32, #tpu.memory_space<vmem>>
    %dma_start3A_4 = arith.constant 0 : i32
    %dma_start3A_5 = arith.constant 0 : i32
    %dma_start3A_6 = tpu.memref_slice %arg2[%dma_start3A_4, %dma_start3A_5] : memref<10240x128xf32, #tpu.memory_space<hbm>> -> memref<10240x128xf32, #tpu.memory_space<hbm>>
    tpu.enqueue_indirect_dma source(%dma_start3A_6 : memref<10240x128xf32, #tpu.memory_space<hbm>>) target(%arg9 : memref<128x128xf32, #tpu.memory_space<vmem>>) offsets(%dma_start3A : memref<128xi32, #tpu.memory_space<vmem>>) semaphore(%arg12 : memref<!tpu.dma_semaphore, #tpu.memory_space<semaphore_mem>>)
    %multiple_of3A_7 = arith.constant 128 : i32
    %multiple_of3A_8 = tpu.assume_multiple %multiple_of3A_7, 128 : i32
    %dma_start3A_9 = tpu.memref_slice %arg7[%multiple_of3A_8] : memref<5120xi32, #tpu.memory_space<vmem>> -> memref<128xi32, #tpu.memory_space<vmem>>
    %dma_start3A_10 = arith.constant 0 : i32
    %dma_start3A_11 = arith.constant 0 : i32
    %dma_start3A_12 = tpu.memref_slice %arg2[%dma_start3A_10, %dma_start3A_11] : memref<10240x128xf32, #tpu.memory_space<hbm>> -> memref<10240x128xf32, #tpu.memory_space<hbm>>
    tpu.enqueue_indirect_dma source(%dma_start3A_12 : memref<10240x128xf32, #tpu.memory_space<hbm>>) target(%arg10 : memref<128x128xf32, #tpu.memory_space<vmem>>) offsets(%dma_start3A_9 : memref<128xi32, #tpu.memory_space<vmem>>) semaphore(%arg13 : memref<!tpu.dma_semaphore, #tpu.memory_space<semaphore_mem>>)
    %scan3A = arith.constant 0 : i32
    %scan3A_13 = arith.constant 0 : i32
    %scan3A_14 = arith.constant 19 : i32
    %scan3A_15 = arith.addi %scan3A_13, %scan3A_14 : i32
    %scan3A_16 = arith.constant 1 : i32
    scf.for %scan3A_67 = %scan3A_13 to %scan3A_15 step %scan3A_16  : i32 {
      %mul3A_68 = arith.constant 2 : i32
      %mul3A_69 = arith.muli %scan3A_67, %mul3A_68 : i32
      %add3A_70 = arith.constant 0 : i32
      %add3A_71 = arith.addi %mul3A_69, %add3A_70 : i32
      %mul3A_72 = arith.constant 128 : i32
      %mul3A_73 = arith.muli %add3A_71, %mul3A_72 : i32
      %multiple_of3A_74 = tpu.assume_multiple %mul3A_73, 128 : i32
      %dma_wait3A_75 = tpu.memref_slice %arg7[%multiple_of3A_74] : memref<5120xi32, #tpu.memory_space<vmem>> -> memref<128xi32, #tpu.memory_space<vmem>>
      %dma_wait3A_76 = arith.constant 0 : i32
      %dma_wait3A_77 = arith.constant 0 : i32
      %dma_wait3A_78 = tpu.memref_slice %arg2[%dma_wait3A_76, %dma_wait3A_77] : memref<10240x128xf32, #tpu.memory_space<hbm>> -> memref<10240x128xf32, #tpu.memory_space<hbm>>
      tpu.wait_indirect_dma semaphore(%arg12 : memref<!tpu.dma_semaphore, #tpu.memory_space<semaphore_mem>>) src(%dma_wait3A_78 : memref<10240x128xf32, #tpu.memory_space<hbm>>) dst(%arg9 : memref<128x128xf32, #tpu.memory_space<vmem>>)
      %add3A_79 = arith.constant 0 : i32
      %add3A_80 = arith.addi %add3A_79, %add3A_71 : i32
      "tpu.region"() ({
        %run_scoped3A_112 = tpu.sem_alloc : memref<!tpu.dma_semaphore, #tpu.memory_space<semaphore_mem>>
        %dma_start3A_113 = arith.constant 0 : i32
        %dma_start3A_114 = tpu.memref_slice %arg8[%add3A_80, %dma_start3A_113] : memref<80x128xi32, #tpu.memory_space<vmem>> -> memref<1x128xi32, #tpu.memory_space<vmem>>
        %dma_start3A_115 = tpu.memref_squeeze %dma_start3A_114 : memref<1x128xi32, #tpu.memory_space<vmem>> -> memref<128xi32, #tpu.memory_space<vmem>>
        %dma_start3A_116 = arith.constant 0 : i32
        %dma_start3A_117 = arith.constant 0 : i32
        %dma_start3A_118 = tpu.memref_slice %arg11[%dma_start3A_116, %dma_start3A_117] : memref<10240x128xf32, #tpu.memory_space<vmem_shared>> -> memref<10240x128xf32, #tpu.memory_space<vmem_shared>>
        tpu.enqueue_indirect_dma source(%arg9 : memref<128x128xf32, #tpu.memory_space<vmem>>) target(%dma_start3A_118 : memref<10240x128xf32, #tpu.memory_space<vmem_shared>>) offsets(%dma_start3A_115 : memref<128xi32, #tpu.memory_space<vmem>>) semaphore(%run_scoped3A_112 : memref<!tpu.dma_semaphore, #tpu.memory_space<semaphore_mem>>) {add = true}
        %dma_wait3A_119 = arith.constant 0 : i32
        %dma_wait3A_120 = tpu.memref_slice %arg8[%add3A_80, %dma_wait3A_119] : memref<80x128xi32, #tpu.memory_space<vmem>> -> memref<1x128xi32, #tpu.memory_space<vmem>>
        %dma_wait3A_121 = tpu.memref_squeeze %dma_wait3A_120 : memref<1x128xi32, #tpu.memory_space<vmem>> -> memref<128xi32, #tpu.memory_space<vmem>>
        %dma_wait3A_122 = arith.constant 0 : i32
        %dma_wait3A_123 = arith.constant 0 : i32
        %dma_wait3A_124 = tpu.memref_slice %arg11[%dma_wait3A_122, %dma_wait3A_123] : memref<10240x128xf32, #tpu.memory_space<vmem_shared>> -> memref<10240x128xf32, #tpu.memory_space<vmem_shared>>
        tpu.wait_indirect_dma semaphore(%run_scoped3A_112 : memref<!tpu.dma_semaphore, #tpu.memory_space<semaphore_mem>>) src(%arg9 : memref<128x128xf32, #tpu.memory_space<vmem>>) dst(%dma_wait3A_124 : memref<10240x128xf32, #tpu.memory_space<vmem_shared>>)
        tpu.yield
      }) : () -> ()
      %add3A_81 = arith.constant 2 : i32
      %add3A_82 = arith.addi %add3A_71, %add3A_81 : i32
      %mul3A_83 = arith.constant 128 : i32
      %mul3A_84 = arith.muli %add3A_82, %mul3A_83 : i32
      %multiple_of3A_85 = tpu.assume_multiple %mul3A_84, 128 : i32
      %dma_start3A_86 = tpu.memref_slice %arg7[%multiple_of3A_85] : memref<5120xi32, #tpu.memory_space<vmem>> -> memref<128xi32, #tpu.memory_space<vmem>>
      %dma_start3A_87 = arith.constant 0 : i32
      %dma_start3A_88 = arith.constant 0 : i32
      %dma_start3A_89 = tpu.memref_slice %arg2[%dma_start3A_87, %dma_start3A_88] : memref<10240x128xf32, #tpu.memory_space<hbm>> -> memref<10240x128xf32, #tpu.memory_space<hbm>>
      tpu.enqueue_indirect_dma source(%dma_start3A_89 : memref<10240x128xf32, #tpu.memory_space<hbm>>) target(%arg9 : memref<128x128xf32, #tpu.memory_space<vmem>>) offsets(%dma_start3A_86 : memref<128xi32, #tpu.memory_space<vmem>>) semaphore(%arg12 : memref<!tpu.dma_semaphore, #tpu.memory_space<semaphore_mem>>)
      %mul3A_90 = arith.constant 2 : i32
      %mul3A_91 = arith.muli %scan3A_67, %mul3A_90 : i32
      %add3A_92 = arith.constant 1 : i32
      %add3A_93 = arith.addi %mul3A_91, %add3A_92 : i32
      %mul3A_94 = arith.constant 128 : i32
      %mul3A_95 = arith.muli %add3A_93, %mul3A_94 : i32
      %multiple_of3A_96 = tpu.assume_multiple %mul3A_95, 128 : i32
      %dma_wait3A_97 = tpu.memref_slice %arg7[%multiple_of3A_96] : memref<5120xi32, #tpu.memory_space<vmem>> -> memref<128xi32, #tpu.memory_space<vmem>>
      %dma_wait3A_98 = arith.constant 0 : i32
      %dma_wait3A_99 = arith.constant 0 : i32
      %dma_wait3A_100 = tpu.memref_slice %arg2[%dma_wait3A_98, %dma_wait3A_99] : memref<10240x128xf32, #tpu.memory_space<hbm>> -> memref<10240x128xf32, #tpu.memory_space<hbm>>
      tpu.wait_indirect_dma semaphore(%arg13 : memref<!tpu.dma_semaphore, #tpu.memory_space<semaphore_mem>>) src(%dma_wait3A_100 : memref<10240x128xf32, #tpu.memory_space<hbm>>) dst(%arg10 : memref<128x128xf32, #tpu.memory_space<vmem>>)
      %add3A_101 = arith.constant 0 : i32
      %add3A_102 = arith.addi %add3A_101, %add3A_93 : i32
      "tpu.region"() ({
        %run_scoped3A_112 = tpu.sem_alloc : memref<!tpu.dma_semaphore, #tpu.memory_space<semaphore_mem>>
        %dma_start3A_113 = arith.constant 0 : i32
        %dma_start3A_114 = tpu.memref_slice %arg8[%add3A_102, %dma_start3A_113] : memref<80x128xi32, #tpu.memory_space<vmem>> -> memref<1x128xi32, #tpu.memory_space<vmem>>
        %dma_start3A_115 = tpu.memref_squeeze %dma_start3A_114 : memref<1x128xi32, #tpu.memory_space<vmem>> -> memref<128xi32, #tpu.memory_space<vmem>>
        %dma_start3A_116 = arith.constant 0 : i32
        %dma_start3A_117 = arith.constant 0 : i32
        %dma_start3A_118 = tpu.memref_slice %arg11[%dma_start3A_116, %dma_start3A_117] : memref<10240x128xf32, #tpu.memory_space<vmem_shared>> -> memref<10240x128xf32, #tpu.memory_space<vmem_shared>>
        tpu.enqueue_indirect_dma source(%arg10 : memref<128x128xf32, #tpu.memory_space<vmem>>) target(%dma_start3A_118 : memref<10240x128xf32, #tpu.memory_space<vmem_shared>>) offsets(%dma_start3A_115 : memref<128xi32, #tpu.memory_space<vmem>>) semaphore(%run_scoped3A_112 : memref<!tpu.dma_semaphore, #tpu.memory_space<semaphore_mem>>) {add = true}
        %dma_wait3A_119 = arith.constant 0 : i32
        %dma_wait3A_120 = tpu.memref_slice %arg8[%add3A_102, %dma_wait3A_119] : memref<80x128xi32, #tpu.memory_space<vmem>> -> memref<1x128xi32, #tpu.memory_space<vmem>>
        %dma_wait3A_121 = tpu.memref_squeeze %dma_wait3A_120 : memref<1x128xi32, #tpu.memory_space<vmem>> -> memref<128xi32, #tpu.memory_space<vmem>>
        %dma_wait3A_122 = arith.constant 0 : i32
        %dma_wait3A_123 = arith.constant 0 : i32
        %dma_wait3A_124 = tpu.memref_slice %arg11[%dma_wait3A_122, %dma_wait3A_123] : memref<10240x128xf32, #tpu.memory_space<vmem_shared>> -> memref<10240x128xf32, #tpu.memory_space<vmem_shared>>
        tpu.wait_indirect_dma semaphore(%run_scoped3A_112 : memref<!tpu.dma_semaphore, #tpu.memory_space<semaphore_mem>>) src(%arg10 : memref<128x128xf32, #tpu.memory_space<vmem>>) dst(%dma_wait3A_124 : memref<10240x128xf32, #tpu.memory_space<vmem_shared>>)
        tpu.yield
      }) : () -> ()
      %add3A_103 = arith.constant 2 : i32
      %add3A_104 = arith.addi %add3A_93, %add3A_103 : i32
      %mul3A_105 = arith.constant 128 : i32
      %mul3A_106 = arith.muli %add3A_104, %mul3A_105 : i32
      %multiple_of3A_107 = tpu.assume_multiple %mul3A_106, 128 : i32
      %dma_start3A_108 = tpu.memref_slice %arg7[%multiple_of3A_107] : memref<5120xi32, #tpu.memory_space<vmem>> -> memref<128xi32, #tpu.memory_space<vmem>>
      %dma_start3A_109 = arith.constant 0 : i32
      %dma_start3A_110 = arith.constant 0 : i32
      %dma_start3A_111 = tpu.memref_slice %arg2[%dma_start3A_109, %dma_start3A_110] : memref<10240x128xf32, #tpu.memory_space<hbm>> -> memref<10240x128xf32, #tpu.memory_space<hbm>>
      tpu.enqueue_indirect_dma source(%dma_start3A_111 : memref<10240x128xf32, #tpu.memory_space<hbm>>) target(%arg10 : memref<128x128xf32, #tpu.memory_space<vmem>>) offsets(%dma_start3A_108 : memref<128xi32, #tpu.memory_space<vmem>>) semaphore(%arg13 : memref<!tpu.dma_semaphore, #tpu.memory_space<semaphore_mem>>)
    }
    %scan3A_17 = arith.constant 19 : i32
    %multiple_of3A_18 = arith.constant 4864 : i32
    %multiple_of3A_19 = tpu.assume_multiple %multiple_of3A_18, 128 : i32
    %dma_wait3A = tpu.memref_slice %arg7[%multiple_of3A_19] : memref<5120xi32, #tpu.memory_space<vmem>> -> memref<128xi32, #tpu.memory_space<vmem>>
    %dma_wait3A_20 = arith.constant 0 : i32
    %dma_wait3A_21 = arith.constant 0 : i32
    %dma_wait3A_22 = tpu.memref_slice %arg2[%dma_wait3A_20, %dma_wait3A_21] : memref<10240x128xf32, #tpu.memory_space<hbm>> -> memref<10240x128xf32, #tpu.memory_space<hbm>>
    tpu.wait_indirect_dma semaphore(%arg12 : memref<!tpu.dma_semaphore, #tpu.memory_space<semaphore_mem>>) src(%dma_wait3A_22 : memref<10240x128xf32, #tpu.memory_space<hbm>>) dst(%arg9 : memref<128x128xf32, #tpu.memory_space<vmem>>)
    %run_scoped3A = arith.constant 38 : i32
    "tpu.region"() ({
      %run_scoped3A_67 = tpu.sem_alloc : memref<!tpu.dma_semaphore, #tpu.memory_space<semaphore_mem>>
      %dma_start3A_68 = arith.constant 0 : i32
      %dma_start3A_69 = tpu.memref_slice %arg8[%run_scoped3A, %dma_start3A_68] : memref<80x128xi32, #tpu.memory_space<vmem>> -> memref<1x128xi32, #tpu.memory_space<vmem>>
      %dma_start3A_70 = tpu.memref_squeeze %dma_start3A_69 : memref<1x128xi32, #tpu.memory_space<vmem>> -> memref<128xi32, #tpu.memory_space<vmem>>
      %dma_start3A_71 = arith.constant 0 : i32
      %dma_start3A_72 = arith.constant 0 : i32
      %dma_start3A_73 = tpu.memref_slice %arg11[%dma_start3A_71, %dma_start3A_72] : memref<10240x128xf32, #tpu.memory_space<vmem_shared>> -> memref<10240x128xf32, #tpu.memory_space<vmem_shared>>
      tpu.enqueue_indirect_dma source(%arg9 : memref<128x128xf32, #tpu.memory_space<vmem>>) target(%dma_start3A_73 : memref<10240x128xf32, #tpu.memory_space<vmem_shared>>) offsets(%dma_start3A_70 : memref<128xi32, #tpu.memory_space<vmem>>) semaphore(%run_scoped3A_67 : memref<!tpu.dma_semaphore, #tpu.memory_space<semaphore_mem>>) {add = true}
      %dma_wait3A_74 = arith.constant 0 : i32
      %dma_wait3A_75 = tpu.memref_slice %arg8[%run_scoped3A, %dma_wait3A_74] : memref<80x128xi32, #tpu.memory_space<vmem>> -> memref<1x128xi32, #tpu.memory_space<vmem>>
      %dma_wait3A_76 = tpu.memref_squeeze %dma_wait3A_75 : memref<1x128xi32, #tpu.memory_space<vmem>> -> memref<128xi32, #tpu.memory_space<vmem>>
      %dma_wait3A_77 = arith.constant 0 : i32
      %dma_wait3A_78 = arith.constant 0 : i32
      %dma_wait3A_79 = tpu.memref_slice %arg11[%dma_wait3A_77, %dma_wait3A_78] : memref<10240x128xf32, #tpu.memory_space<vmem_shared>> -> memref<10240x128xf32, #tpu.memory_space<vmem_shared>>
      tpu.wait_indirect_dma semaphore(%run_scoped3A_67 : memref<!tpu.dma_semaphore, #tpu.memory_space<semaphore_mem>>) src(%arg9 : memref<128x128xf32, #tpu.memory_space<vmem>>) dst(%dma_wait3A_79 : memref<10240x128xf32, #tpu.memory_space<vmem_shared>>)
      tpu.yield
    }) : () -> ()
    %multiple_of3A_23 = arith.constant 4992 : i32
    %multiple_of3A_24 = tpu.assume_multiple %multiple_of3A_23, 128 : i32
    %dma_wait3A_25 = tpu.memref_slice %arg7[%multiple_of3A_24] : memref<5120xi32, #tpu.memory_space<vmem>> -> memref<128xi32, #tpu.memory_space<vmem>>
    %dma_wait3A_26 = arith.constant 0 : i32
    %dma_wait3A_27 = arith.constant 0 : i32
    %dma_wait3A_28 = tpu.memref_slice %arg2[%dma_wait3A_26, %dma_wait3A_27] : memref<10240x128xf32, #tpu.memory_space<hbm>> -> memref<10240x128xf32, #tpu.memory_space<hbm>>
    tpu.wait_indirect_dma semaphore(%arg13 : memref<!tpu.dma_semaphore, #tpu.memory_space<semaphore_mem>>) src(%dma_wait3A_28 : memref<10240x128xf32, #tpu.memory_space<hbm>>) dst(%arg10 : memref<128x128xf32, #tpu.memory_space<vmem>>)
    %run_scoped3A_29 = arith.constant 39 : i32
    "tpu.region"() ({
      %run_scoped3A_67 = tpu.sem_alloc : memref<!tpu.dma_semaphore, #tpu.memory_space<semaphore_mem>>
      %dma_start3A_68 = arith.constant 0 : i32
      %dma_start3A_69 = tpu.memref_slice %arg8[%run_scoped3A_29, %dma_start3A_68] : memref<80x128xi32, #tpu.memory_space<vmem>> -> memref<1x128xi32, #tpu.memory_space<vmem>>
      %dma_start3A_70 = tpu.memref_squeeze %dma_start3A_69 : memref<1x128xi32, #tpu.memory_space<vmem>> -> memref<128xi32, #tpu.memory_space<vmem>>
      %dma_start3A_71 = arith.constant 0 : i32
      %dma_start3A_72 = arith.constant 0 : i32
      %dma_start3A_73 = tpu.memref_slice %arg11[%dma_start3A_71, %dma_start3A_72] : memref<10240x128xf32, #tpu.memory_space<vmem_shared>> -> memref<10240x128xf32, #tpu.memory_space<vmem_shared>>
      tpu.enqueue_indirect_dma source(%arg10 : memref<128x128xf32, #tpu.memory_space<vmem>>) target(%dma_start3A_73 : memref<10240x128xf32, #tpu.memory_space<vmem_shared>>) offsets(%dma_start3A_70 : memref<128xi32, #tpu.memory_space<vmem>>) semaphore(%run_scoped3A_67 : memref<!tpu.dma_semaphore, #tpu.memory_space<semaphore_mem>>) {add = true}
      %dma_wait3A_74 = arith.constant 0 : i32
      %dma_wait3A_75 = tpu.memref_slice %arg8[%run_scoped3A_29, %dma_wait3A_74] : memref<80x128xi32, #tpu.memory_space<vmem>> -> memref<1x128xi32, #tpu.memory_space<vmem>>
      %dma_wait3A_76 = tpu.memref_squeeze %dma_wait3A_75 : memref<1x128xi32, #tpu.memory_space<vmem>> -> memref<128xi32, #tpu.memory_space<vmem>>
      %dma_wait3A_77 = arith.constant 0 : i32
      %dma_wait3A_78 = arith.constant 0 : i32
      %dma_wait3A_79 = tpu.memref_slice %arg11[%dma_wait3A_77, %dma_wait3A_78] : memref<10240x128xf32, #tpu.memory_space<vmem_shared>> -> memref<10240x128xf32, #tpu.memory_space<vmem_shared>>
      tpu.wait_indirect_dma semaphore(%run_scoped3A_67 : memref<!tpu.dma_semaphore, #tpu.memory_space<semaphore_mem>>) src(%arg10 : memref<128x128xf32, #tpu.memory_space<vmem>>) dst(%dma_wait3A_79 : memref<10240x128xf32, #tpu.memory_space<vmem_shared>>)
      tpu.yield
    }) : () -> ()
    "tpu.region"() ({
      %run_scoped3A_67 = tpu.sem_alloc : memref<!tpu.dma_semaphore, #tpu.memory_space<semaphore_mem>>
      %dma_start3A_68 = arith.constant 5120 : i32
      %dma_start3A_69 = tpu.memref_slice %arg3[%add3A, %dma_start3A_68] : memref<32x10240xi32, #tpu.memory_space<hbm>> -> memref<1x5120xi32, #tpu.memory_space<hbm>>
      %dma_start3A_70 = tpu.memref_squeeze %dma_start3A_69 : memref<1x5120xi32, #tpu.memory_space<hbm>> -> memref<5120xi32, #tpu.memory_space<hbm>>
      %dma_start3A_71 = arith.constant 5120 : i32
      %dma_start3A_72 = tpu.memref_slice %arg3[%add3A, %dma_start3A_71] : memref<32x10240xi32, #tpu.memory_space<hbm>> -> memref<1x5120xi32, #tpu.memory_space<hbm>>
      %dma_start3A_73 = tpu.memref_squeeze %dma_start3A_72 : memref<1x5120xi32, #tpu.memory_space<hbm>> -> memref<5120xi32, #tpu.memory_space<hbm>>
      tpu.enqueue_dma source(%dma_start3A_73 : memref<5120xi32, #tpu.memory_space<hbm>>) target(%arg7 : memref<5120xi32, #tpu.memory_space<vmem>>) target_semaphore(%run_scoped3A_67 : memref<!tpu.dma_semaphore, #tpu.memory_space<semaphore_mem>>)
      %dma_wait3A_74 = arith.constant 5120 : i32
      %dma_wait3A_75 = tpu.memref_slice %arg3[%add3A, %dma_wait3A_74] : memref<32x10240xi32, #tpu.memory_space<hbm>> -> memref<1x5120xi32, #tpu.memory_space<hbm>>
      %dma_wait3A_76 = tpu.memref_squeeze %dma_wait3A_75 : memref<1x5120xi32, #tpu.memory_space<hbm>> -> memref<5120xi32, #tpu.memory_space<hbm>>
      %dma_wait3A_77 = arith.constant 5120 : i32
      %dma_wait3A_78 = tpu.memref_slice %arg3[%add3A, %dma_wait3A_77] : memref<32x10240xi32, #tpu.memory_space<hbm>> -> memref<1x5120xi32, #tpu.memory_space<hbm>>
      %dma_wait3A_79 = tpu.memref_squeeze %dma_wait3A_78 : memref<1x5120xi32, #tpu.memory_space<hbm>> -> memref<5120xi32, #tpu.memory_space<hbm>>
      tpu.wait_dma2 semaphore(%run_scoped3A_67 : memref<!tpu.dma_semaphore, #tpu.memory_space<semaphore_mem>>) src(%dma_wait3A_79 : memref<5120xi32, #tpu.memory_space<hbm>>) dst(%arg7 : memref<5120xi32, #tpu.memory_space<vmem>>)
      tpu.yield
    }) : () -> ()
    %multiple_of3A_30 = arith.constant 0 : i32
    %multiple_of3A_31 = tpu.assume_multiple %multiple_of3A_30, 128 : i32
    %dma_start3A_32 = tpu.memref_slice %arg7[%multiple_of3A_31] : memref<5120xi32, #tpu.memory_space<vmem>> -> memref<128xi32, #tpu.memory_space<vmem>>
    %dma_start3A_33 = arith.constant 0 : i32
    %dma_start3A_34 = arith.constant 0 : i32
    %dma_start3A_35 = tpu.memref_slice %arg2[%dma_start3A_33, %dma_start3A_34] : memref<10240x128xf32, #tpu.memory_space<hbm>> -> memref<10240x128xf32, #tpu.memory_space<hbm>>
    tpu.enqueue_indirect_dma source(%dma_start3A_35 : memref<10240x128xf32, #tpu.memory_space<hbm>>) target(%arg9 : memref<128x128xf32, #tpu.memory_space<vmem>>) offsets(%dma_start3A_32 : memref<128xi32, #tpu.memory_space<vmem>>) semaphore(%arg12 : memref<!tpu.dma_semaphore, #tpu.memory_space<semaphore_mem>>)
    %multiple_of3A_36 = arith.constant 128 : i32
    %multiple_of3A_37 = tpu.assume_multiple %multiple_of3A_36, 128 : i32
    %dma_start3A_38 = tpu.memref_slice %arg7[%multiple_of3A_37] : memref<5120xi32, #tpu.memory_space<vmem>> -> memref<128xi32, #tpu.memory_space<vmem>>
    %dma_start3A_39 = arith.constant 0 : i32
    %dma_start3A_40 = arith.constant 0 : i32
    %dma_start3A_41 = tpu.memref_slice %arg2[%dma_start3A_39, %dma_start3A_40] : memref<10240x128xf32, #tpu.memory_space<hbm>> -> memref<10240x128xf32, #tpu.memory_space<hbm>>
    tpu.enqueue_indirect_dma source(%dma_start3A_41 : memref<10240x128xf32, #tpu.memory_space<hbm>>) target(%arg10 : memref<128x128xf32, #tpu.memory_space<vmem>>) offsets(%dma_start3A_38 : memref<128xi32, #tpu.memory_space<vmem>>) semaphore(%arg13 : memref<!tpu.dma_semaphore, #tpu.memory_space<semaphore_mem>>)
    %scan3A_42 = arith.constant 0 : i32
    %scan3A_43 = arith.constant 0 : i32
    %scan3A_44 = arith.constant 19 : i32
    %scan3A_45 = arith.addi %scan3A_43, %scan3A_44 : i32
    %scan3A_46 = arith.constant 1 : i32
    scf.for %scan3A_67 = %scan3A_43 to %scan3A_45 step %scan3A_46  : i32 {
      %mul3A_68 = arith.constant 2 : i32
      %mul3A_69 = arith.muli %scan3A_67, %mul3A_68 : i32
      %add3A_70 = arith.constant 0 : i32
      %add3A_71 = arith.addi %mul3A_69, %add3A_70 : i32
      %mul3A_72 = arith.constant 128 : i32
      %mul3A_73 = arith.muli %add3A_71, %mul3A_72 : i32
      %multiple_of3A_74 = tpu.assume_multiple %mul3A_73, 128 : i32
      %dma_wait3A_75 = tpu.memref_slice %arg7[%multiple_of3A_74] : memref<5120xi32, #tpu.memory_space<vmem>> -> memref<128xi32, #tpu.memory_space<vmem>>
      %dma_wait3A_76 = arith.constant 0 : i32
      %dma_wait3A_77 = arith.constant 0 : i32
      %dma_wait3A_78 = tpu.memref_slice %arg2[%dma_wait3A_76, %dma_wait3A_77] : memref<10240x128xf32, #tpu.memory_space<hbm>> -> memref<10240x128xf32, #tpu.memory_space<hbm>>
      tpu.wait_indirect_dma semaphore(%arg12 : memref<!tpu.dma_semaphore, #tpu.memory_space<semaphore_mem>>) src(%dma_wait3A_78 : memref<10240x128xf32, #tpu.memory_space<hbm>>) dst(%arg9 : memref<128x128xf32, #tpu.memory_space<vmem>>)
      %add3A_79 = arith.constant 40 : i32
      %add3A_80 = arith.addi %add3A_79, %add3A_71 : i32
      "tpu.region"() ({
        %run_scoped3A_112 = tpu.sem_alloc : memref<!tpu.dma_semaphore, #tpu.memory_space<semaphore_mem>>
        %dma_start3A_113 = arith.constant 0 : i32
        %dma_start3A_114 = tpu.memref_slice %arg8[%add3A_80, %dma_start3A_113] : memref<80x128xi32, #tpu.memory_space<vmem>> -> memref<1x128xi32, #tpu.memory_space<vmem>>
        %dma_start3A_115 = tpu.memref_squeeze %dma_start3A_114 : memref<1x128xi32, #tpu.memory_space<vmem>> -> memref<128xi32, #tpu.memory_space<vmem>>
        %dma_start3A_116 = arith.constant 0 : i32
        %dma_start3A_117 = arith.constant 0 : i32
        %dma_start3A_118 = tpu.memref_slice %arg11[%dma_start3A_116, %dma_start3A_117] : memref<10240x128xf32, #tpu.memory_space<vmem_shared>> -> memref<10240x128xf32, #tpu.memory_space<vmem_shared>>
        tpu.enqueue_indirect_dma source(%arg9 : memref<128x128xf32, #tpu.memory_space<vmem>>) target(%dma_start3A_118 : memref<10240x128xf32, #tpu.memory_space<vmem_shared>>) offsets(%dma_start3A_115 : memref<128xi32, #tpu.memory_space<vmem>>) semaphore(%run_scoped3A_112 : memref<!tpu.dma_semaphore, #tpu.memory_space<semaphore_mem>>) {add = true}
        %dma_wait3A_119 = arith.constant 0 : i32
        %dma_wait3A_120 = tpu.memref_slice %arg8[%add3A_80, %dma_wait3A_119] : memref<80x128xi32, #tpu.memory_space<vmem>> -> memref<1x128xi32, #tpu.memory_space<vmem>>
        %dma_wait3A_121 = tpu.memref_squeeze %dma_wait3A_120 : memref<1x128xi32, #tpu.memory_space<vmem>> -> memref<128xi32, #tpu.memory_space<vmem>>
        %dma_wait3A_122 = arith.constant 0 : i32
        %dma_wait3A_123 = arith.constant 0 : i32
        %dma_wait3A_124 = tpu.memref_slice %arg11[%dma_wait3A_122, %dma_wait3A_123] : memref<10240x128xf32, #tpu.memory_space<vmem_shared>> -> memref<10240x128xf32, #tpu.memory_space<vmem_shared>>
        tpu.wait_indirect_dma semaphore(%run_scoped3A_112 : memref<!tpu.dma_semaphore, #tpu.memory_space<semaphore_mem>>) src(%arg9 : memref<128x128xf32, #tpu.memory_space<vmem>>) dst(%dma_wait3A_124 : memref<10240x128xf32, #tpu.memory_space<vmem_shared>>)
        tpu.yield
      }) : () -> ()
      %add3A_81 = arith.constant 2 : i32
      %add3A_82 = arith.addi %add3A_71, %add3A_81 : i32
      %mul3A_83 = arith.constant 128 : i32
      %mul3A_84 = arith.muli %add3A_82, %mul3A_83 : i32
      %multiple_of3A_85 = tpu.assume_multiple %mul3A_84, 128 : i32
      %dma_start3A_86 = tpu.memref_slice %arg7[%multiple_of3A_85] : memref<5120xi32, #tpu.memory_space<vmem>> -> memref<128xi32, #tpu.memory_space<vmem>>
      %dma_start3A_87 = arith.constant 0 : i32
      %dma_start3A_88 = arith.constant 0 : i32
      %dma_start3A_89 = tpu.memref_slice %arg2[%dma_start3A_87, %dma_start3A_88] : memref<10240x128xf32, #tpu.memory_space<hbm>> -> memref<10240x128xf32, #tpu.memory_space<hbm>>
      tpu.enqueue_indirect_dma source(%dma_start3A_89 : memref<10240x128xf32, #tpu.memory_space<hbm>>) target(%arg9 : memref<128x128xf32, #tpu.memory_space<vmem>>) offsets(%dma_start3A_86 : memref<128xi32, #tpu.memory_space<vmem>>) semaphore(%arg12 : memref<!tpu.dma_semaphore, #tpu.memory_space<semaphore_mem>>)
      %mul3A_90 = arith.constant 2 : i32
      %mul3A_91 = arith.muli %scan3A_67, %mul3A_90 : i32
      %add3A_92 = arith.constant 1 : i32
      %add3A_93 = arith.addi %mul3A_91, %add3A_92 : i32
      %mul3A_94 = arith.constant 128 : i32
      %mul3A_95 = arith.muli %add3A_93, %mul3A_94 : i32
      %multiple_of3A_96 = tpu.assume_multiple %mul3A_95, 128 : i32
      %dma_wait3A_97 = tpu.memref_slice %arg7[%multiple_of3A_96] : memref<5120xi32, #tpu.memory_space<vmem>> -> memref<128xi32, #tpu.memory_space<vmem>>
      %dma_wait3A_98 = arith.constant 0 : i32
      %dma_wait3A_99 = arith.constant 0 : i32
      %dma_wait3A_100 = tpu.memref_slice %arg2[%dma_wait3A_98, %dma_wait3A_99] : memref<10240x128xf32, #tpu.memory_space<hbm>> -> memref<10240x128xf32, #tpu.memory_space<hbm>>
      tpu.wait_indirect_dma semaphore(%arg13 : memref<!tpu.dma_semaphore, #tpu.memory_space<semaphore_mem>>) src(%dma_wait3A_100 : memref<10240x128xf32, #tpu.memory_space<hbm>>) dst(%arg10 : memref<128x128xf32, #tpu.memory_space<vmem>>)
      %add3A_101 = arith.constant 40 : i32
      %add3A_102 = arith.addi %add3A_101, %add3A_93 : i32
      "tpu.region"() ({
        %run_scoped3A_112 = tpu.sem_alloc : memref<!tpu.dma_semaphore, #tpu.memory_space<semaphore_mem>>
        %dma_start3A_113 = arith.constant 0 : i32
        %dma_start3A_114 = tpu.memref_slice %arg8[%add3A_102, %dma_start3A_113] : memref<80x128xi32, #tpu.memory_space<vmem>> -> memref<1x128xi32, #tpu.memory_space<vmem>>
        %dma_start3A_115 = tpu.memref_squeeze %dma_start3A_114 : memref<1x128xi32, #tpu.memory_space<vmem>> -> memref<128xi32, #tpu.memory_space<vmem>>
        %dma_start3A_116 = arith.constant 0 : i32
        %dma_start3A_117 = arith.constant 0 : i32
        %dma_start3A_118 = tpu.memref_slice %arg11[%dma_start3A_116, %dma_start3A_117] : memref<10240x128xf32, #tpu.memory_space<vmem_shared>> -> memref<10240x128xf32, #tpu.memory_space<vmem_shared>>
        tpu.enqueue_indirect_dma source(%arg10 : memref<128x128xf32, #tpu.memory_space<vmem>>) target(%dma_start3A_118 : memref<10240x128xf32, #tpu.memory_space<vmem_shared>>) offsets(%dma_start3A_115 : memref<128xi32, #tpu.memory_space<vmem>>) semaphore(%run_scoped3A_112 : memref<!tpu.dma_semaphore, #tpu.memory_space<semaphore_mem>>) {add = true}
        %dma_wait3A_119 = arith.constant 0 : i32
        %dma_wait3A_120 = tpu.memref_slice %arg8[%add3A_102, %dma_wait3A_119] : memref<80x128xi32, #tpu.memory_space<vmem>> -> memref<1x128xi32, #tpu.memory_space<vmem>>
        %dma_wait3A_121 = tpu.memref_squeeze %dma_wait3A_120 : memref<1x128xi32, #tpu.memory_space<vmem>> -> memref<128xi32, #tpu.memory_space<vmem>>
        %dma_wait3A_122 = arith.constant 0 : i32
        %dma_wait3A_123 = arith.constant 0 : i32
        %dma_wait3A_124 = tpu.memref_slice %arg11[%dma_wait3A_122, %dma_wait3A_123] : memref<10240x128xf32, #tpu.memory_space<vmem_shared>> -> memref<10240x128xf32, #tpu.memory_space<vmem_shared>>
        tpu.wait_indirect_dma semaphore(%run_scoped3A_112 : memref<!tpu.dma_semaphore, #tpu.memory_space<semaphore_mem>>) src(%arg10 : memref<128x128xf32, #tpu.memory_space<vmem>>) dst(%dma_wait3A_124 : memref<10240x128xf32, #tpu.memory_space<vmem_shared>>)
        tpu.yield
      }) : () -> ()
      %add3A_103 = arith.constant 2 : i32
      %add3A_104 = arith.addi %add3A_93, %add3A_103 : i32
      %mul3A_105 = arith.constant 128 : i32
      %mul3A_106 = arith.muli %add3A_104, %mul3A_105 : i32
      %multiple_of3A_107 = tpu.assume_multiple %mul3A_106, 128 : i32
      %dma_start3A_108 = tpu.memref_slice %arg7[%multiple_of3A_107] : memref<5120xi32, #tpu.memory_space<vmem>> -> memref<128xi32, #tpu.memory_space<vmem>>
      %dma_start3A_109 = arith.constant 0 : i32
      %dma_start3A_110 = arith.constant 0 : i32
      %dma_start3A_111 = tpu.memref_slice %arg2[%dma_start3A_109, %dma_start3A_110] : memref<10240x128xf32, #tpu.memory_space<hbm>> -> memref<10240x128xf32, #tpu.memory_space<hbm>>
      tpu.enqueue_indirect_dma source(%dma_start3A_111 : memref<10240x128xf32, #tpu.memory_space<hbm>>) target(%arg10 : memref<128x128xf32, #tpu.memory_space<vmem>>) offsets(%dma_start3A_108 : memref<128xi32, #tpu.memory_space<vmem>>) semaphore(%arg13 : memref<!tpu.dma_semaphore, #tpu.memory_space<semaphore_mem>>)
    }
    %scan3A_47 = arith.constant 19 : i32
    %multiple_of3A_48 = arith.constant 4864 : i32
    %multiple_of3A_49 = tpu.assume_multiple %multiple_of3A_48, 128 : i32
    %dma_wait3A_50 = tpu.memref_slice %arg7[%multiple_of3A_49] : memref<5120xi32, #tpu.memory_space<vmem>> -> memref<128xi32, #tpu.memory_space<vmem>>
    %dma_wait3A_51 = arith.constant 0 : i32
    %dma_wait3A_52 = arith.constant 0 : i32
    %dma_wait3A_53 = tpu.memref_slice %arg2[%dma_wait3A_51, %dma_wait3A_52] : memref<10240x128xf32, #tpu.memory_space<hbm>> -> memref<10240x128xf32, #tpu.memory_space<hbm>>
    tpu.wait_indirect_dma semaphore(%arg12 : memref<!tpu.dma_semaphore, #tpu.memory_space<semaphore_mem>>) src(%dma_wait3A_53 : memref<10240x128xf32, #tpu.memory_space<hbm>>) dst(%arg9 : memref<128x128xf32, #tpu.memory_space<vmem>>)
    %run_scoped3A_54 = arith.constant 78 : i32
    "tpu.region"() ({
      %run_scoped3A_67 = tpu.sem_alloc : memref<!tpu.dma_semaphore, #tpu.memory_space<semaphore_mem>>
      %dma_start3A_68 = arith.constant 0 : i32
      %dma_start3A_69 = tpu.memref_slice %arg8[%run_scoped3A_54, %dma_start3A_68] : memref<80x128xi32, #tpu.memory_space<vmem>> -> memref<1x128xi32, #tpu.memory_space<vmem>>
      %dma_start3A_70 = tpu.memref_squeeze %dma_start3A_69 : memref<1x128xi32, #tpu.memory_space<vmem>> -> memref<128xi32, #tpu.memory_space<vmem>>
      %dma_start3A_71 = arith.constant 0 : i32
      %dma_start3A_72 = arith.constant 0 : i32
      %dma_start3A_73 = tpu.memref_slice %arg11[%dma_start3A_71, %dma_start3A_72] : memref<10240x128xf32, #tpu.memory_space<vmem_shared>> -> memref<10240x128xf32, #tpu.memory_space<vmem_shared>>
      tpu.enqueue_indirect_dma source(%arg9 : memref<128x128xf32, #tpu.memory_space<vmem>>) target(%dma_start3A_73 : memref<10240x128xf32, #tpu.memory_space<vmem_shared>>) offsets(%dma_start3A_70 : memref<128xi32, #tpu.memory_space<vmem>>) semaphore(%run_scoped3A_67 : memref<!tpu.dma_semaphore, #tpu.memory_space<semaphore_mem>>) {add = true}
      %dma_wait3A_74 = arith.constant 0 : i32
      %dma_wait3A_75 = tpu.memref_slice %arg8[%run_scoped3A_54, %dma_wait3A_74] : memref<80x128xi32, #tpu.memory_space<vmem>> -> memref<1x128xi32, #tpu.memory_space<vmem>>
      %dma_wait3A_76 = tpu.memref_squeeze %dma_wait3A_75 : memref<1x128xi32, #tpu.memory_space<vmem>> -> memref<128xi32, #tpu.memory_space<vmem>>
      %dma_wait3A_77 = arith.constant 0 : i32
      %dma_wait3A_78 = arith.constant 0 : i32
      %dma_wait3A_79 = tpu.memref_slice %arg11[%dma_wait3A_77, %dma_wait3A_78] : memref<10240x128xf32, #tpu.memory_space<vmem_shared>> -> memref<10240x128xf32, #tpu.memory_space<vmem_shared>>
      tpu.wait_indirect_dma semaphore(%run_scoped3A_67 : memref<!tpu.dma_semaphore, #tpu.memory_space<semaphore_mem>>) src(%arg9 : memref<128x128xf32, #tpu.memory_space<vmem>>) dst(%dma_wait3A_79 : memref<10240x128xf32, #tpu.memory_space<vmem_shared>>)
      tpu.yield
    }) : () -> ()
    %multiple_of3A_55 = arith.constant 4992 : i32
    %multiple_of3A_56 = tpu.assume_multiple %multiple_of3A_55, 128 : i32
    %dma_wait3A_57 = tpu.memref_slice %arg7[%multiple_of3A_56] : memref<5120xi32, #tpu.memory_space<vmem>> -> memref<128xi32, #tpu.memory_space<vmem>>
    %dma_wait3A_58 = arith.constant 0 : i32
    %dma_wait3A_59 = arith.constant 0 : i32
    %dma_wait3A_60 = tpu.memref_slice %arg2[%dma_wait3A_58, %dma_wait3A_59] : memref<10240x128xf32, #tpu.memory_space<hbm>> -> memref<10240x128xf32, #tpu.memory_space<hbm>>
    tpu.wait_indirect_dma semaphore(%arg13 : memref<!tpu.dma_semaphore, #tpu.memory_space<semaphore_mem>>) src(%dma_wait3A_60 : memref<10240x128xf32, #tpu.memory_space<hbm>>) dst(%arg10 : memref<128x128xf32, #tpu.memory_space<vmem>>)
    %run_scoped3A_61 = arith.constant 79 : i32
    "tpu.region"() ({
      %run_scoped3A_67 = tpu.sem_alloc : memref<!tpu.dma_semaphore, #tpu.memory_space<semaphore_mem>>
      %dma_start3A_68 = arith.constant 0 : i32
      %dma_start3A_69 = tpu.memref_slice %arg8[%run_scoped3A_61, %dma_start3A_68] : memref<80x128xi32, #tpu.memory_space<vmem>> -> memref<1x128xi32, #tpu.memory_space<vmem>>
      %dma_start3A_70 = tpu.memref_squeeze %dma_start3A_69 : memref<1x128xi32, #tpu.memory_space<vmem>> -> memref<128xi32, #tpu.memory_space<vmem>>
      %dma_start3A_71 = arith.constant 0 : i32
      %dma_start3A_72 = arith.constant 0 : i32
      %dma_start3A_73 = tpu.memref_slice %arg11[%dma_start3A_71, %dma_start3A_72] : memref<10240x128xf32, #tpu.memory_space<vmem_shared>> -> memref<10240x128xf32, #tpu.memory_space<vmem_shared>>
      tpu.enqueue_indirect_dma source(%arg10 : memref<128x128xf32, #tpu.memory_space<vmem>>) target(%dma_start3A_73 : memref<10240x128xf32, #tpu.memory_space<vmem_shared>>) offsets(%dma_start3A_70 : memref<128xi32, #tpu.memory_space<vmem>>) semaphore(%run_scoped3A_67 : memref<!tpu.dma_semaphore, #tpu.memory_space<semaphore_mem>>) {add = true}
      %dma_wait3A_74 = arith.constant 0 : i32
      %dma_wait3A_75 = tpu.memref_slice %arg8[%run_scoped3A_61, %dma_wait3A_74] : memref<80x128xi32, #tpu.memory_space<vmem>> -> memref<1x128xi32, #tpu.memory_space<vmem>>
      %dma_wait3A_76 = tpu.memref_squeeze %dma_wait3A_75 : memref<1x128xi32, #tpu.memory_space<vmem>> -> memref<128xi32, #tpu.memory_space<vmem>>
      %dma_wait3A_77 = arith.constant 0 : i32
      %dma_wait3A_78 = arith.constant 0 : i32
      %dma_wait3A_79 = tpu.memref_slice %arg11[%dma_wait3A_77, %dma_wait3A_78] : memref<10240x128xf32, #tpu.memory_space<vmem_shared>> -> memref<10240x128xf32, #tpu.memory_space<vmem_shared>>
      tpu.wait_indirect_dma semaphore(%run_scoped3A_67 : memref<!tpu.dma_semaphore, #tpu.memory_space<semaphore_mem>>) src(%arg10 : memref<128x128xf32, #tpu.memory_space<vmem>>) dst(%dma_wait3A_79 : memref<10240x128xf32, #tpu.memory_space<vmem_shared>>)
      tpu.yield
    }) : () -> ()
    %barrier3A_62 = arith.constant 0 : index
    tpu.barrier barrier_id(%barrier3A_62)
    %mul3A_63 = arith.constant 640 : i32
    %mul3A_64 = arith.muli %arg1, %mul3A_63 : i32
    %mul3A_65 = arith.constant 640 : i32
    %mul3A_66 = arith.muli %arg1, %mul3A_65 : i32
    "tpu.region"() ({
      %run_scoped3A_67 = tpu.sem_alloc : memref<!tpu.dma_semaphore, #tpu.memory_space<semaphore_mem>>
      %dma_start3A_68 = arith.constant 0 : i32
      %dma_start3A_69 = tpu.memref_slice %arg6[%arg0, %mul3A_66, %dma_start3A_68] : memref<2x10240x128xf32, #tpu.memory_space<hbm>> -> memref<1x640x128xf32, #tpu.memory_space<hbm>>
      %dma_start3A_70 = tpu.memref_squeeze %dma_start3A_69 : memref<1x640x128xf32, #tpu.memory_space<hbm>> -> memref<640x128xf32, #tpu.memory_space<hbm>>
      %dma_start3A_71 = arith.constant 0 : i32
      %dma_start3A_72 = tpu.memref_slice %arg11[%mul3A_64, %dma_start3A_71] : memref<10240x128xf32, #tpu.memory_space<vmem_shared>> -> memref<640x128xf32, #tpu.memory_space<vmem_shared>>
      tpu.enqueue_dma source(%dma_start3A_72 : memref<640x128xf32, #tpu.memory_space<vmem_shared>>) target(%dma_start3A_70 : memref<640x128xf32, #tpu.memory_space<hbm>>) target_semaphore(%run_scoped3A_67 : memref<!tpu.dma_semaphore, #tpu.memory_space<semaphore_mem>>)
      %dma_wait3A_73 = arith.constant 0 : i32
      %dma_wait3A_74 = tpu.memref_slice %arg6[%arg0, %mul3A_66, %dma_wait3A_73] : memref<2x10240x128xf32, #tpu.memory_space<hbm>> -> memref<1x640x128xf32, #tpu.memory_space<hbm>>
      %dma_wait3A_75 = tpu.memref_squeeze %dma_wait3A_74 : memref<1x640x128xf32, #tpu.memory_space<hbm>> -> memref<640x128xf32, #tpu.memory_space<hbm>>
      %dma_wait3A_76 = arith.constant 0 : i32
      %dma_wait3A_77 = tpu.memref_slice %arg11[%mul3A_64, %dma_wait3A_76] : memref<10240x128xf32, #tpu.memory_space<vmem_shared>> -> memref<640x128xf32, #tpu.memory_space<vmem_shared>>
      tpu.wait_dma2 semaphore(%run_scoped3A_67 : memref<!tpu.dma_semaphore, #tpu.memory_space<semaphore_mem>>) src(%dma_wait3A_77 : memref<640x128xf32, #tpu.memory_space<vmem_shared>>) dst(%dma_wait3A_75 : memref<640x128xf32, #tpu.memory_space<hbm>>)
      tpu.yield
    }) : () -> ()
    return
  }
}

#map = affine_map<(d0, d1) -> (0, 0)>
#map1 = affine_map<(d0, d1) -> (0, 0, 0)>
module attributes {stable_mosaic.version = 14 : i64} {
  func.func @_agg_body(%arg0: i32, %arg1: i32, %arg2: memref<10240x128xf32, #tpu.memory_space<hbm>>, %arg3: memref<32x10240xi32, #tpu.memory_space<hbm>>, %arg4: memref<32x80x128xi32, #tpu.memory_space<hbm>>, %arg5: memref<640x128xf32, #tpu.memory_space<hbm>>, %arg6: memref<2x10240x128xf32, #tpu.memory_space<hbm>>, %arg7: memref<5120xi32, #tpu.memory_space<vmem>>, %arg8: memref<80x128xi32, #tpu.memory_space<vmem>>, %arg9: memref<128x128xf32, #tpu.memory_space<vmem>>, %arg10: memref<128x128xf32, #tpu.memory_space<vmem>>, %arg11: memref<10240x128xf32, #tpu.memory_space<vmem_shared>>, %arg12: memref<!tpu.dma_semaphore, #tpu.memory_space<semaphore_mem>>, %arg13: memref<!tpu.dma_semaphore, #tpu.memory_space<semaphore_mem>>) attributes {dimension_semantics = [#tpu.dimension_semantics<core_parallel>, #tpu.dimension_semantics<subcore_parallel>], iteration_bounds = array<i64: 2, 16>, scalar_prefetch = 0 : i64, scratch_operands = 7 : i64, tpu.core_type = #tpu.core_type<sc_vector_subcore>, window_params = [{transform_indices = #map}, {transform_indices = #map}, {transform_indices = #map1}, {transform_indices = #map}, {transform_indices = #map1}]} {
    %mul3A = arith.constant 2 : i32
    %mul3A_0 = arith.muli %arg1, %mul3A : i32
    %add3A = arith.addi %mul3A_0, %arg0 : i32
    %mul3A_1 = arith.constant 640 : i32
    %mul3A_2 = arith.muli %arg1, %mul3A_1 : i32
    "tpu.region"() ({
      %run_scoped3A_67 = tpu.sem_alloc : memref<!tpu.dma_semaphore, #tpu.memory_space<semaphore_mem>>
      %dma_start3A_68 = arith.constant 0 : i32
      %dma_start3A_69 = tpu.memref_slice %arg11[%mul3A_2, %dma_start3A_68] : memref<10240x128xf32, #tpu.memory_space<vmem_shared>> -> memref<640x128xf32, #tpu.memory_space<vmem_shared>>
      tpu.enqueue_dma source(%arg5 : memref<640x128xf32, #tpu.memory_space<hbm>>) target(%dma_start3A_69 : memref<640x128xf32, #tpu.memory_space<vmem_shared>>) target_semaphore(%run_scoped3A_67 : memref<!tpu.dma_semaphore, #tpu.memory_space<semaphore_mem>>)
      %dma_wait3A_70 = arith.constant 0 : i32
      %dma_wait3A_71 = tpu.memref_slice %arg11[%mul3A_2, %dma_wait3A_70] : memref<10240x128xf32, #tpu.memory_space<vmem_shared>> -> memref<640x128xf32, #tpu.memory_space<vmem_shared>>
      tpu.wait_dma2 semaphore(%run_scoped3A_67 : memref<!tpu.dma_semaphore, #tpu.memory_space<semaphore_mem>>) src(%arg5 : memref<640x128xf32, #tpu.memory_space<hbm>>) dst(%dma_wait3A_71 : memref<640x128xf32, #tpu.memory_space<vmem_shared>>)
      tpu.yield
    }) : () -> ()
    "tpu.region"() ({
      %run_scoped3A_67 = tpu.sem_alloc : memref<!tpu.dma_semaphore, #tpu.memory_space<semaphore_mem>>
      %dma_start3A_68 = arith.constant 0 : i32
      %dma_start3A_69 = arith.constant 0 : i32
      %dma_start3A_70 = tpu.memref_slice %arg4[%add3A, %dma_start3A_68, %dma_start3A_69] : memref<32x80x128xi32, #tpu.memory_space<hbm>> -> memref<1x80x128xi32, #tpu.memory_space<hbm>>
      %dma_start3A_71 = tpu.memref_squeeze %dma_start3A_70 : memref<1x80x128xi32, #tpu.memory_space<hbm>> -> memref<80x128xi32, #tpu.memory_space<hbm>>
      %dma_start3A_72 = arith.constant 0 : i32
      %dma_start3A_73 = arith.constant 0 : i32
      %dma_start3A_74 = tpu.memref_slice %arg4[%add3A, %dma_start3A_72, %dma_start3A_73] : memref<32x80x128xi32, #tpu.memory_space<hbm>> -> memref<1x80x128xi32, #tpu.memory_space<hbm>>
      %dma_start3A_75 = tpu.memref_squeeze %dma_start3A_74 : memref<1x80x128xi32, #tpu.memory_space<hbm>> -> memref<80x128xi32, #tpu.memory_space<hbm>>
      tpu.enqueue_dma source(%dma_start3A_75 : memref<80x128xi32, #tpu.memory_space<hbm>>) target(%arg8 : memref<80x128xi32, #tpu.memory_space<vmem>>) target_semaphore(%run_scoped3A_67 : memref<!tpu.dma_semaphore, #tpu.memory_space<semaphore_mem>>)
      %dma_wait3A_76 = arith.constant 0 : i32
      %dma_wait3A_77 = arith.constant 0 : i32
      %dma_wait3A_78 = tpu.memref_slice %arg4[%add3A, %dma_wait3A_76, %dma_wait3A_77] : memref<32x80x128xi32, #tpu.memory_space<hbm>> -> memref<1x80x128xi32, #tpu.memory_space<hbm>>
      %dma_wait3A_79 = tpu.memref_squeeze %dma_wait3A_78 : memref<1x80x128xi32, #tpu.memory_space<hbm>> -> memref<80x128xi32, #tpu.memory_space<hbm>>
      %dma_wait3A_80 = arith.constant 0 : i32
      %dma_wait3A_81 = arith.constant 0 : i32
      %dma_wait3A_82 = tpu.memref_slice %arg4[%add3A, %dma_wait3A_80, %dma_wait3A_81] : memref<32x80x128xi32, #tpu.memory_space<hbm>> -> memref<1x80x128xi32, #tpu.memory_space<hbm>>
      %dma_wait3A_83 = tpu.memref_squeeze %dma_wait3A_82 : memref<1x80x128xi32, #tpu.memory_space<hbm>> -> memref<80x128xi32, #tpu.memory_space<hbm>>
      tpu.wait_dma2 semaphore(%run_scoped3A_67 : memref<!tpu.dma_semaphore, #tpu.memory_space<semaphore_mem>>) src(%dma_wait3A_83 : memref<80x128xi32, #tpu.memory_space<hbm>>) dst(%arg8 : memref<80x128xi32, #tpu.memory_space<vmem>>)
      tpu.yield
    }) : () -> ()
    %barrier3A = arith.constant 0 : index
    tpu.barrier barrier_id(%barrier3A)
    "tpu.region"() ({
      %run_scoped3A_67 = tpu.sem_alloc : memref<!tpu.dma_semaphore, #tpu.memory_space<semaphore_mem>>
      %dma_start3A_68 = arith.constant 0 : i32
      %dma_start3A_69 = tpu.memref_slice %arg3[%add3A, %dma_start3A_68] : memref<32x10240xi32, #tpu.memory_space<hbm>> -> memref<1x5120xi32, #tpu.memory_space<hbm>>
      %dma_start3A_70 = tpu.memref_squeeze %dma_start3A_69 : memref<1x5120xi32, #tpu.memory_space<hbm>> -> memref<5120xi32, #tpu.memory_space<hbm>>
      %dma_start3A_71 = arith.constant 0 : i32
      %dma_start3A_72 = tpu.memref_slice %arg3[%add3A, %dma_start3A_71] : memref<32x10240xi32, #tpu.memory_space<hbm>> -> memref<1x5120xi32, #tpu.memory_space<hbm>>
      %dma_start3A_73 = tpu.memref_squeeze %dma_start3A_72 : memref<1x5120xi32, #tpu.memory_space<hbm>> -> memref<5120xi32, #tpu.memory_space<hbm>>
      tpu.enqueue_dma source(%dma_start3A_73 : memref<5120xi32, #tpu.memory_space<hbm>>) target(%arg7 : memref<5120xi32, #tpu.memory_space<vmem>>) target_semaphore(%run_scoped3A_67 : memref<!tpu.dma_semaphore, #tpu.memory_space<semaphore_mem>>)
      %dma_wait3A_74 = arith.constant 0 : i32
      %dma_wait3A_75 = tpu.memref_slice %arg3[%add3A, %dma_wait3A_74] : memref<32x10240xi32, #tpu.memory_space<hbm>> -> memref<1x5120xi32, #tpu.memory_space<hbm>>
      %dma_wait3A_76 = tpu.memref_squeeze %dma_wait3A_75 : memref<1x5120xi32, #tpu.memory_space<hbm>> -> memref<5120xi32, #tpu.memory_space<hbm>>
      %dma_wait3A_77 = arith.constant 0 : i32
      %dma_wait3A_78 = tpu.memref_slice %arg3[%add3A, %dma_wait3A_77] : memref<32x10240xi32, #tpu.memory_space<hbm>> -> memref<1x5120xi32, #tpu.memory_space<hbm>>
      %dma_wait3A_79 = tpu.memref_squeeze %dma_wait3A_78 : memref<1x5120xi32, #tpu.memory_space<hbm>> -> memref<5120xi32, #tpu.memory_space<hbm>>
      tpu.wait_dma2 semaphore(%run_scoped3A_67 : memref<!tpu.dma_semaphore, #tpu.memory_space<semaphore_mem>>) src(%dma_wait3A_79 : memref<5120xi32, #tpu.memory_space<hbm>>) dst(%arg7 : memref<5120xi32, #tpu.memory_space<vmem>>)
      tpu.yield
    }) : () -> ()
    %multiple_of3A = arith.constant 0 : i32
    %multiple_of3A_3 = tpu.assume_multiple %multiple_of3A, 128 : i32
    %dma_start3A = tpu.memref_slice %arg7[%multiple_of3A_3] : memref<5120xi32, #tpu.memory_space<vmem>> -> memref<128xi32, #tpu.memory_space<vmem>>
    %dma_start3A_4 = arith.constant 0 : i32
    %dma_start3A_5 = arith.constant 0 : i32
    %dma_start3A_6 = tpu.memref_slice %arg2[%dma_start3A_4, %dma_start3A_5] : memref<10240x128xf32, #tpu.memory_space<hbm>> -> memref<10240x128xf32, #tpu.memory_space<hbm>>
    tpu.enqueue_indirect_dma source(%dma_start3A_6 : memref<10240x128xf32, #tpu.memory_space<hbm>>) target(%arg9 : memref<128x128xf32, #tpu.memory_space<vmem>>) offsets(%dma_start3A : memref<128xi32, #tpu.memory_space<vmem>>) semaphore(%arg12 : memref<!tpu.dma_semaphore, #tpu.memory_space<semaphore_mem>>)
    %multiple_of3A_7 = arith.constant 128 : i32
    %multiple_of3A_8 = tpu.assume_multiple %multiple_of3A_7, 128 : i32
    %dma_start3A_9 = tpu.memref_slice %arg7[%multiple_of3A_8] : memref<5120xi32, #tpu.memory_space<vmem>> -> memref<128xi32, #tpu.memory_space<vmem>>
    %dma_start3A_10 = arith.constant 0 : i32
    %dma_start3A_11 = arith.constant 0 : i32
    %dma_start3A_12 = tpu.memref_slice %arg2[%dma_start3A_10, %dma_start3A_11] : memref<10240x128xf32, #tpu.memory_space<hbm>> -> memref<10240x128xf32, #tpu.memory_space<hbm>>
    tpu.enqueue_indirect_dma source(%dma_start3A_12 : memref<10240x128xf32, #tpu.memory_space<hbm>>) target(%arg10 : memref<128x128xf32, #tpu.memory_space<vmem>>) offsets(%dma_start3A_9 : memref<128xi32, #tpu.memory_space<vmem>>) semaphore(%arg13 : memref<!tpu.dma_semaphore, #tpu.memory_space<semaphore_mem>>)
    %scan3A = arith.constant 0 : i32
    %scan3A_13 = arith.constant 0 : i32
    %scan3A_14 = arith.constant 19 : i32
    %scan3A_15 = arith.addi %scan3A_13, %scan3A_14 : i32
    %scan3A_16 = arith.constant 1 : i32
    scf.for %scan3A_67 = %scan3A_13 to %scan3A_15 step %scan3A_16  : i32 {
      %mul3A_68 = arith.constant 2 : i32
      %mul3A_69 = arith.muli %scan3A_67, %mul3A_68 : i32
      %add3A_70 = arith.constant 0 : i32
      %add3A_71 = arith.addi %mul3A_69, %add3A_70 : i32
      %mul3A_72 = arith.constant 128 : i32
      %mul3A_73 = arith.muli %add3A_71, %mul3A_72 : i32
      %multiple_of3A_74 = tpu.assume_multiple %mul3A_73, 128 : i32
      %dma_wait3A_75 = tpu.memref_slice %arg7[%multiple_of3A_74] : memref<5120xi32, #tpu.memory_space<vmem>> -> memref<128xi32, #tpu.memory_space<vmem>>
      %dma_wait3A_76 = arith.constant 0 : i32
      %dma_wait3A_77 = arith.constant 0 : i32
      %dma_wait3A_78 = tpu.memref_slice %arg2[%dma_wait3A_76, %dma_wait3A_77] : memref<10240x128xf32, #tpu.memory_space<hbm>> -> memref<10240x128xf32, #tpu.memory_space<hbm>>
      tpu.wait_indirect_dma semaphore(%arg12 : memref<!tpu.dma_semaphore, #tpu.memory_space<semaphore_mem>>) src(%dma_wait3A_78 : memref<10240x128xf32, #tpu.memory_space<hbm>>) dst(%arg9 : memref<128x128xf32, #tpu.memory_space<vmem>>)
      %add3A_79 = arith.constant 0 : i32
      %add3A_80 = arith.addi %add3A_79, %add3A_71 : i32
      "tpu.region"() ({
        %run_scoped3A_112 = tpu.sem_alloc : memref<!tpu.dma_semaphore, #tpu.memory_space<semaphore_mem>>
        %dma_start3A_113 = arith.constant 0 : i32
        %dma_start3A_114 = tpu.memref_slice %arg8[%add3A_80, %dma_start3A_113] : memref<80x128xi32, #tpu.memory_space<vmem>> -> memref<1x128xi32, #tpu.memory_space<vmem>>
        %dma_start3A_115 = tpu.memref_squeeze %dma_start3A_114 : memref<1x128xi32, #tpu.memory_space<vmem>> -> memref<128xi32, #tpu.memory_space<vmem>>
        %dma_start3A_116 = arith.constant 0 : i32
        %dma_start3A_117 = arith.constant 0 : i32
        %dma_start3A_118 = tpu.memref_slice %arg11[%dma_start3A_116, %dma_start3A_117] : memref<10240x128xf32, #tpu.memory_space<vmem_shared>> -> memref<10240x128xf32, #tpu.memory_space<vmem_shared>>
        tpu.enqueue_indirect_dma source(%arg9 : memref<128x128xf32, #tpu.memory_space<vmem>>) target(%dma_start3A_118 : memref<10240x128xf32, #tpu.memory_space<vmem_shared>>) offsets(%dma_start3A_115 : memref<128xi32, #tpu.memory_space<vmem>>) semaphore(%run_scoped3A_112 : memref<!tpu.dma_semaphore, #tpu.memory_space<semaphore_mem>>) {add = true}
        %dma_wait3A_119 = arith.constant 0 : i32
        %dma_wait3A_120 = tpu.memref_slice %arg8[%add3A_80, %dma_wait3A_119] : memref<80x128xi32, #tpu.memory_space<vmem>> -> memref<1x128xi32, #tpu.memory_space<vmem>>
        %dma_wait3A_121 = tpu.memref_squeeze %dma_wait3A_120 : memref<1x128xi32, #tpu.memory_space<vmem>> -> memref<128xi32, #tpu.memory_space<vmem>>
        %dma_wait3A_122 = arith.constant 0 : i32
        %dma_wait3A_123 = arith.constant 0 : i32
        %dma_wait3A_124 = tpu.memref_slice %arg11[%dma_wait3A_122, %dma_wait3A_123] : memref<10240x128xf32, #tpu.memory_space<vmem_shared>> -> memref<10240x128xf32, #tpu.memory_space<vmem_shared>>
        tpu.wait_indirect_dma semaphore(%run_scoped3A_112 : memref<!tpu.dma_semaphore, #tpu.memory_space<semaphore_mem>>) src(%arg9 : memref<128x128xf32, #tpu.memory_space<vmem>>) dst(%dma_wait3A_124 : memref<10240x128xf32, #tpu.memory_space<vmem_shared>>)
        tpu.yield
      }) : () -> ()
      %add3A_81 = arith.constant 2 : i32
      %add3A_82 = arith.addi %add3A_71, %add3A_81 : i32
      %mul3A_83 = arith.constant 128 : i32
      %mul3A_84 = arith.muli %add3A_82, %mul3A_83 : i32
      %multiple_of3A_85 = tpu.assume_multiple %mul3A_84, 128 : i32
      %dma_start3A_86 = tpu.memref_slice %arg7[%multiple_of3A_85] : memref<5120xi32, #tpu.memory_space<vmem>> -> memref<128xi32, #tpu.memory_space<vmem>>
      %dma_start3A_87 = arith.constant 0 : i32
      %dma_start3A_88 = arith.constant 0 : i32
      %dma_start3A_89 = tpu.memref_slice %arg2[%dma_start3A_87, %dma_start3A_88] : memref<10240x128xf32, #tpu.memory_space<hbm>> -> memref<10240x128xf32, #tpu.memory_space<hbm>>
      tpu.enqueue_indirect_dma source(%dma_start3A_89 : memref<10240x128xf32, #tpu.memory_space<hbm>>) target(%arg9 : memref<128x128xf32, #tpu.memory_space<vmem>>) offsets(%dma_start3A_86 : memref<128xi32, #tpu.memory_space<vmem>>) semaphore(%arg12 : memref<!tpu.dma_semaphore, #tpu.memory_space<semaphore_mem>>)
      %mul3A_90 = arith.constant 2 : i32
      %mul3A_91 = arith.muli %scan3A_67, %mul3A_90 : i32
      %add3A_92 = arith.constant 1 : i32
      %add3A_93 = arith.addi %mul3A_91, %add3A_92 : i32
      %mul3A_94 = arith.constant 128 : i32
      %mul3A_95 = arith.muli %add3A_93, %mul3A_94 : i32
      %multiple_of3A_96 = tpu.assume_multiple %mul3A_95, 128 : i32
      %dma_wait3A_97 = tpu.memref_slice %arg7[%multiple_of3A_96] : memref<5120xi32, #tpu.memory_space<vmem>> -> memref<128xi32, #tpu.memory_space<vmem>>
      %dma_wait3A_98 = arith.constant 0 : i32
      %dma_wait3A_99 = arith.constant 0 : i32
      %dma_wait3A_100 = tpu.memref_slice %arg2[%dma_wait3A_98, %dma_wait3A_99] : memref<10240x128xf32, #tpu.memory_space<hbm>> -> memref<10240x128xf32, #tpu.memory_space<hbm>>
      tpu.wait_indirect_dma semaphore(%arg13 : memref<!tpu.dma_semaphore, #tpu.memory_space<semaphore_mem>>) src(%dma_wait3A_100 : memref<10240x128xf32, #tpu.memory_space<hbm>>) dst(%arg10 : memref<128x128xf32, #tpu.memory_space<vmem>>)
      %add3A_101 = arith.constant 0 : i32
      %add3A_102 = arith.addi %add3A_101, %add3A_93 : i32
      "tpu.region"() ({
        %run_scoped3A_112 = tpu.sem_alloc : memref<!tpu.dma_semaphore, #tpu.memory_space<semaphore_mem>>
        %dma_start3A_113 = arith.constant 0 : i32
        %dma_start3A_114 = tpu.memref_slice %arg8[%add3A_102, %dma_start3A_113] : memref<80x128xi32, #tpu.memory_space<vmem>> -> memref<1x128xi32, #tpu.memory_space<vmem>>
        %dma_start3A_115 = tpu.memref_squeeze %dma_start3A_114 : memref<1x128xi32, #tpu.memory_space<vmem>> -> memref<128xi32, #tpu.memory_space<vmem>>
        %dma_start3A_116 = arith.constant 0 : i32
        %dma_start3A_117 = arith.constant 0 : i32
        %dma_start3A_118 = tpu.memref_slice %arg11[%dma_start3A_116, %dma_start3A_117] : memref<10240x128xf32, #tpu.memory_space<vmem_shared>> -> memref<10240x128xf32, #tpu.memory_space<vmem_shared>>
        tpu.enqueue_indirect_dma source(%arg10 : memref<128x128xf32, #tpu.memory_space<vmem>>) target(%dma_start3A_118 : memref<10240x128xf32, #tpu.memory_space<vmem_shared>>) offsets(%dma_start3A_115 : memref<128xi32, #tpu.memory_space<vmem>>) semaphore(%run_scoped3A_112 : memref<!tpu.dma_semaphore, #tpu.memory_space<semaphore_mem>>) {add = true}
        %dma_wait3A_119 = arith.constant 0 : i32
        %dma_wait3A_120 = tpu.memref_slice %arg8[%add3A_102, %dma_wait3A_119] : memref<80x128xi32, #tpu.memory_space<vmem>> -> memref<1x128xi32, #tpu.memory_space<vmem>>
        %dma_wait3A_121 = tpu.memref_squeeze %dma_wait3A_120 : memref<1x128xi32, #tpu.memory_space<vmem>> -> memref<128xi32, #tpu.memory_space<vmem>>
        %dma_wait3A_122 = arith.constant 0 : i32
        %dma_wait3A_123 = arith.constant 0 : i32
        %dma_wait3A_124 = tpu.memref_slice %arg11[%dma_wait3A_122, %dma_wait3A_123] : memref<10240x128xf32, #tpu.memory_space<vmem_shared>> -> memref<10240x128xf32, #tpu.memory_space<vmem_shared>>
        tpu.wait_indirect_dma semaphore(%run_scoped3A_112 : memref<!tpu.dma_semaphore, #tpu.memory_space<semaphore_mem>>) src(%arg10 : memref<128x128xf32, #tpu.memory_space<vmem>>) dst(%dma_wait3A_124 : memref<10240x128xf32, #tpu.memory_space<vmem_shared>>)
        tpu.yield
      }) : () -> ()
      %add3A_103 = arith.constant 2 : i32
      %add3A_104 = arith.addi %add3A_93, %add3A_103 : i32
      %mul3A_105 = arith.constant 128 : i32
      %mul3A_106 = arith.muli %add3A_104, %mul3A_105 : i32
      %multiple_of3A_107 = tpu.assume_multiple %mul3A_106, 128 : i32
      %dma_start3A_108 = tpu.memref_slice %arg7[%multiple_of3A_107] : memref<5120xi32, #tpu.memory_space<vmem>> -> memref<128xi32, #tpu.memory_space<vmem>>
      %dma_start3A_109 = arith.constant 0 : i32
      %dma_start3A_110 = arith.constant 0 : i32
      %dma_start3A_111 = tpu.memref_slice %arg2[%dma_start3A_109, %dma_start3A_110] : memref<10240x128xf32, #tpu.memory_space<hbm>> -> memref<10240x128xf32, #tpu.memory_space<hbm>>
      tpu.enqueue_indirect_dma source(%dma_start3A_111 : memref<10240x128xf32, #tpu.memory_space<hbm>>) target(%arg10 : memref<128x128xf32, #tpu.memory_space<vmem>>) offsets(%dma_start3A_108 : memref<128xi32, #tpu.memory_space<vmem>>) semaphore(%arg13 : memref<!tpu.dma_semaphore, #tpu.memory_space<semaphore_mem>>)
    }
    %scan3A_17 = arith.constant 19 : i32
    %multiple_of3A_18 = arith.constant 4864 : i32
    %multiple_of3A_19 = tpu.assume_multiple %multiple_of3A_18, 128 : i32
    %dma_wait3A = tpu.memref_slice %arg7[%multiple_of3A_19] : memref<5120xi32, #tpu.memory_space<vmem>> -> memref<128xi32, #tpu.memory_space<vmem>>
    %dma_wait3A_20 = arith.constant 0 : i32
    %dma_wait3A_21 = arith.constant 0 : i32
    %dma_wait3A_22 = tpu.memref_slice %arg2[%dma_wait3A_20, %dma_wait3A_21] : memref<10240x128xf32, #tpu.memory_space<hbm>> -> memref<10240x128xf32, #tpu.memory_space<hbm>>
    tpu.wait_indirect_dma semaphore(%arg12 : memref<!tpu.dma_semaphore, #tpu.memory_space<semaphore_mem>>) src(%dma_wait3A_22 : memref<10240x128xf32, #tpu.memory_space<hbm>>) dst(%arg9 : memref<128x128xf32, #tpu.memory_space<vmem>>)
    %run_scoped3A = arith.constant 38 : i32
    "tpu.region"() ({
      %run_scoped3A_67 = tpu.sem_alloc : memref<!tpu.dma_semaphore, #tpu.memory_space<semaphore_mem>>
      %dma_start3A_68 = arith.constant 0 : i32
      %dma_start3A_69 = tpu.memref_slice %arg8[%run_scoped3A, %dma_start3A_68] : memref<80x128xi32, #tpu.memory_space<vmem>> -> memref<1x128xi32, #tpu.memory_space<vmem>>
      %dma_start3A_70 = tpu.memref_squeeze %dma_start3A_69 : memref<1x128xi32, #tpu.memory_space<vmem>> -> memref<128xi32, #tpu.memory_space<vmem>>
      %dma_start3A_71 = arith.constant 0 : i32
      %dma_start3A_72 = arith.constant 0 : i32
      %dma_start3A_73 = tpu.memref_slice %arg11[%dma_start3A_71, %dma_start3A_72] : memref<10240x128xf32, #tpu.memory_space<vmem_shared>> -> memref<10240x128xf32, #tpu.memory_space<vmem_shared>>
      tpu.enqueue_indirect_dma source(%arg9 : memref<128x128xf32, #tpu.memory_space<vmem>>) target(%dma_start3A_73 : memref<10240x128xf32, #tpu.memory_space<vmem_shared>>) offsets(%dma_start3A_70 : memref<128xi32, #tpu.memory_space<vmem>>) semaphore(%run_scoped3A_67 : memref<!tpu.dma_semaphore, #tpu.memory_space<semaphore_mem>>) {add = true}
      %dma_wait3A_74 = arith.constant 0 : i32
      %dma_wait3A_75 = tpu.memref_slice %arg8[%run_scoped3A, %dma_wait3A_74] : memref<80x128xi32, #tpu.memory_space<vmem>> -> memref<1x128xi32, #tpu.memory_space<vmem>>
      %dma_wait3A_76 = tpu.memref_squeeze %dma_wait3A_75 : memref<1x128xi32, #tpu.memory_space<vmem>> -> memref<128xi32, #tpu.memory_space<vmem>>
      %dma_wait3A_77 = arith.constant 0 : i32
      %dma_wait3A_78 = arith.constant 0 : i32
      %dma_wait3A_79 = tpu.memref_slice %arg11[%dma_wait3A_77, %dma_wait3A_78] : memref<10240x128xf32, #tpu.memory_space<vmem_shared>> -> memref<10240x128xf32, #tpu.memory_space<vmem_shared>>
      tpu.wait_indirect_dma semaphore(%run_scoped3A_67 : memref<!tpu.dma_semaphore, #tpu.memory_space<semaphore_mem>>) src(%arg9 : memref<128x128xf32, #tpu.memory_space<vmem>>) dst(%dma_wait3A_79 : memref<10240x128xf32, #tpu.memory_space<vmem_shared>>)
      tpu.yield
    }) : () -> ()
    %multiple_of3A_23 = arith.constant 4992 : i32
    %multiple_of3A_24 = tpu.assume_multiple %multiple_of3A_23, 128 : i32
    %dma_wait3A_25 = tpu.memref_slice %arg7[%multiple_of3A_24] : memref<5120xi32, #tpu.memory_space<vmem>> -> memref<128xi32, #tpu.memory_space<vmem>>
    %dma_wait3A_26 = arith.constant 0 : i32
    %dma_wait3A_27 = arith.constant 0 : i32
    %dma_wait3A_28 = tpu.memref_slice %arg2[%dma_wait3A_26, %dma_wait3A_27] : memref<10240x128xf32, #tpu.memory_space<hbm>> -> memref<10240x128xf32, #tpu.memory_space<hbm>>
    tpu.wait_indirect_dma semaphore(%arg13 : memref<!tpu.dma_semaphore, #tpu.memory_space<semaphore_mem>>) src(%dma_wait3A_28 : memref<10240x128xf32, #tpu.memory_space<hbm>>) dst(%arg10 : memref<128x128xf32, #tpu.memory_space<vmem>>)
    %run_scoped3A_29 = arith.constant 39 : i32
    "tpu.region"() ({
      %run_scoped3A_67 = tpu.sem_alloc : memref<!tpu.dma_semaphore, #tpu.memory_space<semaphore_mem>>
      %dma_start3A_68 = arith.constant 0 : i32
      %dma_start3A_69 = tpu.memref_slice %arg8[%run_scoped3A_29, %dma_start3A_68] : memref<80x128xi32, #tpu.memory_space<vmem>> -> memref<1x128xi32, #tpu.memory_space<vmem>>
      %dma_start3A_70 = tpu.memref_squeeze %dma_start3A_69 : memref<1x128xi32, #tpu.memory_space<vmem>> -> memref<128xi32, #tpu.memory_space<vmem>>
      %dma_start3A_71 = arith.constant 0 : i32
      %dma_start3A_72 = arith.constant 0 : i32
      %dma_start3A_73 = tpu.memref_slice %arg11[%dma_start3A_71, %dma_start3A_72] : memref<10240x128xf32, #tpu.memory_space<vmem_shared>> -> memref<10240x128xf32, #tpu.memory_space<vmem_shared>>
      tpu.enqueue_indirect_dma source(%arg10 : memref<128x128xf32, #tpu.memory_space<vmem>>) target(%dma_start3A_73 : memref<10240x128xf32, #tpu.memory_space<vmem_shared>>) offsets(%dma_start3A_70 : memref<128xi32, #tpu.memory_space<vmem>>) semaphore(%run_scoped3A_67 : memref<!tpu.dma_semaphore, #tpu.memory_space<semaphore_mem>>) {add = true}
      %dma_wait3A_74 = arith.constant 0 : i32
      %dma_wait3A_75 = tpu.memref_slice %arg8[%run_scoped3A_29, %dma_wait3A_74] : memref<80x128xi32, #tpu.memory_space<vmem>> -> memref<1x128xi32, #tpu.memory_space<vmem>>
      %dma_wait3A_76 = tpu.memref_squeeze %dma_wait3A_75 : memref<1x128xi32, #tpu.memory_space<vmem>> -> memref<128xi32, #tpu.memory_space<vmem>>
      %dma_wait3A_77 = arith.constant 0 : i32
      %dma_wait3A_78 = arith.constant 0 : i32
      %dma_wait3A_79 = tpu.memref_slice %arg11[%dma_wait3A_77, %dma_wait3A_78] : memref<10240x128xf32, #tpu.memory_space<vmem_shared>> -> memref<10240x128xf32, #tpu.memory_space<vmem_shared>>
      tpu.wait_indirect_dma semaphore(%run_scoped3A_67 : memref<!tpu.dma_semaphore, #tpu.memory_space<semaphore_mem>>) src(%arg10 : memref<128x128xf32, #tpu.memory_space<vmem>>) dst(%dma_wait3A_79 : memref<10240x128xf32, #tpu.memory_space<vmem_shared>>)
      tpu.yield
    }) : () -> ()
    "tpu.region"() ({
      %run_scoped3A_67 = tpu.sem_alloc : memref<!tpu.dma_semaphore, #tpu.memory_space<semaphore_mem>>
      %dma_start3A_68 = arith.constant 5120 : i32
      %dma_start3A_69 = tpu.memref_slice %arg3[%add3A, %dma_start3A_68] : memref<32x10240xi32, #tpu.memory_space<hbm>> -> memref<1x5120xi32, #tpu.memory_space<hbm>>
      %dma_start3A_70 = tpu.memref_squeeze %dma_start3A_69 : memref<1x5120xi32, #tpu.memory_space<hbm>> -> memref<5120xi32, #tpu.memory_space<hbm>>
      %dma_start3A_71 = arith.constant 5120 : i32
      %dma_start3A_72 = tpu.memref_slice %arg3[%add3A, %dma_start3A_71] : memref<32x10240xi32, #tpu.memory_space<hbm>> -> memref<1x5120xi32, #tpu.memory_space<hbm>>
      %dma_start3A_73 = tpu.memref_squeeze %dma_start3A_72 : memref<1x5120xi32, #tpu.memory_space<hbm>> -> memref<5120xi32, #tpu.memory_space<hbm>>
      tpu.enqueue_dma source(%dma_start3A_73 : memref<5120xi32, #tpu.memory_space<hbm>>) target(%arg7 : memref<5120xi32, #tpu.memory_space<vmem>>) target_semaphore(%run_scoped3A_67 : memref<!tpu.dma_semaphore, #tpu.memory_space<semaphore_mem>>)
      %dma_wait3A_74 = arith.constant 5120 : i32
      %dma_wait3A_75 = tpu.memref_slice %arg3[%add3A, %dma_wait3A_74] : memref<32x10240xi32, #tpu.memory_space<hbm>> -> memref<1x5120xi32, #tpu.memory_space<hbm>>
      %dma_wait3A_76 = tpu.memref_squeeze %dma_wait3A_75 : memref<1x5120xi32, #tpu.memory_space<hbm>> -> memref<5120xi32, #tpu.memory_space<hbm>>
      %dma_wait3A_77 = arith.constant 5120 : i32
      %dma_wait3A_78 = tpu.memref_slice %arg3[%add3A, %dma_wait3A_77] : memref<32x10240xi32, #tpu.memory_space<hbm>> -> memref<1x5120xi32, #tpu.memory_space<hbm>>
      %dma_wait3A_79 = tpu.memref_squeeze %dma_wait3A_78 : memref<1x5120xi32, #tpu.memory_space<hbm>> -> memref<5120xi32, #tpu.memory_space<hbm>>
      tpu.wait_dma2 semaphore(%run_scoped3A_67 : memref<!tpu.dma_semaphore, #tpu.memory_space<semaphore_mem>>) src(%dma_wait3A_79 : memref<5120xi32, #tpu.memory_space<hbm>>) dst(%arg7 : memref<5120xi32, #tpu.memory_space<vmem>>)
      tpu.yield
    }) : () -> ()
    %multiple_of3A_30 = arith.constant 0 : i32
    %multiple_of3A_31 = tpu.assume_multiple %multiple_of3A_30, 128 : i32
    %dma_start3A_32 = tpu.memref_slice %arg7[%multiple_of3A_31] : memref<5120xi32, #tpu.memory_space<vmem>> -> memref<128xi32, #tpu.memory_space<vmem>>
    %dma_start3A_33 = arith.constant 0 : i32
    %dma_start3A_34 = arith.constant 0 : i32
    %dma_start3A_35 = tpu.memref_slice %arg2[%dma_start3A_33, %dma_start3A_34] : memref<10240x128xf32, #tpu.memory_space<hbm>> -> memref<10240x128xf32, #tpu.memory_space<hbm>>
    tpu.enqueue_indirect_dma source(%dma_start3A_35 : memref<10240x128xf32, #tpu.memory_space<hbm>>) target(%arg9 : memref<128x128xf32, #tpu.memory_space<vmem>>) offsets(%dma_start3A_32 : memref<128xi32, #tpu.memory_space<vmem>>) semaphore(%arg12 : memref<!tpu.dma_semaphore, #tpu.memory_space<semaphore_mem>>)
    %multiple_of3A_36 = arith.constant 128 : i32
    %multiple_of3A_37 = tpu.assume_multiple %multiple_of3A_36, 128 : i32
    %dma_start3A_38 = tpu.memref_slice %arg7[%multiple_of3A_37] : memref<5120xi32, #tpu.memory_space<vmem>> -> memref<128xi32, #tpu.memory_space<vmem>>
    %dma_start3A_39 = arith.constant 0 : i32
    %dma_start3A_40 = arith.constant 0 : i32
    %dma_start3A_41 = tpu.memref_slice %arg2[%dma_start3A_39, %dma_start3A_40] : memref<10240x128xf32, #tpu.memory_space<hbm>> -> memref<10240x128xf32, #tpu.memory_space<hbm>>
    tpu.enqueue_indirect_dma source(%dma_start3A_41 : memref<10240x128xf32, #tpu.memory_space<hbm>>) target(%arg10 : memref<128x128xf32, #tpu.memory_space<vmem>>) offsets(%dma_start3A_38 : memref<128xi32, #tpu.memory_space<vmem>>) semaphore(%arg13 : memref<!tpu.dma_semaphore, #tpu.memory_space<semaphore_mem>>)
    %scan3A_42 = arith.constant 0 : i32
    %scan3A_43 = arith.constant 0 : i32
    %scan3A_44 = arith.constant 19 : i32
    %scan3A_45 = arith.addi %scan3A_43, %scan3A_44 : i32
    %scan3A_46 = arith.constant 1 : i32
    scf.for %scan3A_67 = %scan3A_43 to %scan3A_45 step %scan3A_46  : i32 {
      %mul3A_68 = arith.constant 2 : i32
      %mul3A_69 = arith.muli %scan3A_67, %mul3A_68 : i32
      %add3A_70 = arith.constant 0 : i32
      %add3A_71 = arith.addi %mul3A_69, %add3A_70 : i32
      %mul3A_72 = arith.constant 128 : i32
      %mul3A_73 = arith.muli %add3A_71, %mul3A_72 : i32
      %multiple_of3A_74 = tpu.assume_multiple %mul3A_73, 128 : i32
      %dma_wait3A_75 = tpu.memref_slice %arg7[%multiple_of3A_74] : memref<5120xi32, #tpu.memory_space<vmem>> -> memref<128xi32, #tpu.memory_space<vmem>>
      %dma_wait3A_76 = arith.constant 0 : i32
      %dma_wait3A_77 = arith.constant 0 : i32
      %dma_wait3A_78 = tpu.memref_slice %arg2[%dma_wait3A_76, %dma_wait3A_77] : memref<10240x128xf32, #tpu.memory_space<hbm>> -> memref<10240x128xf32, #tpu.memory_space<hbm>>
      tpu.wait_indirect_dma semaphore(%arg12 : memref<!tpu.dma_semaphore, #tpu.memory_space<semaphore_mem>>) src(%dma_wait3A_78 : memref<10240x128xf32, #tpu.memory_space<hbm>>) dst(%arg9 : memref<128x128xf32, #tpu.memory_space<vmem>>)
      %add3A_79 = arith.constant 40 : i32
      %add3A_80 = arith.addi %add3A_79, %add3A_71 : i32
      "tpu.region"() ({
        %run_scoped3A_112 = tpu.sem_alloc : memref<!tpu.dma_semaphore, #tpu.memory_space<semaphore_mem>>
        %dma_start3A_113 = arith.constant 0 : i32
        %dma_start3A_114 = tpu.memref_slice %arg8[%add3A_80, %dma_start3A_113] : memref<80x128xi32, #tpu.memory_space<vmem>> -> memref<1x128xi32, #tpu.memory_space<vmem>>
        %dma_start3A_115 = tpu.memref_squeeze %dma_start3A_114 : memref<1x128xi32, #tpu.memory_space<vmem>> -> memref<128xi32, #tpu.memory_space<vmem>>
        %dma_start3A_116 = arith.constant 0 : i32
        %dma_start3A_117 = arith.constant 0 : i32
        %dma_start3A_118 = tpu.memref_slice %arg11[%dma_start3A_116, %dma_start3A_117] : memref<10240x128xf32, #tpu.memory_space<vmem_shared>> -> memref<10240x128xf32, #tpu.memory_space<vmem_shared>>
        tpu.enqueue_indirect_dma source(%arg9 : memref<128x128xf32, #tpu.memory_space<vmem>>) target(%dma_start3A_118 : memref<10240x128xf32, #tpu.memory_space<vmem_shared>>) offsets(%dma_start3A_115 : memref<128xi32, #tpu.memory_space<vmem>>) semaphore(%run_scoped3A_112 : memref<!tpu.dma_semaphore, #tpu.memory_space<semaphore_mem>>) {add = true}
        %dma_wait3A_119 = arith.constant 0 : i32
        %dma_wait3A_120 = tpu.memref_slice %arg8[%add3A_80, %dma_wait3A_119] : memref<80x128xi32, #tpu.memory_space<vmem>> -> memref<1x128xi32, #tpu.memory_space<vmem>>
        %dma_wait3A_121 = tpu.memref_squeeze %dma_wait3A_120 : memref<1x128xi32, #tpu.memory_space<vmem>> -> memref<128xi32, #tpu.memory_space<vmem>>
        %dma_wait3A_122 = arith.constant 0 : i32
        %dma_wait3A_123 = arith.constant 0 : i32
        %dma_wait3A_124 = tpu.memref_slice %arg11[%dma_wait3A_122, %dma_wait3A_123] : memref<10240x128xf32, #tpu.memory_space<vmem_shared>> -> memref<10240x128xf32, #tpu.memory_space<vmem_shared>>
        tpu.wait_indirect_dma semaphore(%run_scoped3A_112 : memref<!tpu.dma_semaphore, #tpu.memory_space<semaphore_mem>>) src(%arg9 : memref<128x128xf32, #tpu.memory_space<vmem>>) dst(%dma_wait3A_124 : memref<10240x128xf32, #tpu.memory_space<vmem_shared>>)
        tpu.yield
      }) : () -> ()
      %add3A_81 = arith.constant 2 : i32
      %add3A_82 = arith.addi %add3A_71, %add3A_81 : i32
      %mul3A_83 = arith.constant 128 : i32
      %mul3A_84 = arith.muli %add3A_82, %mul3A_83 : i32
      %multiple_of3A_85 = tpu.assume_multiple %mul3A_84, 128 : i32
      %dma_start3A_86 = tpu.memref_slice %arg7[%multiple_of3A_85] : memref<5120xi32, #tpu.memory_space<vmem>> -> memref<128xi32, #tpu.memory_space<vmem>>
      %dma_start3A_87 = arith.constant 0 : i32
      %dma_start3A_88 = arith.constant 0 : i32
      %dma_start3A_89 = tpu.memref_slice %arg2[%dma_start3A_87, %dma_start3A_88] : memref<10240x128xf32, #tpu.memory_space<hbm>> -> memref<10240x128xf32, #tpu.memory_space<hbm>>
      tpu.enqueue_indirect_dma source(%dma_start3A_89 : memref<10240x128xf32, #tpu.memory_space<hbm>>) target(%arg9 : memref<128x128xf32, #tpu.memory_space<vmem>>) offsets(%dma_start3A_86 : memref<128xi32, #tpu.memory_space<vmem>>) semaphore(%arg12 : memref<!tpu.dma_semaphore, #tpu.memory_space<semaphore_mem>>)
      %mul3A_90 = arith.constant 2 : i32
      %mul3A_91 = arith.muli %scan3A_67, %mul3A_90 : i32
      %add3A_92 = arith.constant 1 : i32
      %add3A_93 = arith.addi %mul3A_91, %add3A_92 : i32
      %mul3A_94 = arith.constant 128 : i32
      %mul3A_95 = arith.muli %add3A_93, %mul3A_94 : i32
      %multiple_of3A_96 = tpu.assume_multiple %mul3A_95, 128 : i32
      %dma_wait3A_97 = tpu.memref_slice %arg7[%multiple_of3A_96] : memref<5120xi32, #tpu.memory_space<vmem>> -> memref<128xi32, #tpu.memory_space<vmem>>
      %dma_wait3A_98 = arith.constant 0 : i32
      %dma_wait3A_99 = arith.constant 0 : i32
      %dma_wait3A_100 = tpu.memref_slice %arg2[%dma_wait3A_98, %dma_wait3A_99] : memref<10240x128xf32, #tpu.memory_space<hbm>> -> memref<10240x128xf32, #tpu.memory_space<hbm>>
      tpu.wait_indirect_dma semaphore(%arg13 : memref<!tpu.dma_semaphore, #tpu.memory_space<semaphore_mem>>) src(%dma_wait3A_100 : memref<10240x128xf32, #tpu.memory_space<hbm>>) dst(%arg10 : memref<128x128xf32, #tpu.memory_space<vmem>>)
      %add3A_101 = arith.constant 40 : i32
      %add3A_102 = arith.addi %add3A_101, %add3A_93 : i32
      "tpu.region"() ({
        %run_scoped3A_112 = tpu.sem_alloc : memref<!tpu.dma_semaphore, #tpu.memory_space<semaphore_mem>>
        %dma_start3A_113 = arith.constant 0 : i32
        %dma_start3A_114 = tpu.memref_slice %arg8[%add3A_102, %dma_start3A_113] : memref<80x128xi32, #tpu.memory_space<vmem>> -> memref<1x128xi32, #tpu.memory_space<vmem>>
        %dma_start3A_115 = tpu.memref_squeeze %dma_start3A_114 : memref<1x128xi32, #tpu.memory_space<vmem>> -> memref<128xi32, #tpu.memory_space<vmem>>
        %dma_start3A_116 = arith.constant 0 : i32
        %dma_start3A_117 = arith.constant 0 : i32
        %dma_start3A_118 = tpu.memref_slice %arg11[%dma_start3A_116, %dma_start3A_117] : memref<10240x128xf32, #tpu.memory_space<vmem_shared>> -> memref<10240x128xf32, #tpu.memory_space<vmem_shared>>
        tpu.enqueue_indirect_dma source(%arg10 : memref<128x128xf32, #tpu.memory_space<vmem>>) target(%dma_start3A_118 : memref<10240x128xf32, #tpu.memory_space<vmem_shared>>) offsets(%dma_start3A_115 : memref<128xi32, #tpu.memory_space<vmem>>) semaphore(%run_scoped3A_112 : memref<!tpu.dma_semaphore, #tpu.memory_space<semaphore_mem>>) {add = true}
        %dma_wait3A_119 = arith.constant 0 : i32
        %dma_wait3A_120 = tpu.memref_slice %arg8[%add3A_102, %dma_wait3A_119] : memref<80x128xi32, #tpu.memory_space<vmem>> -> memref<1x128xi32, #tpu.memory_space<vmem>>
        %dma_wait3A_121 = tpu.memref_squeeze %dma_wait3A_120 : memref<1x128xi32, #tpu.memory_space<vmem>> -> memref<128xi32, #tpu.memory_space<vmem>>
        %dma_wait3A_122 = arith.constant 0 : i32
        %dma_wait3A_123 = arith.constant 0 : i32
        %dma_wait3A_124 = tpu.memref_slice %arg11[%dma_wait3A_122, %dma_wait3A_123] : memref<10240x128xf32, #tpu.memory_space<vmem_shared>> -> memref<10240x128xf32, #tpu.memory_space<vmem_shared>>
        tpu.wait_indirect_dma semaphore(%run_scoped3A_112 : memref<!tpu.dma_semaphore, #tpu.memory_space<semaphore_mem>>) src(%arg10 : memref<128x128xf32, #tpu.memory_space<vmem>>) dst(%dma_wait3A_124 : memref<10240x128xf32, #tpu.memory_space<vmem_shared>>)
        tpu.yield
      }) : () -> ()
      %add3A_103 = arith.constant 2 : i32
      %add3A_104 = arith.addi %add3A_93, %add3A_103 : i32
      %mul3A_105 = arith.constant 128 : i32
      %mul3A_106 = arith.muli %add3A_104, %mul3A_105 : i32
      %multiple_of3A_107 = tpu.assume_multiple %mul3A_106, 128 : i32
      %dma_start3A_108 = tpu.memref_slice %arg7[%multiple_of3A_107] : memref<5120xi32, #tpu.memory_space<vmem>> -> memref<128xi32, #tpu.memory_space<vmem>>
      %dma_start3A_109 = arith.constant 0 : i32
      %dma_start3A_110 = arith.constant 0 : i32
      %dma_start3A_111 = tpu.memref_slice %arg2[%dma_start3A_109, %dma_start3A_110] : memref<10240x128xf32, #tpu.memory_space<hbm>> -> memref<10240x128xf32, #tpu.memory_space<hbm>>
      tpu.enqueue_indirect_dma source(%dma_start3A_111 : memref<10240x128xf32, #tpu.memory_space<hbm>>) target(%arg10 : memref<128x128xf32, #tpu.memory_space<vmem>>) offsets(%dma_start3A_108 : memref<128xi32, #tpu.memory_space<vmem>>) semaphore(%arg13 : memref<!tpu.dma_semaphore, #tpu.memory_space<semaphore_mem>>)
    }
    %scan3A_47 = arith.constant 19 : i32
    %multiple_of3A_48 = arith.constant 4864 : i32
    %multiple_of3A_49 = tpu.assume_multiple %multiple_of3A_48, 128 : i32
    %dma_wait3A_50 = tpu.memref_slice %arg7[%multiple_of3A_49] : memref<5120xi32, #tpu.memory_space<vmem>> -> memref<128xi32, #tpu.memory_space<vmem>>
    %dma_wait3A_51 = arith.constant 0 : i32
    %dma_wait3A_52 = arith.constant 0 : i32
    %dma_wait3A_53 = tpu.memref_slice %arg2[%dma_wait3A_51, %dma_wait3A_52] : memref<10240x128xf32, #tpu.memory_space<hbm>> -> memref<10240x128xf32, #tpu.memory_space<hbm>>
    tpu.wait_indirect_dma semaphore(%arg12 : memref<!tpu.dma_semaphore, #tpu.memory_space<semaphore_mem>>) src(%dma_wait3A_53 : memref<10240x128xf32, #tpu.memory_space<hbm>>) dst(%arg9 : memref<128x128xf32, #tpu.memory_space<vmem>>)
    %run_scoped3A_54 = arith.constant 78 : i32
    "tpu.region"() ({
      %run_scoped3A_67 = tpu.sem_alloc : memref<!tpu.dma_semaphore, #tpu.memory_space<semaphore_mem>>
      %dma_start3A_68 = arith.constant 0 : i32
      %dma_start3A_69 = tpu.memref_slice %arg8[%run_scoped3A_54, %dma_start3A_68] : memref<80x128xi32, #tpu.memory_space<vmem>> -> memref<1x128xi32, #tpu.memory_space<vmem>>
      %dma_start3A_70 = tpu.memref_squeeze %dma_start3A_69 : memref<1x128xi32, #tpu.memory_space<vmem>> -> memref<128xi32, #tpu.memory_space<vmem>>
      %dma_start3A_71 = arith.constant 0 : i32
      %dma_start3A_72 = arith.constant 0 : i32
      %dma_start3A_73 = tpu.memref_slice %arg11[%dma_start3A_71, %dma_start3A_72] : memref<10240x128xf32, #tpu.memory_space<vmem_shared>> -> memref<10240x128xf32, #tpu.memory_space<vmem_shared>>
      tpu.enqueue_indirect_dma source(%arg9 : memref<128x128xf32, #tpu.memory_space<vmem>>) target(%dma_start3A_73 : memref<10240x128xf32, #tpu.memory_space<vmem_shared>>) offsets(%dma_start3A_70 : memref<128xi32, #tpu.memory_space<vmem>>) semaphore(%run_scoped3A_67 : memref<!tpu.dma_semaphore, #tpu.memory_space<semaphore_mem>>) {add = true}
      %dma_wait3A_74 = arith.constant 0 : i32
      %dma_wait3A_75 = tpu.memref_slice %arg8[%run_scoped3A_54, %dma_wait3A_74] : memref<80x128xi32, #tpu.memory_space<vmem>> -> memref<1x128xi32, #tpu.memory_space<vmem>>
      %dma_wait3A_76 = tpu.memref_squeeze %dma_wait3A_75 : memref<1x128xi32, #tpu.memory_space<vmem>> -> memref<128xi32, #tpu.memory_space<vmem>>
      %dma_wait3A_77 = arith.constant 0 : i32
      %dma_wait3A_78 = arith.constant 0 : i32
      %dma_wait3A_79 = tpu.memref_slice %arg11[%dma_wait3A_77, %dma_wait3A_78] : memref<10240x128xf32, #tpu.memory_space<vmem_shared>> -> memref<10240x128xf32, #tpu.memory_space<vmem_shared>>
      tpu.wait_indirect_dma semaphore(%run_scoped3A_67 : memref<!tpu.dma_semaphore, #tpu.memory_space<semaphore_mem>>) src(%arg9 : memref<128x128xf32, #tpu.memory_space<vmem>>) dst(%dma_wait3A_79 : memref<10240x128xf32, #tpu.memory_space<vmem_shared>>)
      tpu.yield
    }) : () -> ()
    %multiple_of3A_55 = arith.constant 4992 : i32
    %multiple_of3A_56 = tpu.assume_multiple %multiple_of3A_55, 128 : i32
    %dma_wait3A_57 = tpu.memref_slice %arg7[%multiple_of3A_56] : memref<5120xi32, #tpu.memory_space<vmem>> -> memref<128xi32, #tpu.memory_space<vmem>>
    %dma_wait3A_58 = arith.constant 0 : i32
    %dma_wait3A_59 = arith.constant 0 : i32
    %dma_wait3A_60 = tpu.memref_slice %arg2[%dma_wait3A_58, %dma_wait3A_59] : memref<10240x128xf32, #tpu.memory_space<hbm>> -> memref<10240x128xf32, #tpu.memory_space<hbm>>
    tpu.wait_indirect_dma semaphore(%arg13 : memref<!tpu.dma_semaphore, #tpu.memory_space<semaphore_mem>>) src(%dma_wait3A_60 : memref<10240x128xf32, #tpu.memory_space<hbm>>) dst(%arg10 : memref<128x128xf32, #tpu.memory_space<vmem>>)
    %run_scoped3A_61 = arith.constant 79 : i32
    "tpu.region"() ({
      %run_scoped3A_67 = tpu.sem_alloc : memref<!tpu.dma_semaphore, #tpu.memory_space<semaphore_mem>>
      %dma_start3A_68 = arith.constant 0 : i32
      %dma_start3A_69 = tpu.memref_slice %arg8[%run_scoped3A_61, %dma_start3A_68] : memref<80x128xi32, #tpu.memory_space<vmem>> -> memref<1x128xi32, #tpu.memory_space<vmem>>
      %dma_start3A_70 = tpu.memref_squeeze %dma_start3A_69 : memref<1x128xi32, #tpu.memory_space<vmem>> -> memref<128xi32, #tpu.memory_space<vmem>>
      %dma_start3A_71 = arith.constant 0 : i32
      %dma_start3A_72 = arith.constant 0 : i32
      %dma_start3A_73 = tpu.memref_slice %arg11[%dma_start3A_71, %dma_start3A_72] : memref<10240x128xf32, #tpu.memory_space<vmem_shared>> -> memref<10240x128xf32, #tpu.memory_space<vmem_shared>>
      tpu.enqueue_indirect_dma source(%arg10 : memref<128x128xf32, #tpu.memory_space<vmem>>) target(%dma_start3A_73 : memref<10240x128xf32, #tpu.memory_space<vmem_shared>>) offsets(%dma_start3A_70 : memref<128xi32, #tpu.memory_space<vmem>>) semaphore(%run_scoped3A_67 : memref<!tpu.dma_semaphore, #tpu.memory_space<semaphore_mem>>) {add = true}
      %dma_wait3A_74 = arith.constant 0 : i32
      %dma_wait3A_75 = tpu.memref_slice %arg8[%run_scoped3A_61, %dma_wait3A_74] : memref<80x128xi32, #tpu.memory_space<vmem>> -> memref<1x128xi32, #tpu.memory_space<vmem>>
      %dma_wait3A_76 = tpu.memref_squeeze %dma_wait3A_75 : memref<1x128xi32, #tpu.memory_space<vmem>> -> memref<128xi32, #tpu.memory_space<vmem>>
      %dma_wait3A_77 = arith.constant 0 : i32
      %dma_wait3A_78 = arith.constant 0 : i32
      %dma_wait3A_79 = tpu.memref_slice %arg11[%dma_wait3A_77, %dma_wait3A_78] : memref<10240x128xf32, #tpu.memory_space<vmem_shared>> -> memref<10240x128xf32, #tpu.memory_space<vmem_shared>>
      tpu.wait_indirect_dma semaphore(%run_scoped3A_67 : memref<!tpu.dma_semaphore, #tpu.memory_space<semaphore_mem>>) src(%arg10 : memref<128x128xf32, #tpu.memory_space<vmem>>) dst(%dma_wait3A_79 : memref<10240x128xf32, #tpu.memory_space<vmem_shared>>)
      tpu.yield
    }) : () -> ()
    %barrier3A_62 = arith.constant 0 : index
    tpu.barrier barrier_id(%barrier3A_62)
    %mul3A_63 = arith.constant 640 : i32
    %mul3A_64 = arith.muli %arg1, %mul3A_63 : i32
    %mul3A_65 = arith.constant 640 : i32
    %mul3A_66 = arith.muli %arg1, %mul3A_65 : i32
    "tpu.region"() ({
      %run_scoped3A_67 = tpu.sem_alloc : memref<!tpu.dma_semaphore, #tpu.memory_space<semaphore_mem>>
      %dma_start3A_68 = arith.constant 0 : i32
      %dma_start3A_69 = tpu.memref_slice %arg6[%arg0, %mul3A_66, %dma_start3A_68] : memref<2x10240x128xf32, #tpu.memory_space<hbm>> -> memref<1x640x128xf32, #tpu.memory_space<hbm>>
      %dma_start3A_70 = tpu.memref_squeeze %dma_start3A_69 : memref<1x640x128xf32, #tpu.memory_space<hbm>> -> memref<640x128xf32, #tpu.memory_space<hbm>>
      %dma_start3A_71 = arith.constant 0 : i32
      %dma_start3A_72 = tpu.memref_slice %arg11[%mul3A_64, %dma_start3A_71] : memref<10240x128xf32, #tpu.memory_space<vmem_shared>> -> memref<640x128xf32, #tpu.memory_space<vmem_shared>>
      tpu.enqueue_dma source(%dma_start3A_72 : memref<640x128xf32, #tpu.memory_space<vmem_shared>>) target(%dma_start3A_70 : memref<640x128xf32, #tpu.memory_space<hbm>>) target_semaphore(%run_scoped3A_67 : memref<!tpu.dma_semaphore, #tpu.memory_space<semaphore_mem>>)
      %dma_wait3A_73 = arith.constant 0 : i32
      %dma_wait3A_74 = tpu.memref_slice %arg6[%arg0, %mul3A_66, %dma_wait3A_73] : memref<2x10240x128xf32, #tpu.memory_space<hbm>> -> memref<1x640x128xf32, #tpu.memory_space<hbm>>
      %dma_wait3A_75 = tpu.memref_squeeze %dma_wait3A_74 : memref<1x640x128xf32, #tpu.memory_space<hbm>> -> memref<640x128xf32, #tpu.memory_space<hbm>>
      %dma_wait3A_76 = arith.constant 0 : i32
      %dma_wait3A_77 = tpu.memref_slice %arg11[%mul3A_64, %dma_wait3A_76] : memref<10240x128xf32, #tpu.memory_space<vmem_shared>> -> memref<640x128xf32, #tpu.memory_space<vmem_shared>>
      tpu.wait_dma2 semaphore(%run_scoped3A_67 : memref<!tpu.dma_semaphore, #tpu.memory_space<semaphore_mem>>) src(%dma_wait3A_77 : memref<640x128xf32, #tpu.memory_space<vmem_shared>>) dst(%dma_wait3A_75 : memref<640x128xf32, #tpu.memory_space<hbm>>)
      tpu.yield
    }) : () -> ()
    return
  }
}

module attributes {stable_mosaic.version = 14 : i64} {
  func.func @_norm_body(%arg0: i32, %arg1: memref<2x2x2048x128xf32, #tpu.memory_space<vmem>>, %arg2: memref<2048x1xf32, #tpu.memory_space<vmem>>, %arg3: memref<2048x1xf32, #tpu.memory_space<vmem>>, %arg4: memref<2048x1xf32, #tpu.memory_space<vmem>>) attributes {dimension_semantics = [#tpu.dimension_semantics<arbitrary>], iteration_bounds = array<i64: 5>, scalar_prefetch = 0 : i64, scratch_operands = 0 : i64, tpu.core_type = #tpu.core_type<tc>, window_params = [{transform_indices = @transform_0, window_bounds = array<i64: 2, 2, 2048, 128>}, {transform_indices = @transform_1, window_bounds = array<i64: 2048, 1>}, {transform_indices = @transform_2, window_bounds = array<i64: 2048, 1>}, {transform_indices = @transform_3, window_bounds = array<i64: 2048, 1>}]} {
    %get3A = arith.constant 0 : index
    %get3A_0 = arith.constant 0 : index
    %get3A_1 = arith.constant 0 : index
    %get3A_2 = arith.constant 0 : index
    %get3A_3 = vector.load %arg1[%get3A, %get3A_0, %get3A_1, %get3A_2] : memref<2x2x2048x128xf32, #tpu.memory_space<vmem>>, vector<1x1x2048x1xf32>
    %get3A_4 = vector.shape_cast %get3A_3 : vector<1x1x2048x1xf32> to vector<2048x1xf32>
    %get3A_5 = arith.constant 1 : index
    %get3A_6 = arith.constant 0 : index
    %get3A_7 = arith.constant 0 : index
    %get3A_8 = arith.constant 0 : index
    %get3A_9 = vector.load %arg1[%get3A_5, %get3A_6, %get3A_7, %get3A_8] : memref<2x2x2048x128xf32, #tpu.memory_space<vmem>>, vector<1x1x2048x1xf32>
    %get3A_10 = vector.shape_cast %get3A_9 : vector<1x1x2048x1xf32> to vector<2048x1xf32>
    %add3A = arith.addf %get3A_4, %get3A_10 : vector<2048x1xf32>
    %get3A_11 = arith.constant 0 : index
    %get3A_12 = arith.constant 1 : index
    %get3A_13 = arith.constant 0 : index
    %get3A_14 = arith.constant 0 : index
    %get3A_15 = vector.load %arg1[%get3A_11, %get3A_12, %get3A_13, %get3A_14] : memref<2x2x2048x128xf32, #tpu.memory_space<vmem>>, vector<1x1x2048x1xf32>
    %get3A_16 = vector.shape_cast %get3A_15 : vector<1x1x2048x1xf32> to vector<2048x1xf32>
    %get3A_17 = arith.constant 1 : index
    %get3A_18 = arith.constant 1 : index
    %get3A_19 = arith.constant 0 : index
    %get3A_20 = arith.constant 0 : index
    %get3A_21 = vector.load %arg1[%get3A_17, %get3A_18, %get3A_19, %get3A_20] : memref<2x2x2048x128xf32, #tpu.memory_space<vmem>>, vector<1x1x2048x1xf32>
    %get3A_22 = vector.shape_cast %get3A_21 : vector<1x1x2048x1xf32> to vector<2048x1xf32>
    %add3A_23 = arith.addf %get3A_16, %get3A_22 : vector<2048x1xf32>
    %gt3A = arith.constant 0.000000e+00 : f32
    %gt3A_24 = vector.broadcast %gt3A : f32 to vector<2048x1xf32>
    %gt3A_25 = arith.cmpf ogt, %add3A, %gt3A_24 : vector<2048x1xf32>
    %max3A = arith.constant 1.000000e+00 : f32
    %max3A_26 = vector.broadcast %max3A : f32 to vector<2048x1xf32>
    %max3A_27 = arith.maximumf %add3A, %max3A_26 : vector<2048x1xf32>
    %rsqrt3A = math.rsqrt %max3A_27 : vector<2048x1xf32>
    %jit3A = arith.constant 0.000000e+00 : f32
    %broadcast_in_dim3A = vector.broadcast %jit3A : f32 to vector<2048x1xf32>
    %select_n3A = arith.select %gt3A_25, %rsqrt3A, %broadcast_in_dim3A : vector<2048x1xi1>, vector<2048x1xf32>
    %gt3A_28 = arith.constant 0.000000e+00 : f32
    %gt3A_29 = vector.broadcast %gt3A_28 : f32 to vector<2048x1xf32>
    %gt3A_30 = arith.cmpf ogt, %add3A_23, %gt3A_29 : vector<2048x1xf32>
    %max3A_31 = arith.constant 1.000000e+00 : f32
    %max3A_32 = vector.broadcast %max3A_31 : f32 to vector<2048x1xf32>
    %max3A_33 = arith.maximumf %add3A_23, %max3A_32 : vector<2048x1xf32>
    %rsqrt3A_34 = math.rsqrt %max3A_33 : vector<2048x1xf32>
    %jit3A_35 = arith.constant 0.000000e+00 : f32
    %broadcast_in_dim3A_36 = vector.broadcast %jit3A_35 : f32 to vector<2048x1xf32>
    %select_n3A_37 = arith.select %gt3A_30, %rsqrt3A_34, %broadcast_in_dim3A_36 : vector<2048x1xi1>, vector<2048x1xf32>
    %swap3A = arith.constant 0 : index
    %swap3A_38 = arith.constant 0 : index
    %swap3A_39 = vector.load %arg2[%swap3A, %swap3A_38] : memref<2048x1xf32, #tpu.memory_space<vmem>>, vector<2048x1xf32>
    tpu.vector_store %arg2[%swap3A, %swap3A_38], %select_n3A {strides = array<i32>} : memref<2048x1xf32, #tpu.memory_space<vmem>>, vector<2048x1xf32>,
    %mul3A = arith.mulf %select_n3A, %select_n3A_37 : vector<2048x1xf32>
    %swap3A_40 = arith.constant 0 : index
    %swap3A_41 = arith.constant 0 : index
    %swap3A_42 = vector.load %arg3[%swap3A_40, %swap3A_41] : memref<2048x1xf32, #tpu.memory_space<vmem>>, vector<2048x1xf32>
    tpu.vector_store %arg3[%swap3A_40, %swap3A_41], %mul3A {strides = array<i32>} : memref<2048x1xf32, #tpu.memory_space<vmem>>, vector<2048x1xf32>,
    %swap3A_43 = arith.constant 0 : index
    %swap3A_44 = arith.constant 0 : index
    %swap3A_45 = vector.load %arg4[%swap3A_43, %swap3A_44] : memref<2048x1xf32, #tpu.memory_space<vmem>>, vector<2048x1xf32>
    tpu.vector_store %arg4[%swap3A_43, %swap3A_44], %select_n3A_37 {strides = array<i32>} : memref<2048x1xf32, #tpu.memory_space<vmem>>, vector<2048x1xf32>,
    return
  }
  func.func @transform_0(%arg0: i32) -> (i32, i32, i32, i32) {
    %c0_i32 = arith.constant 0 : i32
    %c0_i32_0 = arith.constant 0 : i32
    %c0_i32_1 = arith.constant 0 : i32
    %c0_i32_2 = arith.constant 0 : i32
    return %c0_i32, %c0_i32_0, %arg0, %c0_i32_1 : i32, i32, i32, i32
  }
  func.func @transform_1(%arg0: i32) -> (i32, i32) {
    %c0_i32 = arith.constant 0 : i32
    %c0_i32_0 = arith.constant 0 : i32
    return %arg0, %c0_i32 : i32, i32
  }
  func.func @transform_2(%arg0: i32) -> (i32, i32) {
    %c0_i32 = arith.constant 0 : i32
    %c0_i32_0 = arith.constant 0 : i32
    return %arg0, %c0_i32 : i32, i32
  }
  func.func @transform_3(%arg0: i32) -> (i32, i32) {
    %c0_i32 = arith.constant 0 : i32
    %c0_i32_0 = arith.constant 0 : i32
    return %arg0, %c0_i32 : i32, i32
  }
}

module attributes {stable_mosaic.version = 14 : i64} {
  func.func @_mm1_body(%arg0: i32, %arg1: memref<2048x128xf32, #tpu.memory_space<vmem>>, %arg2: memref<2048x1xf32, #tpu.memory_space<vmem>>, %arg3: memref<128x128xf32, #tpu.memory_space<vmem>>, %arg4: memref<2048x128xf32, #tpu.memory_space<vmem>>) attributes {dimension_semantics = [#tpu.dimension_semantics<arbitrary>], iteration_bounds = array<i64: 5>, scalar_prefetch = 0 : i64, scratch_operands = 0 : i64, tpu.core_type = #tpu.core_type<tc>, window_params = [{transform_indices = @transform_0, window_bounds = array<i64: 2048, 128>}, {transform_indices = @transform_1, window_bounds = array<i64: 2048, 1>}, {pipeline_mode = #tpu.pipeline_mode<synchronous>, transform_indices = @transform_2, window_bounds = array<i64: 128, 128>}, {transform_indices = @transform_3, window_bounds = array<i64: 2048, 128>}]} {
    %get3A = arith.constant 0 : index
    %get3A_0 = arith.constant 0 : index
    %get3A_1 = vector.load %arg1[%get3A, %get3A_0] : memref<2048x128xf32, #tpu.memory_space<vmem>>, vector<2048x128xf32>
    %get3A_2 = arith.constant 0 : index
    %get3A_3 = arith.constant 0 : index
    %get3A_4 = vector.load %arg2[%get3A_2, %get3A_3] : memref<2048x1xf32, #tpu.memory_space<vmem>>, vector<2048x1xf32>
    %mul3A = vector.broadcast %get3A_4 : vector<2048x1xf32> to vector<2048x128xf32>
    %mul3A_5 = arith.mulf %get3A_1, %mul3A : vector<2048x128xf32>
    %get3A_6 = arith.constant 0 : index
    %get3A_7 = arith.constant 0 : index
    %get3A_8 = vector.load %arg3[%get3A_6, %get3A_7] : memref<128x128xf32, #tpu.memory_space<vmem>>, vector<128x128xf32>
    %dot_general3A = arith.constant dense<0.000000e+00> : vector<2048x128xf32>
    %dot_general3A_9 = tpu.matmul %mul3A_5, %get3A_8, %dot_general3A {dimension_numbers = #tpu.dot_dimension_numbers<[1], [0], [0], [1], [0, 0, 1, 1], [], []>, transpose_lhs_hint = false} : vector<2048x128xf32>, vector<128x128xf32>, vector<2048x128xf32> -> vector<2048x128xf32>
    %swap3A = arith.constant 0 : index
    %swap3A_10 = arith.constant 0 : index
    %swap3A_11 = vector.load %arg4[%swap3A, %swap3A_10] : memref<2048x128xf32, #tpu.memory_space<vmem>>, vector<2048x128xf32>
    tpu.vector_store %arg4[%swap3A, %swap3A_10], %dot_general3A_9 {strides = array<i32>} : memref<2048x128xf32, #tpu.memory_space<vmem>>, vector<2048x128xf32>,
    return
  }
  func.func @transform_0(%arg0: i32) -> (i32, i32) {
    %c0_i32 = arith.constant 0 : i32
    %c0_i32_0 = arith.constant 0 : i32
    return %arg0, %c0_i32 : i32, i32
  }
  func.func @transform_1(%arg0: i32) -> (i32, i32) {
    %c0_i32 = arith.constant 0 : i32
    %c0_i32_0 = arith.constant 0 : i32
    return %arg0, %c0_i32 : i32, i32
  }
  func.func @transform_2(%arg0: i32) -> (i32, i32) {
    %c0_i32 = arith.constant 0 : i32
    %c0_i32_0 = arith.constant 0 : i32
    %c0_i32_1 = arith.constant 0 : i32
    return %c0_i32, %c0_i32_0 : i32, i32
  }
  func.func @transform_3(%arg0: i32) -> (i32, i32) {
    %c0_i32 = arith.constant 0 : i32
    %c0_i32_0 = arith.constant 0 : i32
    return %arg0, %c0_i32 : i32, i32
  }
}

module attributes {stable_mosaic.version = 14 : i64} {
  func.func @_mm2_body(%arg0: i32, %arg1: memref<2x2048x128xf32, #tpu.memory_space<vmem>>, %arg2: memref<2048x1xf32, #tpu.memory_space<vmem>>, %arg3: memref<128x128xf32, #tpu.memory_space<vmem>>, %arg4: memref<2048x128xf32, #tpu.memory_space<vmem>>) attributes {dimension_semantics = [#tpu.dimension_semantics<arbitrary>], iteration_bounds = array<i64: 5>, scalar_prefetch = 0 : i64, scratch_operands = 0 : i64, tpu.core_type = #tpu.core_type<tc>, window_params = [{transform_indices = @transform_0, window_bounds = array<i64: 2, 2048, 128>}, {transform_indices = @transform_1, window_bounds = array<i64: 2048, 1>}, {pipeline_mode = #tpu.pipeline_mode<synchronous>, transform_indices = @transform_2, window_bounds = array<i64: 128, 128>}, {transform_indices = @transform_3, window_bounds = array<i64: 2048, 128>}]} {
    %get3A = arith.constant 0 : index
    %get3A_0 = arith.constant 0 : index
    %get3A_1 = arith.constant 0 : index
    %get3A_2 = vector.load %arg1[%get3A, %get3A_0, %get3A_1] : memref<2x2048x128xf32, #tpu.memory_space<vmem>>, vector<1x2048x128xf32>
    %get3A_3 = vector.shape_cast %get3A_2 : vector<1x2048x128xf32> to vector<2048x128xf32>
    %get3A_4 = arith.constant 1 : index
    %get3A_5 = arith.constant 0 : index
    %get3A_6 = arith.constant 0 : index
    %get3A_7 = vector.load %arg1[%get3A_4, %get3A_5, %get3A_6] : memref<2x2048x128xf32, #tpu.memory_space<vmem>>, vector<1x2048x128xf32>
    %get3A_8 = vector.shape_cast %get3A_7 : vector<1x2048x128xf32> to vector<2048x128xf32>
    %add3A = arith.addf %get3A_3, %get3A_8 : vector<2048x128xf32>
    %get3A_9 = arith.constant 0 : index
    %get3A_10 = arith.constant 0 : index
    %get3A_11 = vector.load %arg2[%get3A_9, %get3A_10] : memref<2048x1xf32, #tpu.memory_space<vmem>>, vector<2048x1xf32>
    %mul3A = vector.broadcast %get3A_11 : vector<2048x1xf32> to vector<2048x128xf32>
    %mul3A_12 = arith.mulf %add3A, %mul3A : vector<2048x128xf32>
    %get3A_13 = arith.constant 0 : index
    %get3A_14 = arith.constant 0 : index
    %get3A_15 = vector.load %arg3[%get3A_13, %get3A_14] : memref<128x128xf32, #tpu.memory_space<vmem>>, vector<128x128xf32>
    %dot_general3A = arith.constant dense<0.000000e+00> : vector<2048x128xf32>
    %dot_general3A_16 = tpu.matmul %mul3A_12, %get3A_15, %dot_general3A {dimension_numbers = #tpu.dot_dimension_numbers<[1], [0], [0], [1], [0, 0, 1, 1], [], []>, transpose_lhs_hint = false} : vector<2048x128xf32>, vector<128x128xf32>, vector<2048x128xf32> -> vector<2048x128xf32>
    %swap3A = arith.constant 0 : index
    %swap3A_17 = arith.constant 0 : index
    %swap3A_18 = vector.load %arg4[%swap3A, %swap3A_17] : memref<2048x128xf32, #tpu.memory_space<vmem>>, vector<2048x128xf32>
    tpu.vector_store %arg4[%swap3A, %swap3A_17], %dot_general3A_16 {strides = array<i32>} : memref<2048x128xf32, #tpu.memory_space<vmem>>, vector<2048x128xf32>,
    return
  }
  func.func @transform_0(%arg0: i32) -> (i32, i32, i32) {
    %c0_i32 = arith.constant 0 : i32
    %c0_i32_0 = arith.constant 0 : i32
    %c0_i32_1 = arith.constant 0 : i32
    return %c0_i32, %arg0, %c0_i32_0 : i32, i32, i32
  }
  func.func @transform_1(%arg0: i32) -> (i32, i32) {
    %c0_i32 = arith.constant 0 : i32
    %c0_i32_0 = arith.constant 0 : i32
    return %arg0, %c0_i32 : i32, i32
  }
  func.func @transform_2(%arg0: i32) -> (i32, i32) {
    %c0_i32 = arith.constant 0 : i32
    %c0_i32_0 = arith.constant 0 : i32
    %c0_i32_1 = arith.constant 0 : i32
    return %c0_i32, %c0_i32_0 : i32, i32
  }
  func.func @transform_3(%arg0: i32) -> (i32, i32) {
    %c0_i32 = arith.constant 0 : i32
    %c0_i32_0 = arith.constant 0 : i32
    return %arg0, %c0_i32 : i32, i32
  }
}

module attributes {stable_mosaic.version = 14 : i64} {
  func.func @_final_body(%arg0: i32, %arg1: memref<2x2048x128xf32, #tpu.memory_space<vmem>>, %arg2: memref<2048x1xf32, #tpu.memory_space<vmem>>, %arg3: memref<2048x128xf32, #tpu.memory_space<vmem>>) attributes {dimension_semantics = [#tpu.dimension_semantics<arbitrary>], iteration_bounds = array<i64: 5>, scalar_prefetch = 0 : i64, scratch_operands = 0 : i64, tpu.core_type = #tpu.core_type<tc>, window_params = [{transform_indices = @transform_0, window_bounds = array<i64: 2, 2048, 128>}, {transform_indices = @transform_1, window_bounds = array<i64: 2048, 1>}, {transform_indices = @transform_2, window_bounds = array<i64: 2048, 128>}]} {
    %get3A = arith.constant 0 : index
    %get3A_0 = arith.constant 0 : index
    %get3A_1 = arith.constant 0 : index
    %get3A_2 = vector.load %arg1[%get3A, %get3A_0, %get3A_1] : memref<2x2048x128xf32, #tpu.memory_space<vmem>>, vector<1x2048x128xf32>
    %get3A_3 = vector.shape_cast %get3A_2 : vector<1x2048x128xf32> to vector<2048x128xf32>
    %get3A_4 = arith.constant 1 : index
    %get3A_5 = arith.constant 0 : index
    %get3A_6 = arith.constant 0 : index
    %get3A_7 = vector.load %arg1[%get3A_4, %get3A_5, %get3A_6] : memref<2x2048x128xf32, #tpu.memory_space<vmem>>, vector<1x2048x128xf32>
    %get3A_8 = vector.shape_cast %get3A_7 : vector<1x2048x128xf32> to vector<2048x128xf32>
    %add3A = arith.addf %get3A_3, %get3A_8 : vector<2048x128xf32>
    %get3A_9 = arith.constant 0 : index
    %get3A_10 = arith.constant 0 : index
    %get3A_11 = vector.load %arg2[%get3A_9, %get3A_10] : memref<2048x1xf32, #tpu.memory_space<vmem>>, vector<2048x1xf32>
    %mul3A = vector.broadcast %get3A_11 : vector<2048x1xf32> to vector<2048x128xf32>
    %mul3A_12 = arith.mulf %add3A, %mul3A : vector<2048x128xf32>
    %swap3A = arith.constant 0 : index
    %swap3A_13 = arith.constant 0 : index
    %swap3A_14 = vector.load %arg3[%swap3A, %swap3A_13] : memref<2048x128xf32, #tpu.memory_space<vmem>>, vector<2048x128xf32>
    tpu.vector_store %arg3[%swap3A, %swap3A_13], %mul3A_12 {strides = array<i32>} : memref<2048x128xf32, #tpu.memory_space<vmem>>, vector<2048x128xf32>,
    return
  }
  func.func @transform_0(%arg0: i32) -> (i32, i32, i32) {
    %c0_i32 = arith.constant 0 : i32
    %c0_i32_0 = arith.constant 0 : i32
    %c0_i32_1 = arith.constant 0 : i32
    return %c0_i32, %arg0, %c0_i32_0 : i32, i32, i32
  }
  func.func @transform_1(%arg0: i32) -> (i32, i32) {
    %c0_i32 = arith.constant 0 : i32
    %c0_i32_0 = arith.constant 0 : i32
    return %arg0, %c0_i32 : i32, i32
  }
  func.func @transform_2(%arg0: i32) -> (i32, i32) {
    %c0_i32 = arith.constant 0 : i32
    %c0_i32_0 = arith.constant 0 : i32
    return %arg0, %c0_i32 : i32, i32
  }
}

</mosaic_0001>

<sc_bundles>
// kernel: kernel.11.cloned.1.call-start
scs
__scs_entry_jumppad:
0x0: {  	(pc) =	sbr.rel $0x88, $3  }
0x1: {  	(tag) =	ssettag $0x0;
	lr =	simm.s32 $0x1  }
0x2: {  	[smem:$0x3F9C] =	sst lr;
	_ =	strace $0xD0000000  }
0x3: {  	_ = 	snop  }
0x4: {  	_ = 	snop  }
0x5: {  	_ = 	snop  }
0x6: {  	_ = 	snop  }
0x7: {  	_ = 	snop  }
__scs_overlays_trampoline_lowered:
0x8: {  	[smem:$0x3FAB] =	sst s0  }
0x9: {  	[smem:$0x3FAC] =	sst s1  }
0xa: {  	[smem:$0x3FAD] =	sst s2  }
0xb: {  	[smem:$0x3FAE] =	sst s3  }
0xc: {  	[smem:$0x3FAF] =	sst s4  }
0xd: {  	[smem:$0x3FB0] =	sst s5  }
0xe: {  	[smem:$0x3FB1] =	sst s6  }
0xf: {  	[smem:$0x3FB2] =	sst s7  }
0x10: {  	[smem:$0x3FB3] =	sst s8  }
0x11: {  	[smem:$0x3FB4] =	sst s9;
	s0 =	simm.s32 @!p0 $0x0  }
0x12: {  	s1 =	sld [smem:$0x3F9A];
	s0 =	simm.s32 @p0 $0x1  }
0x13: {  	[smem:$0x3FB5] =	sst s0;
	s0 =	simm.s32 @!p1 $0x0  }
0x14: {  	s2 =	sld [smem:$0x3F99];
	s0 =	simm.s32 @p1 $0x1  }
0x15: {  	[smem:$0x3FB6] =	sst s0;
	s0 =	simm.s32 @!p2 $0x0  }
0x16: {  	s3 =	sld [smem:$0x3FDB];
	s0 =	simm.s32 @p2 $0x1  }
0x17: {  	s4 =	simm.s32 $0x1BF5;
	[smem:$0x3FB8] =	sst s0  }
0x18: {  	s0 =	sld [smem:$0x3F9B];
	_ =	swait.ge [sflag:s4], $0x0  }
0x19: {  	s7 =	sld [smem:$0x3F9C]  }
0x1a: {  	s8 =	sadd.s32 $0xFFFFE003, lr  }
0x1b: {  	s9 =	sadd.s32 $0xFFFFFEF7, lr;
	s5 =	simm.s32 $0xFFFFFFFF;
	p2 =	slt.u32 s8, $0xFFFFF086  }
0x1c: {  	p1 =	slt.u32 s9, $0xF7A;
	s5 =	simm.s32 @!p2 $0x0  }
0x1d: {  	s5 =	simm.s32 @p1 $0x1;
	p0 =	seq.s32 s7, s2  }
0x1e: {  	s7 =	smul.u32 @!p0 $0xF7A, s2;
	p2 =	seq.s32 @!p0 s5, $0x0  }
0x1f: {  	s9 =	smul.u32 $0xF7A, s1;
	s8 =	simm.s32 @!p0 $0x1BF5;
	p2 =	por !p2, p0  }
0x20: {  	[sflag:s8] =	ssyncset.s32 @!p0 $0xFFFFF086;
	s6 =	sadd.s32 @!p0 s3, s7;
	s7 =	simm.s32 @!p0 $0x108  }
0x21: {  	s3 =	sadd.s32 s3, s9;
	s6 =	sadd.s32 @!p0 $0x88, s6;
	s7 =	simm.s32 @p2 $0x1082  }
0x22: {  	[simem:s7], [sflag:s8] =	dma.local @!p0 [hbm:s6], $0xF7A  }
0x23: {  	s9 =	sor.u32 $0xD0000000, s2;
	s6 =	simm.s32 $0x108;
	_ =	swait.ge @!p0 [sflag:s8], $0x0  }
0x24: {  	s3 =	sadd.s32 $0x88, s3;
	s6 =	simm.s32 @!p1 $0x1082;
	[sflag:s4] =	ssyncset.s32 $0xFFFFF086  }
0x25: {  	[simem:s6], [sflag:s4] =	dma.local [hbm:s3], $0xF7A  }
0x26: {  	[smem:$0x3F9C] =	sst s1;
	(tag) =	ssettag s2;
	_ =	strace s9  }
0x27: {  	s1 =	sld [smem:$0x3FAC]  }
0x28: {  	s2 =	sld [smem:$0x3FAD]  }
0x29: {  	s4 =	sld [smem:$0x3FAF]  }
0x2a: {  	p0 =	seq.s32 s5, $0x0;
	s5 =	sld [smem:$0x3FB0]  }
0x2b: {  	s6 =	sld [smem:$0x3FB1]  }
0x2c: {  	s7 =	sld [smem:$0x3FB2]  }
0x2d: {  	s3 =	simm.s32 $0x108;
	s8 =	sld [smem:$0x3FB3]  }
0x2e: {  	s3 =	simm.s32 @!p0 $0x1082;
	s9 =	sld [smem:$0x3FB4]  }
0x2f: {  	lr =	sadd.s32 s0, s3;
	s0 =	sld [smem:$0x3FAB]  }
0x30: {  	s3 =	sld [smem:$0x3FAE]  }
0x31: {  	[smem:$0x3FB7] =	sst s10  }
0x32: {  	s10 =	sld [smem:$0x3FB5];
	_ =	sdelay $0x3  }
0x33: {  	p0 =	seq.s32 s10, $0x1;
	s10 =	sld [smem:$0x3FB7];
	_ =	sdelay $0x3  }
0x34: {  	[smem:$0x3FB7] =	sst s10  }
0x35: {  	s10 =	sld [smem:$0x3FB6];
	_ =	sdelay $0x3  }
0x36: {  	p1 =	seq.s32 s10, $0x1;
	s10 =	sld [smem:$0x3FB7];
	_ =	sdelay $0x3  }
0x37: {  	[smem:$0x3FB7] =	sst s10  }
0x38: {  	s10 =	sld [smem:$0x3FB8]  }
0x39: {  	_ = 	snop;
	(pc) =	sbr.ind lr, $3  }
0x3a: {  	_ = 	snop  }
0x3b: {  	_ = 	snop  }
0x3c: {  	p2 =	seq.s32 s10, $0x1;
	s10 =	sld [smem:$0x3FB7]  }
0x3d: {  	_ =	shalt  }
0x3e: {  	_ =	shalt  }
0x3f: {  	_ =	shalt  }
0x40: {  	_ =	shalt  }
0x41: {  	_ =	shalt  }
0x42: {  	_ =	shalt  }
0x43: {  	_ =	shalt  }
0x44: {  	_ =	shalt  }
0x45: {  	_ =	shalt  }
0x46: {  	_ =	shalt  }
0x47: {  	_ =	shalt  }
0x48: {  	_ =	shalt  }
0x49: {  	_ =	shalt  }
0x4a: {  	_ =	shalt  }
0x4b: {  	_ =	shalt  }
0x4c: {  	_ =	shalt  }
0x4d: {  	_ =	shalt  }
0x4e: {  	_ =	shalt  }
0x4f: {  	_ =	shalt  }
0x50: {  	_ =	shalt  }
0x51: {  	_ =	shalt  }
0x52: {  	_ =	shalt  }
0x53: {  	_ =	shalt  }
0x54: {  	_ =	shalt  }
0x55: {  	_ =	shalt  }
0x56: {  	_ =	shalt  }
0x57: {  	_ =	shalt  }
0x58: {  	_ =	shalt  }
0x59: {  	_ =	shalt  }
0x5a: {  	_ =	shalt  }
0x5b: {  	_ =	shalt  }
0x5c: {  	_ =	shalt  }
0x5d: {  	_ =	shalt  }
0x5e: {  	_ =	shalt  }
0x5f: {  	_ =	shalt  }
0x60: {  	_ =	shalt  }
0x61: {  	_ =	shalt  }
0x62: {  	_ =	shalt  }
0x63: {  	_ =	shalt  }
0x64: {  	_ =	shalt  }
0x65: {  	_ =	shalt  }
0x66: {  	_ =	shalt  }
0x67: {  	_ =	shalt  }
0x68: {  	_ =	shalt  }
0x69: {  	_ =	shalt  }
0x6a: {  	_ =	shalt  }
0x6b: {  	_ =	shalt  }
0x6c: {  	_ =	shalt  }
0x6d: {  	_ =	shalt  }
0x6e: {  	_ =	shalt  }
0x6f: {  	_ =	shalt  }
0x70: {  	_ =	shalt  }
0x71: {  	_ =	shalt  }
0x72: {  	_ =	shalt  }
0x73: {  	_ =	shalt  }
0x74: {  	_ =	shalt  }
0x75: {  	_ =	shalt  }
0x76: {  	_ =	shalt  }
0x77: {  	_ =	shalt  }
0x78: {  	_ =	shalt  }
0x79: {  	_ =	shalt  }
0x7a: {  	_ =	shalt  }
0x7b: {  	_ =	shalt  }
0x7c: {  	_ =	shalt  }
0x7d: {  	_ =	shalt  }
0x7e: {  	_ =	shalt  }
0x7f: {  	_ =	shalt  }
0x80: {  	_ =	shalt  }
0x81: {  	_ =	shalt  }
0x82: {  	_ =	shalt  }
0x83: {  	_ =	shalt  }
0x84: {  	_ =	shalt  }
0x85: {  	_ =	shalt  }
0x86: {  	_ =	shalt  }
0x87: {  	_ =	shalt  }
.Lfunc_end0:
.L_simem_size_0:
called_computation_lowered:
.L_overlay_start_0:
0x88: {  	s2 =	sld [smem:$0x3FD9]  }
0x89: {  	s3 =	sld [smem:$0x3FFE];
	_ =	sdelay $0x1  }
0x8a: {  	s1 =	srdreg.scid  }
0x8b: {  	s0 =	sand.u32 $0x1, s1  }
0x8c: {  	s17 =	sshll.u32 s0, $0xA;
	s2 =	sadd.s32 s3, s2  }
0x8d: {  	s2 =	sadd.s32 s2, s17  }
0x8e: {  	[smem:$0x3FC3] =	sst s2  }
0x8f: {  	_ = 	snop  }
0x90: {  	s2 =	sld [smem:$0x3FD0];
	(tm) =	ssettm $0x1  }
0x91: {  	s18 =	sld [smem:$0x3FFB];
	_ =	sdelay $0x3  }
0x92: {  	_ =	strace s18  }
0x93: {  	s3 =	sld [smem:$0x3FFC];
	_ =	sdelay $0x3  }
0x94: {  	_ =	strace s3  }
0x95: {  	s3 =	sld [smem:$0x3FFD];
	_ =	sdelay $0x3  }
0x96: {  	_ =	strace s3  }
0x97: {  	_ =	strace $0x8FFFFFFF  }
0x98: {  	s19 =	sld [smem:$0x3FDB];
	_ =	sdelay $0x1  }
0x99: {  	s4 =	simm.s32 $_scs_section_size  }
0x9a: {  	s5 =	simm.s32 $_size__tile_overlayer_lowered;
	s6 =	simm.s32 $_tile_overlayer_lowered  }
0x9b: {  	s22 =	simm.s32 $0x1BFF;
	s21 =	sshll.u32 s6, $0x1;
	s3 =	sadd.s32 s4, s19  }
0x9c: {  	s7 =	simm.s32 $0x0;
	s20 =	sshll.u32 s5, $0x1;
	s5 =	sadd.s32 s21, s3  }
0x9d: {  	[timem:s7], [sflag:s22] =	dma.local [hbm:s5], s20  }
0x9e: {  	_ =	swait.ge [sflag:s22], s20  }
0x9f: {  	s4 =	ssub.s32 $0x0, s20;
	[sflag:s22] =	ssyncset.done $0x0  }
0xa0: {  	[sflag:s22] =	ssyncadd.s32 s4;
	_ =	sdelay $0x1  }
0xa1: {  	s23 =	simm.s32 $0x1B8B  }
0xa2: {  	_ =	swait.ge [sflag:s23], $0x1  }
0xa3: {  	[sflag:s23] =	ssyncset.done $0x0  }
0xa4: {  	s25 =	simm.s32 $0x1B8E;
	s24 =	sld [smem:$0x3FFE];
	[sflag:s23] =	ssyncadd.s32 $0xFFFFFFFF  }
0xa5: {  	s26 =	simm.s32 $execute0_lowered;
	[smem:$0x3FD2] =	sst s25  }
0xa6: {  	s5 =	sshll.u32 s26, $0x1;
	_ =	strace $0x80000046;
	[dreg:$0x1] =	wrdreg $0xFFFFFFFF  }
0xa7: {  	s28 =	simm.s32 $_size_execute0_lowered;
	s3 =	sadd.s32 s3, s5;
	[dreg:$0x0] =	wrdreg $0x0  }
0xa8: {  	s5 =	sshll.u32 s28, $0x1;
	[dreg:$0x2] =	wrdreg s3  }
0xa9: {  	[dreg:$0x3] =	wrdreg s5  }
0xaa: {  	[dreg:$0x4] =	wrdreg $0xC0  }
0xab: {  	_ =	task [dreg:s7], $0x5FFFF  }
0xac: {  	[dreg:$0x1] =	wrdreg $0xFFFFFFFF  }
0xad: {  	[dreg:$0x0] =	wrdreg $0x60  }
0xae: {  	[dreg:$0x2] =	wrdreg s24  }
0xaf: {  	[dreg:$0x3] =	wrdreg s2  }
0xb0: {  	[dreg:$0x4] =	wrdreg $0x90000  }
0xb1: {  	[dreg:$0x5] =	wrdreg $0x9  }
0xb2: {  	_ =	task.clear_ibuf [dreg:s7], $0x6FFFF;
	_ =	strace $0x90000046  }
0xb3: {  	s29 =	simm.s32 $0x9;
	_ =	strace $0x80000048  }
0xb4: {  	_ =	swait.ge [sflag:s29], $0x1  }
0xb5: {  	[sflag:s29] =	ssyncadd.s32 $0xFFFFFFFF  }
0xb6: {  	_ =	strace $0x90000048  }
0xb7: {  	_ =	sfence  }
0xb8: {  	s30 =	sld [smem:$0x0];
	_ =	sdelay $0x2  }
0xb9: {  	s31 =	sshll.u32 s1, $0xD;
	s1 =	sshrl.u32 s1, $0x2  }
0xba: {  	s3 =	sand.u32 $0x4000, s31;
	s1 =	sadd.s32 s1, s30  }
0xbb: {  	s0 =	sor.u32 s3, s0;
	s1 =	sshll.u32 s1, $0x11  }
0xbc: {  	s0 =	sor.u32 s1, s0  }
0xbd: {  	s0 =	sadd.s32 $0x8F2B, s0  }
0xbe: {  	[sflag:s0] =	ssyncadd.remote.s32 $0x1  }
0xbf: {  	_ =	sfence.sel $0xFFFF  }
0xc0: {  	[dreg:$0x0] =	wrdreg $0xFFFFFFFF;
	(pc) =	sbr.abs _section_cstart, $3  }
0xc1: {  	[dreg:$0x1] =	wrdreg $0xFFFFFFFF  }
0xc2: {  	_ =	task.clear_ibuf [dreg:s7], $0x2FFFF;
	_ =	strace $0x9FFFFFFF  }
0xc3: {  	(tm) =	ssettm $0x7FFFFFFF  }
tec
execute0_lowered:
.L_overlay_start_1:
0x0: {  	(tag) =	ssettag $0x1  }
0x1: {  	s4 =	rddreg [dreg:$0x0]  }
0x2: {  	s5 =	rddreg [dreg:$0x1]  }
0x3: {  	s2 =	rddreg [dreg:$0x2];
	s3 =	srdreg.scid  }
0x4: {  	s0 =	rddreg [dreg:$0x3];
	s1 =	stileid.u32  }
0x5: {  	s14 =	simm.s32 $0x1;
	s15 =	simm.s32 $0x2800;
	s16 =	simm.s32 $0x5000  }
0x6: {  	s17 =	simm.s32 $0x80;
	s18 =	simm.s32 $0x0;
	s9 =	smul.u32 $0x14000, s1  }
0x7: {  	s6 =	sand.u32 $0x1, s3;
	s3 =	simm.s32 $0x0;
	s30 =	smul.u32 $0x50000, s1  }
0x8: {  	s7 =	sshll.u32 s1, $0x1;
	s8 =	smul.u32 $0x280000, s6;
	[smem:$0x7FF] =	sst s3  }
0x9: {  	s7 =	sor.u32 s6, s7;
	s6 =	ssub.s32 $0x2, s6;
	_ =	strace $0x80000047  }
0xa: {  	s7 =	smul.u32 $0x500, s7;
	s11 =	sshrl.u32 s6, $0x1;
	s31 =	sshrl.u32 s30, $0x2  }
0xb: {  	s8 =	sadd.s32 s9, s8;
	s11 =	ssub.s32 s6, s11;
	s6 =	sadd.s32 s31, s2  }
0xc: {  	s10 =	sadd.s32 s7, s4;
	s8 =	sshrl.u32 s8, $0x3;
	s5 =	sadd.s32 s5, s7  }
0xd: {  	s9 =	smax.u32 s11, $0x1;
	s11 =	sadd.s32 $0x8000, s6;
	s12 =	sadd.s32 $0xC000, s6  }
0xe: {  	s13 =	sadd.s32 $0x10000, s6;
	s8 =	sadd.s32 s8, s4;
	s4 =	sadd.s32 $0x2800, s10  }
0xf: {  	v0 =	vimm.f32 $0.0e+00;
	v1 =	vimm.f32 $1.000000000e+00;
	s10 =	sadd.s32 $0x4000, s6;
	s7 =	sadd.s32 $0xC800, s8;
	s8 =	sadd.s32 $0x34800, s8  }
.LBB2_1:
0x10: {  	[tilespmem:s3], [sflag:$0x1] =	stream.linear.gather [hbm4b:s4+s3], $0x2800, $0x38;
	[tilespmem:$0x1D000] =	vst v63  }
0x11: {  	_ =	swait.ge [sflag:s14], $0x2800  }
0x12: {  	[sflag:s14] =	ssyncset.done $0x0  }
0x13: {  	[sflag:s14] =	ssyncadd.s32 $0xFFFFD800  }
0x14: {  	[tilespmem:s15], [sflag:$0x1] =	stream.linear.gather [hbm4b:s5+s3], $0x2800, $0x38;
	[tilespmem:$0x1D000] =	vst v63  }
0x15: {  	_ =	swait.ge [sflag:s14], $0x2800  }
0x16: {  	[sflag:s14] =	ssyncset.done $0x0  }
0x17: {  	s19 =	simm.s32 $0x0;
	s20 =	simm.s32 $0x200;
	[sflag:s14] =	ssyncadd.s32 $0xFFFFD800  }
.LBB2_2:
0x18: {  	p0 =	sne.s32 s20, $0xFE00;
	[tilespmem:s19+$0x5070] =	vst v0  }
0x19: {  	[tilespmem:s19+$0x5000] =	vst v0  }
0x1a: {  	[tilespmem:s19+$0x5010] =	vst v0  }
.Ltmp0:
0x1b: {  	[tilespmem:s19+$0x5020] =	vst v0;
	(pc) =	sbr.rel @p0 .LBB2_2-.Ltmp0, $4  }
0x1c: {  	[tilespmem:s19+$0x5030] =	vst v0  }
0x1d: {  	[tilespmem:s19+$0x5040] =	vst v0  }
0x1e: {  	[tilespmem:s19+$0x5050] =	vst v0  }
0x1f: {  	[tilespmem:s19+$0x5060] =	vst v0;
	s19 =	sshra.s32 s20, $0x2;
	s20 =	sadd.s32 $0x200, s20  }
0x20: {  	[tilespmem:s19+$0x5070] =	vst v0  }
0x21: {  	[tilespmem:s19+$0x5000] =	vst v0  }
0x22: {  	[tilespmem:s19+$0x5010] =	vst v0  }
0x23: {  	[tilespmem:s19+$0x5020] =	vst v0  }
0x24: {  	[tilespmem:s19+$0x5030] =	vst v0  }
0x25: {  	[tilespmem:s19+$0x5040] =	vst v0  }
0x26: {  	[tilespmem:s19+$0x5050] =	vst v0  }
0x27: {  	[tilespmem:s19+$0x5060] =	vst v0  }
0x28: {  	[spmem:s6] =	stream.linear.scatter [tilespmem:s16], [sflag:$0x1], $0x4000, $0x38;
	[tilespmem:$0x1D000] =	vst v63  }
0x29: {  	_ =	swait.ge [sflag:s14], $0x4000  }
0x2a: {  	[sflag:s14] =	ssyncset.done $0x0  }
0x2b: {  	[sflag:s14] =	ssyncadd.s32 $0xFFFFC000  }
0x2c: {  	[spmem:s10] =	stream.linear.scatter [tilespmem:s16], [sflag:$0x1], $0x4000, $0x38;
	[tilespmem:$0x1D000] =	vst v63  }
0x2d: {  	_ =	swait.ge [sflag:s14], $0x4000  }
0x2e: {  	[sflag:s14] =	ssyncset.done $0x0  }
0x2f: {  	[sflag:s14] =	ssyncadd.s32 $0xFFFFC000  }
0x30: {  	[spmem:s11] =	stream.linear.scatter [tilespmem:s16], [sflag:$0x1], $0x4000, $0x38;
	[tilespmem:$0x1D000] =	vst v63  }
0x31: {  	_ =	swait.ge [sflag:s14], $0x4000  }
0x32: {  	[sflag:s14] =	ssyncset.done $0x0  }
0x33: {  	[sflag:s14] =	ssyncadd.s32 $0xFFFFC000  }
0x34: {  	[spmem:s12] =	stream.linear.scatter [tilespmem:s16], [sflag:$0x1], $0x4000, $0x38;
	[tilespmem:$0x1D000] =	vst v63  }
0x35: {  	_ =	swait.ge [sflag:s14], $0x4000  }
0x36: {  	[sflag:s14] =	ssyncset.done $0x0  }
0x37: {  	[sflag:s14] =	ssyncadd.s32 $0xFFFFC000  }
0x38: {  	[spmem:s13] =	stream.linear.scatter [tilespmem:s16], [sflag:$0x1], $0x4000, $0x38;
	[tilespmem:$0x1D000] =	vst v63  }
0x39: {  	_ =	swait.ge [sflag:s14], $0x4000  }
0x3a: {  	[sflag:s14] =	ssyncset.done $0x0  }
0x3b: {  	s19 =	simm.s32 $0x0;
	s20 =	simm.s32 $0x200;
	[sflag:s14] =	ssyncadd.s32 $0xFFFFC000  }
.LBB2_4:
0x3c: {  	p0 =	sne.s32 s20, $0xFE00;
	[tilespmem:s19+$0x5070] =	vst v1  }
0x3d: {  	[tilespmem:s19+$0x5000] =	vst v1  }
0x3e: {  	[tilespmem:s19+$0x5010] =	vst v1  }
.Ltmp1:
0x3f: {  	[tilespmem:s19+$0x5020] =	vst v1;
	(pc) =	sbr.rel @p0 .LBB2_4-.Ltmp1, $4  }
0x40: {  	[tilespmem:s19+$0x5030] =	vst v1  }
0x41: {  	[tilespmem:s19+$0x5040] =	vst v1  }
0x42: {  	[tilespmem:s19+$0x5050] =	vst v1  }
0x43: {  	[tilespmem:s19+$0x5060] =	vst v1;
	s19 =	sshra.s32 s20, $0x2;
	s20 =	sadd.s32 $0x200, s20  }
0x44: {  	[tilespmem:s19+$0x5070] =	vst v1  }
0x45: {  	[tilespmem:s19+$0x5000] =	vst v1  }
0x46: {  	[tilespmem:s19+$0x5010] =	vst v1  }
0x47: {  	[tilespmem:s19+$0x5020] =	vst v1  }
0x48: {  	[tilespmem:s19+$0x5030] =	vst v1  }
0x49: {  	[tilespmem:s19+$0x5040] =	vst v1  }
0x4a: {  	[tilespmem:s19+$0x5050] =	vst v1  }
0x4b: {  	[tilespmem:s19+$0x5060] =	vst v1  }
0x4c: {  	s31 =	simm.s32 $0x0;
	[bflag:$0x0] =	sbarrier.arrive $0xFFFF  }
0x4d: {  	[spmem:s2] =	stream.indirect.scatter.add.f32 [tilespmem:s16], [sflag:$0x1], $0x80, s31, s17, $0xb8;
	[tilespmem:$0x1D000] =	vst v63  }
0x4e: {  	_ =	swait.ge [sflag:s14], $0x4000  }
0x4f: {  	s19 =	simm.s32 $0x200;
	[sflag:s14] =	ssyncset.done $0x0  }
.LBB2_6:
0x50: {  	s20 =	sshra.s32 s19, $0x2;
	[sflag:s14] =	ssyncadd.s32 $0xFFFFC000;
	p0 =	sne.s32 s19, $0x9E00  }
0x51: {  	[spmem:s2] =	stream.indirect.scatter.add.f32 [tilespmem:s16], [sflag:$0x1], $0x80, s20, s17, $0xb8;
	[tilespmem:$0x1D000] =	vst v63  }
.Ltmp2:
0x52: {  	_ = 	snop;
	(pc) =	sbr.rel @p0 .LBB2_6-.Ltmp2, $4  }
0x53: {  	_ = 	snop  }
0x54: {  	s19 =	sadd.s32 $0x200, s19  }
0x55: {  	_ =	swait.ge [sflag:s14], $0x4000  }
0x56: {  	[sflag:s14] =	ssyncset.done $0x0  }
0x57: {  	[sflag:s14] =	ssyncadd.s32 $0xFFFFC000;
	s19 =	sshll.u32 s1, $0x6  }
0x58: {  	s20 =	sshrl.u32 s6, $0x3;
	[bflag:$0x0] =	sbarrier.arrive $0xFFFF;
	s19 =	sor.u32 $0x1C01, s19  }
0x59: {  	[hbm:s7], [sflag:s19] =	dma.local [spmem:s20], $0x2800  }
0x5a: {  	_ =	swait.ge [sflag:s14], $0x2800  }
0x5b: {  	[sflag:s14] =	ssyncset.done $0x0  }
0x5c: {  	[sflag:s14] =	ssyncadd.s32 $0xFFFFD800  }
0x5d: {  	s21 =	simm.s32 $0x0;
	s22 =	simm.s32 $0x200;
	[bflag:$0x0] =	sbarrier.arrive $0xFFFF  }
.LBB2_8:
0x5e: {  	p0 =	sne.s32 s22, $0xFE00;
	[tilespmem:s21+$0x5070] =	vst v0  }
0x5f: {  	[tilespmem:s21+$0x5000] =	vst v0  }
0x60: {  	[tilespmem:s21+$0x5010] =	vst v0  }
.Ltmp3:
0x61: {  	[tilespmem:s21+$0x5020] =	vst v0;
	(pc) =	sbr.rel @p0 .LBB2_8-.Ltmp3, $4  }
0x62: {  	[tilespmem:s21+$0x5030] =	vst v0  }
0x63: {  	[tilespmem:s21+$0x5040] =	vst v0  }
0x64: {  	[tilespmem:s21+$0x5050] =	vst v0  }
0x65: {  	[tilespmem:s21+$0x5060] =	vst v0;
	s21 =	sshra.s32 s22, $0x2;
	s22 =	sadd.s32 $0x200, s22  }
0x66: {  	[tilespmem:s21+$0x5070] =	vst v0  }
0x67: {  	[tilespmem:s21+$0x5000] =	vst v0  }
0x68: {  	[tilespmem:s21+$0x5010] =	vst v0  }
0x69: {  	[tilespmem:s21+$0x5020] =	vst v0  }
0x6a: {  	[tilespmem:s21+$0x5030] =	vst v0  }
0x6b: {  	[tilespmem:s21+$0x5040] =	vst v0  }
0x6c: {  	[tilespmem:s21+$0x5050] =	vst v0  }
0x6d: {  	[tilespmem:s21+$0x5060] =	vst v0  }
0x6e: {  	[spmem:s6] =	stream.linear.scatter [tilespmem:s16], [sflag:$0x1], $0x4000, $0x38;
	[tilespmem:$0x1D000] =	vst v63  }
0x6f: {  	_ =	swait.ge [sflag:s14], $0x4000  }
0x70: {  	[sflag:s14] =	ssyncset.done $0x0  }
0x71: {  	[sflag:s14] =	ssyncadd.s32 $0xFFFFC000  }
0x72: {  	[spmem:s10] =	stream.linear.scatter [tilespmem:s16], [sflag:$0x1], $0x4000, $0x38;
	[tilespmem:$0x1D000] =	vst v63  }
0x73: {  	_ =	swait.ge [sflag:s14], $0x4000  }
0x74: {  	[sflag:s14] =	ssyncset.done $0x0  }
0x75: {  	[sflag:s14] =	ssyncadd.s32 $0xFFFFC000  }
0x76: {  	[spmem:s11] =	stream.linear.scatter [tilespmem:s16], [sflag:$0x1], $0x4000, $0x38;
	[tilespmem:$0x1D000] =	vst v63  }
0x77: {  	_ =	swait.ge [sflag:s14], $0x4000  }
0x78: {  	[sflag:s14] =	ssyncset.done $0x0  }
0x79: {  	[sflag:s14] =	ssyncadd.s32 $0xFFFFC000  }
0x7a: {  	[spmem:s12] =	stream.linear.scatter [tilespmem:s16], [sflag:$0x1], $0x4000, $0x38;
	[tilespmem:$0x1D000] =	vst v63  }
0x7b: {  	_ =	swait.ge [sflag:s14], $0x4000  }
0x7c: {  	[sflag:s14] =	ssyncset.done $0x0  }
0x7d: {  	[sflag:s14] =	ssyncadd.s32 $0xFFFFC000  }
0x7e: {  	[spmem:s13] =	stream.linear.scatter [tilespmem:s16], [sflag:$0x1], $0x4000, $0x38;
	[tilespmem:$0x1D000] =	vst v63  }
0x7f: {  	_ =	swait.ge [sflag:s14], $0x4000  }
0x80: {  	[sflag:s14] =	ssyncset.done $0x0  }
0x81: {  	s21 =	simm.s32 $0x0;
	s22 =	simm.s32 $0x200;
	[sflag:s14] =	ssyncadd.s32 $0xFFFFC000  }
.LBB2_10:
0x82: {  	p0 =	sne.s32 s22, $0xFE00;
	[tilespmem:s21+$0x5070] =	vst v1  }
0x83: {  	[tilespmem:s21+$0x5000] =	vst v1  }
0x84: {  	[tilespmem:s21+$0x5010] =	vst v1  }
.Ltmp4:
0x85: {  	[tilespmem:s21+$0x5020] =	vst v1;
	(pc) =	sbr.rel @p0 .LBB2_10-.Ltmp4, $4  }
0x86: {  	[tilespmem:s21+$0x5030] =	vst v1  }
0x87: {  	[tilespmem:s21+$0x5040] =	vst v1  }
0x88: {  	[tilespmem:s21+$0x5050] =	vst v1  }
0x89: {  	[tilespmem:s21+$0x5060] =	vst v1;
	s21 =	sshra.s32 s22, $0x2;
	s22 =	sadd.s32 $0x200, s22  }
0x8a: {  	[tilespmem:s21+$0x5070] =	vst v1  }
0x8b: {  	[tilespmem:s21+$0x5000] =	vst v1  }
0x8c: {  	[tilespmem:s21+$0x5010] =	vst v1  }
0x8d: {  	[tilespmem:s21+$0x5020] =	vst v1  }
0x8e: {  	[tilespmem:s21+$0x5030] =	vst v1  }
0x8f: {  	[tilespmem:s21+$0x5040] =	vst v1  }
0x90: {  	[tilespmem:s21+$0x5050] =	vst v1  }
0x91: {  	[tilespmem:s21+$0x5060] =	vst v1  }
0x92: {  	s31 =	simm.s32 $0x2800;
	[bflag:$0x0] =	sbarrier.arrive $0xFFFF  }
0x93: {  	[spmem:s2] =	stream.indirect.scatter.add.f32 [tilespmem:s16], [sflag:$0x1], $0x80, s31, s17, $0xb8;
	[tilespmem:$0x1D000] =	vst v63  }
0x94: {  	s21 =	simm.s32 $0x200;
	_ =	swait.ge [sflag:s14], $0x4000  }
.LBB2_12:
0x95: {  	s22 =	sshra.s32 s21, $0x2;
	[sflag:s14] =	ssyncset.done $0x0;
	p0 =	sne.s32 s21, $0x9E00  }
.Ltmp5:
0x96: {  	s22 =	sadd.s32 $0x2800, s22;
	[sflag:s14] =	ssyncadd.s32 $0xFFFFC000;
	(pc) =	sbr.rel @p0 .LBB2_12-.Ltmp5, $3  }
0x97: {  	[spmem:s2] =	stream.indirect.scatter.add.f32 [tilespmem:s16], [sflag:$0x1], $0x80, s22, s17, $0xb8;
	[tilespmem:$0x1D000] =	vst v63  }
0x98: {  	s21 =	sadd.s32 $0x200, s21;
	_ =	sdelay $0x1  }
0x99: {  	_ =	swait.ge [sflag:s14], $0x4000  }
0x9a: {  	[sflag:s14] =	ssyncset.done $0x0  }
0x9b: {  	s18 =	sadd.s32 $0x1, s18;
	[sflag:s14] =	ssyncadd.s32 $0xFFFFC000  }
0x9c: {  	p0 =	sne.s32 s18, s9;
	[bflag:$0x0] =	sbarrier.arrive $0xFFFF  }
0x9d: {  	[hbm:s8], [sflag:s19] =	dma.local [spmem:s20], $0x2800  }
.Ltmp6:
0x9e: {  	_ =	swait.ge [sflag:s14], $0x2800;
	(pc) =	sbr.rel @p0 .LBB2_1-.Ltmp6, $3  }
0x9f: {  	[sflag:s14] =	ssyncset.done $0x0  }
0xa0: {  	[sflag:s14] =	ssyncadd.s32 $0xFFFFD800  }
0xa1: {  	[bflag:$0x0] =	sbarrier.arrive $0xFFFF;
	_ =	sdelay $0x1  }
0xa2: {  	_ =	sfence.sel $0x180000  }
0xa3: {  	[bflag:$0x0] =	sbarrier.arrive $0xFFFF  }
0xa4: {  	p0 =	sne.s32 s1, $0x0;
	_ =	strace $0x90000047  }
0xa5: {  	s0 =	sadd.s32 @!p0 $0x100000, s0;
	[bflag:$0x2] =	sbarrier.arrive $0xFFFF  }
0xa6: {  	[sflag:s0] =	ssyncadd.tile.s32 @!p0 $0x1;
	_ =	shalt  }
.Lfunc_end2:
_tile_overlayer_lowered:
.L_overlay_start_2:
0xa7: {  	(tag) =	ssettag $0x2  }
0xa8: {  	s0 =	rddreg [dreg:$0x0];
	s2 =	stileid.u32  }
0xa9: {  	s1 =	rddreg [dreg:$0x1];
	p0 =	sne.s32 s2, $0x0  }
0xaa: {  	s3 =	rddreg [dreg:$0x2];
	[bflag:$0x3] =	sbarrier.arrive $0xFFFF;
	s2 =	simm.s32 @!p0 $0x1C01  }
0xab: {  	[timem:s3], [sflag:s2] =	dma.local @!p0 [hbm:s0], s1  }
0xac: {  	s0 =	simm.s32 @!p0 $0x1  }
0xad: {  	_ =	swait.ge @!p0 [sflag:s0], s1  }
0xae: {  	s1 =	ssub.s32 @!p0 $0x0, s1;
	[sflag:s0] =	ssyncset.done @!p0 $0x0  }
0xaf: {  	[sflag:s0] =	ssyncadd.s32 @!p0 s1  }
0xb0: {  	[bflag:$0x3] =	sbarrier.arrive $0xFFFF  }
0xb1: {  	_ =	shalt  }

// kernel: kernel.14.cloned.1.call-start
scs
__scs_entry_jumppad:
0x0: {  	(pc) =	sbr.rel $0x88, $3  }
0x1: {  	(tag) =	ssettag $0x0;
	lr =	simm.s32 $0x1  }
0x2: {  	[smem:$0x3F9C] =	sst lr;
	_ =	strace $0xD0000000  }
0x3: {  	_ = 	snop  }
0x4: {  	_ = 	snop  }
0x5: {  	_ = 	snop  }
0x6: {  	_ = 	snop  }
0x7: {  	_ = 	snop  }
__scs_overlays_trampoline_lowered:
0x8: {  	[smem:$0x3FAB] =	sst s0  }
0x9: {  	[smem:$0x3FAC] =	sst s1  }
0xa: {  	[smem:$0x3FAD] =	sst s2  }
0xb: {  	[smem:$0x3FAE] =	sst s3  }
0xc: {  	[smem:$0x3FAF] =	sst s4  }
0xd: {  	[smem:$0x3FB0] =	sst s5  }
0xe: {  	[smem:$0x3FB1] =	sst s6  }
0xf: {  	[smem:$0x3FB2] =	sst s7  }
0x10: {  	[smem:$0x3FB3] =	sst s8  }
0x11: {  	[smem:$0x3FB4] =	sst s9;
	s0 =	simm.s32 @!p0 $0x0  }
0x12: {  	s1 =	sld [smem:$0x3F9A];
	s0 =	simm.s32 @p0 $0x1  }
0x13: {  	[smem:$0x3FB5] =	sst s0;
	s0 =	simm.s32 @!p1 $0x0  }
0x14: {  	s2 =	sld [smem:$0x3F99];
	s0 =	simm.s32 @p1 $0x1  }
0x15: {  	[smem:$0x3FB6] =	sst s0;
	s0 =	simm.s32 @!p2 $0x0  }
0x16: {  	s3 =	sld [smem:$0x3FDB];
	s0 =	simm.s32 @p2 $0x1  }
0x17: {  	s4 =	simm.s32 $0x1BF5;
	[smem:$0x3FB8] =	sst s0  }
0x18: {  	s0 =	sld [smem:$0x3F9B];
	_ =	swait.ge [sflag:s4], $0x0  }
0x19: {  	s7 =	sld [smem:$0x3F9C]  }
0x1a: {  	s8 =	sadd.s32 $0xFFFFE003, lr  }
0x1b: {  	s9 =	sadd.s32 $0xFFFFFEF7, lr;
	s5 =	simm.s32 $0xFFFFFFFF;
	p2 =	slt.u32 s8, $0xFFFFF086  }
0x1c: {  	p1 =	slt.u32 s9, $0xF7A;
	s5 =	simm.s32 @!p2 $0x0  }
0x1d: {  	s5 =	simm.s32 @p1 $0x1;
	p0 =	seq.s32 s7, s2  }
0x1e: {  	s7 =	smul.u32 @!p0 $0xF7A, s2;
	p2 =	seq.s32 @!p0 s5, $0x0  }
0x1f: {  	s9 =	smul.u32 $0xF7A, s1;
	s8 =	simm.s32 @!p0 $0x1BF5;
	p2 =	por !p2, p0  }
0x20: {  	[sflag:s8] =	ssyncset.s32 @!p0 $0xFFFFF086;
	s6 =	sadd.s32 @!p0 s3, s7;
	s7 =	simm.s32 @!p0 $0x108  }
0x21: {  	s3 =	sadd.s32 s3, s9;
	s6 =	sadd.s32 @!p0 $0x88, s6;
	s7 =	simm.s32 @p2 $0x1082  }
0x22: {  	[simem:s7], [sflag:s8] =	dma.local @!p0 [hbm:s6], $0xF7A  }
0x23: {  	s9 =	sor.u32 $0xD0000000, s2;
	s6 =	simm.s32 $0x108;
	_ =	swait.ge @!p0 [sflag:s8], $0x0  }
0x24: {  	s3 =	sadd.s32 $0x88, s3;
	s6 =	simm.s32 @!p1 $0x1082;
	[sflag:s4] =	ssyncset.s32 $0xFFFFF086  }
0x25: {  	[simem:s6], [sflag:s4] =	dma.local [hbm:s3], $0xF7A  }
0x26: {  	[smem:$0x3F9C] =	sst s1;
	(tag) =	ssettag s2;
	_ =	strace s9  }
0x27: {  	s1 =	sld [smem:$0x3FAC]  }
0x28: {  	s2 =	sld [smem:$0x3FAD]  }
0x29: {  	s4 =	sld [smem:$0x3FAF]  }
0x2a: {  	p0 =	seq.s32 s5, $0x0;
	s5 =	sld [smem:$0x3FB0]  }
0x2b: {  	s6 =	sld [smem:$0x3FB1]  }
0x2c: {  	s7 =	sld [smem:$0x3FB2]  }
0x2d: {  	s3 =	simm.s32 $0x108;
	s8 =	sld [smem:$0x3FB3]  }
0x2e: {  	s3 =	simm.s32 @!p0 $0x1082;
	s9 =	sld [smem:$0x3FB4]  }
0x2f: {  	lr =	sadd.s32 s0, s3;
	s0 =	sld [smem:$0x3FAB]  }
0x30: {  	s3 =	sld [smem:$0x3FAE]  }
0x31: {  	[smem:$0x3FB7] =	sst s10  }
0x32: {  	s10 =	sld [smem:$0x3FB5];
	_ =	sdelay $0x3  }
0x33: {  	p0 =	seq.s32 s10, $0x1;
	s10 =	sld [smem:$0x3FB7];
	_ =	sdelay $0x3  }
0x34: {  	[smem:$0x3FB7] =	sst s10  }
0x35: {  	s10 =	sld [smem:$0x3FB6];
	_ =	sdelay $0x3  }
0x36: {  	p1 =	seq.s32 s10, $0x1;
	s10 =	sld [smem:$0x3FB7];
	_ =	sdelay $0x3  }
0x37: {  	[smem:$0x3FB7] =	sst s10  }
0x38: {  	s10 =	sld [smem:$0x3FB8]  }
0x39: {  	_ = 	snop;
	(pc) =	sbr.ind lr, $3  }
0x3a: {  	_ = 	snop  }
0x3b: {  	_ = 	snop  }
0x3c: {  	p2 =	seq.s32 s10, $0x1;
	s10 =	sld [smem:$0x3FB7]  }
0x3d: {  	_ =	shalt  }
0x3e: {  	_ =	shalt  }
0x3f: {  	_ =	shalt  }
0x40: {  	_ =	shalt  }
0x41: {  	_ =	shalt  }
0x42: {  	_ =	shalt  }
0x43: {  	_ =	shalt  }
0x44: {  	_ =	shalt  }
0x45: {  	_ =	shalt  }
0x46: {  	_ =	shalt  }
0x47: {  	_ =	shalt  }
0x48: {  	_ =	shalt  }
0x49: {  	_ =	shalt  }
0x4a: {  	_ =	shalt  }
0x4b: {  	_ =	shalt  }
0x4c: {  	_ =	shalt  }
0x4d: {  	_ =	shalt  }
0x4e: {  	_ =	shalt  }
0x4f: {  	_ =	shalt  }
0x50: {  	_ =	shalt  }
0x51: {  	_ =	shalt  }
0x52: {  	_ =	shalt  }
0x53: {  	_ =	shalt  }
0x54: {  	_ =	shalt  }
0x55: {  	_ =	shalt  }
0x56: {  	_ =	shalt  }
0x57: {  	_ =	shalt  }
0x58: {  	_ =	shalt  }
0x59: {  	_ =	shalt  }
0x5a: {  	_ =	shalt  }
0x5b: {  	_ =	shalt  }
0x5c: {  	_ =	shalt  }
0x5d: {  	_ =	shalt  }
0x5e: {  	_ =	shalt  }
0x5f: {  	_ =	shalt  }
0x60: {  	_ =	shalt  }
0x61: {  	_ =	shalt  }
0x62: {  	_ =	shalt  }
0x63: {  	_ =	shalt  }
0x64: {  	_ =	shalt  }
0x65: {  	_ =	shalt  }
0x66: {  	_ =	shalt  }
0x67: {  	_ =	shalt  }
0x68: {  	_ =	shalt  }
0x69: {  	_ =	shalt  }
0x6a: {  	_ =	shalt  }
0x6b: {  	_ =	shalt  }
0x6c: {  	_ =	shalt  }
0x6d: {  	_ =	shalt  }
0x6e: {  	_ =	shalt  }
0x6f: {  	_ =	shalt  }
0x70: {  	_ =	shalt  }
0x71: {  	_ =	shalt  }
0x72: {  	_ =	shalt  }
0x73: {  	_ =	shalt  }
0x74: {  	_ =	shalt  }
0x75: {  	_ =	shalt  }
0x76: {  	_ =	shalt  }
0x77: {  	_ =	shalt  }
0x78: {  	_ =	shalt  }
0x79: {  	_ =	shalt  }
0x7a: {  	_ =	shalt  }
0x7b: {  	_ =	shalt  }
0x7c: {  	_ =	shalt  }
0x7d: {  	_ =	shalt  }
0x7e: {  	_ =	shalt  }
0x7f: {  	_ =	shalt  }
0x80: {  	_ =	shalt  }
0x81: {  	_ =	shalt  }
0x82: {  	_ =	shalt  }
0x83: {  	_ =	shalt  }
0x84: {  	_ =	shalt  }
0x85: {  	_ =	shalt  }
0x86: {  	_ =	shalt  }
0x87: {  	_ =	shalt  }
.Lfunc_end0:
.L_simem_size_0:
called_computation.1_lowered:
.L_overlay_start_0:
0x88: {  	s2 =	sld [smem:$0x3FD9]  }
0x89: {  	s3 =	sld [smem:$0x3FFE];
	_ =	sdelay $0x1  }
0x8a: {  	s1 =	srdreg.scid  }
0x8b: {  	s0 =	sand.u32 $0x1, s1  }
0x8c: {  	s17 =	sshll.u32 s0, $0xA;
	s2 =	sadd.s32 s3, s2  }
0x8d: {  	s2 =	sadd.s32 s2, s17  }
0x8e: {  	[smem:$0x3FC3] =	sst s2  }
0x8f: {  	_ = 	snop  }
0x90: {  	s2 =	sld [smem:$0x3FD0];
	(tm) =	ssettm $0x1  }
0x91: {  	s18 =	sld [smem:$0x3FFB];
	_ =	sdelay $0x3  }
0x92: {  	_ =	strace s18  }
0x93: {  	s3 =	sld [smem:$0x3FFC];
	_ =	sdelay $0x3  }
0x94: {  	_ =	strace s3  }
0x95: {  	s3 =	sld [smem:$0x3FFD];
	_ =	sdelay $0x3  }
0x96: {  	_ =	strace s3  }
0x97: {  	_ =	strace $0x8FFFFFFF  }
0x98: {  	s19 =	sld [smem:$0x3FDB];
	_ =	sdelay $0x1  }
0x99: {  	s4 =	simm.s32 $_scs_section_size  }
0x9a: {  	s5 =	simm.s32 $_size__tile_overlayer_lowered;
	s6 =	simm.s32 $_tile_overlayer_lowered  }
0x9b: {  	s22 =	simm.s32 $0x1BFF;
	s21 =	sshll.u32 s6, $0x1;
	s3 =	sadd.s32 s4, s19  }
0x9c: {  	s7 =	simm.s32 $0x0;
	s20 =	sshll.u32 s5, $0x1;
	s5 =	sadd.s32 s21, s3  }
0x9d: {  	[timem:s7], [sflag:s22] =	dma.local [hbm:s5], s20  }
0x9e: {  	_ =	swait.ge [sflag:s22], s20  }
0x9f: {  	s4 =	ssub.s32 $0x0, s20;
	[sflag:s22] =	ssyncset.done $0x0  }
0xa0: {  	[sflag:s22] =	ssyncadd.s32 s4;
	_ =	sdelay $0x1  }
0xa1: {  	s23 =	simm.s32 $0x1B8B  }
0xa2: {  	_ =	swait.ge [sflag:s23], $0x1  }
0xa3: {  	[sflag:s23] =	ssyncset.done $0x0  }
0xa4: {  	s25 =	simm.s32 $0x1B8E;
	s24 =	sld [smem:$0x3FFE];
	[sflag:s23] =	ssyncadd.s32 $0xFFFFFFFF  }
0xa5: {  	s26 =	simm.s32 $execute0_lowered;
	[smem:$0x3FD2] =	sst s25  }
0xa6: {  	s5 =	sshll.u32 s26, $0x1;
	_ =	strace $0x80000049;
	[dreg:$0x1] =	wrdreg $0xFFFFFFFF  }
0xa7: {  	s28 =	simm.s32 $_size_execute0_lowered;
	s3 =	sadd.s32 s3, s5;
	[dreg:$0x0] =	wrdreg $0x0  }
0xa8: {  	s5 =	sshll.u32 s28, $0x1;
	[dreg:$0x2] =	wrdreg s3  }
0xa9: {  	[dreg:$0x3] =	wrdreg s5  }
0xaa: {  	[dreg:$0x4] =	wrdreg $0xC0  }
0xab: {  	_ =	task [dreg:s7], $0x5FFFF  }
0xac: {  	[dreg:$0x1] =	wrdreg $0xFFFFFFFF  }
0xad: {  	[dreg:$0x0] =	wrdreg $0x60  }
0xae: {  	[dreg:$0x2] =	wrdreg s24  }
0xaf: {  	[dreg:$0x3] =	wrdreg s2  }
0xb0: {  	[dreg:$0x4] =	wrdreg $0xBC000  }
0xb1: {  	[dreg:$0x5] =	wrdreg $0x9  }
0xb2: {  	_ =	task.clear_ibuf [dreg:s7], $0x6FFFF;
	_ =	strace $0x90000049  }
0xb3: {  	s29 =	simm.s32 $0x9;
	_ =	strace $0x8000004B  }
0xb4: {  	_ =	swait.ge [sflag:s29], $0x1  }
0xb5: {  	[sflag:s29] =	ssyncadd.s32 $0xFFFFFFFF  }
0xb6: {  	_ =	strace $0x9000004B  }
0xb7: {  	_ =	sfence  }
0xb8: {  	s30 =	sld [smem:$0x0];
	_ =	sdelay $0x2  }
0xb9: {  	s31 =	sshll.u32 s1, $0xD;
	s1 =	sshrl.u32 s1, $0x2  }
0xba: {  	s3 =	sand.u32 $0x4000, s31;
	s1 =	sadd.s32 s1, s30  }
0xbb: {  	s0 =	sor.u32 s3, s0;
	s1 =	sshll.u32 s1, $0x11  }
0xbc: {  	s0 =	sor.u32 s1, s0  }
0xbd: {  	s0 =	sadd.s32 $0x8F2B, s0  }
0xbe: {  	[sflag:s0] =	ssyncadd.remote.s32 $0x1  }
0xbf: {  	_ =	sfence.sel $0xFFFF  }
0xc0: {  	[dreg:$0x0] =	wrdreg $0xFFFFFFFF;
	(pc) =	sbr.abs _section_cstart, $3  }
0xc1: {  	[dreg:$0x1] =	wrdreg $0xFFFFFFFF  }
0xc2: {  	_ =	task.clear_ibuf [dreg:s7], $0x2FFFF;
	_ =	strace $0x9FFFFFFF  }
0xc3: {  	(tm) =	ssettm $0x7FFFFFFF  }
tec
execute0_lowered:
.L_overlay_start_1:
0x0: {  	(tag) =	ssettag $0x1  }
0x1: {  	s6 =	rddreg [dreg:$0x0]  }
0x2: {  	s7 =	rddreg [dreg:$0x1];
	s0 =	srdreg.scid  }
0x3: {  	s2 =	rddreg [dreg:$0x2];
	s1 =	stileid.u32  }
0x4: {  	s3 =	simm.s32 $0x0;
	s15 =	simm.s32 $0x80;
	s16 =	simm.s32 $0x400  }
0x5: {  	s17 =	simm.s32 $0x3C00;
	s18 =	simm.s32 $0x7C00;
	s19 =	simm.s32 $0x1  }
0x6: {  	s20 =	simm.s32 $0x2;
	s8 =	sand.u32 $0x1, s0;
	s0 =	rddreg [dreg:$0x3]  }
0x7: {  	s9 =	smul.u32 $0x14000, s1;
	[smem:$0x7FF] =	sst s3;
	s4 =	sadd.s32 $0x2800, s6  }
0x8: {  	s10 =	sadd.s32 $0xAC800, s6;
	s22 =	sshll.u32 s1, $0x1;
	s12 =	smul.u32 $0x50000, s1  }
0x9: {  	s23 =	sshrl.u32 s1, $0x2;
	s26 =	sshll.u32 s1, $0x6;
	s5 =	smul.u32 $0x140000, s8  }
0xa: {  	_ =	strace $0x8000004A;
	s21 =	ssub.s32 $0x2, s8;
	s8 =	sor.u32 s8, s22  }
0xb: {  	s22 =	simm.s32 $0x2780;
	s13 =	sshrl.u32 s21, $0x1;
	s14 =	sshll.u32 s8, $0x7  }
0xc: {  	s24 =	sshrl.u32 s12, $0x2;
	s8 =	smul.u32 $0x500, s8;
	s9 =	sadd.s32 s9, s5  }
0xd: {  	s5 =	sadd.s32 $0x2A800, s6;
	s13 =	ssub.s32 s21, s13;
	s9 =	sshrl.u32 s9, $0x3  }
0xe: {  	s25 =	sand.u32 $0x380, s14;
	s11 =	sadd.s32 s9, s6;
	s9 =	smul.u32 $0x14000, s23  }
0xf: {  	s28 =	sadd.s32 s24, s2;
	s14 =	simm.s32 $0x1400;
	s21 =	simm.s32 $0x2700  }
0x10: {  	s24 =	simm.s32 $0x3B80;
	s7 =	sadd.s32 s7, s8;
	s9 =	sor.u32 s9, s25  }
0x11: {  	s12 =	sshrl.u32 s28, $0x3;
	s6 =	sor.u32 $0x1C03, s26;
	s29 =	sadd.s32 $0xA000, s9  }
0x12: {  	s23 =	simm.s32 $0x3B00;
	s30 =	sshrl.u32 s9, $0x3;
	s31 =	sshrl.u32 s29, $0x3  }
0x13: {  	s25 =	simm.s32 $0x0;
	s8 =	sadd.s32 s10, s30;
	s9 =	sadd.s32 s10, s31  }
0x14: {  	s10 =	sadd.s32 $0x2D000, s11;
	s11 =	smax.u32 s13, $0x1;
	s13 =	simm.s32 $0x3  }
.LBB2_1:
0x15: {  	[spmem:s12], [sflag:s6] =	dma.local [hbm:s5], $0x2800  }
0x16: {  	_ =	swait.ge [sflag:s13], $0x2800  }
0x17: {  	[sflag:s13] =	ssyncset.done $0x0  }
0x18: {  	[sflag:s13] =	ssyncadd.s32 $0xFFFFD800  }
0x19: {  	[tilespmem:s14], [sflag:$0x3] =	stream.linear.gather [hbm4b:s7+s3], $0x2800, $0x38;
	[tilespmem:$0x1FC00] =	vst v63  }
0x1a: {  	_ =	swait.ge [sflag:s13], $0x2800  }
0x1b: {  	[sflag:s13] =	ssyncset.done $0x0  }
0x1c: {  	[sflag:s13] =	ssyncadd.s32 $0xFFFFD800  }
0x1d: {  	[bflag:$0x0] =	sbarrier.arrive $0xFFFF  }
0x1e: {  	[tilespmem:s3], [sflag:$0x3] =	stream.strided.gather [hbm4b:s8+s15], $0x1400, s16, s15, $0x38;
	[tilespmem:$0x1FC00] =	vst v63  }
0x1f: {  	_ =	swait.ge [sflag:s13], $0x1400  }
0x20: {  	[sflag:s13] =	ssyncset.done $0x0  }
0x21: {  	[sflag:s13] =	ssyncadd.s32 $0xFFFFEC00  }
0x22: {  	[tilespmem:s17], [sflag:$0x1] =	stream.indirect.gather [hbm4b:s4+s15], $0x80, s3, s15, $0xb8;
	[tilespmem:$0x1FC00] =	vst v63  }
0x23: {  	_ = 	snop  }
0x24: {  	[tilespmem:s18], [sflag:$0x2] =	stream.indirect.gather [hbm4b:s4+s15], $0x80, s15, s15, $0xb8;
	[tilespmem:$0x1FC00] =	vst v63  }
0x25: {  	_ =	swait.ge [sflag:s19], $0x4000  }
0x26: {  	[sflag:s19] =	ssyncset.done $0x0  }
0x27: {  	s26 =	simm.s32 $0x1400;
	[sflag:s19] =	ssyncadd.s32 $0xFFFFC000  }
0x28: {  	[spmem:s2] =	stream.indirect.scatter.add.f32 [tilespmem:s17], [sflag:$0x3], $0x80, s26, s15, $0xb8;
	[tilespmem:$0x1FC00] =	vst v63  }
0x29: {  	_ =	swait.ge [sflag:s13], $0x4000  }
0x2a: {  	[sflag:s13] =	ssyncset.done $0x0  }
0x2b: {  	s30 =	simm.s32 $0x100;
	[sflag:s13] =	ssyncadd.s32 $0xFFFFC000  }
0x2c: {  	[tilespmem:s17], [sflag:$0x1] =	stream.indirect.gather [hbm4b:s4+s15], $0x80, s30, s15, $0xb8;
	[tilespmem:$0x1FC00] =	vst v63  }
0x2d: {  	_ =	swait.ge [sflag:s20], $0x4000  }
0x2e: {  	[sflag:s20] =	ssyncset.done $0x0  }
0x2f: {  	s31 =	simm.s32 $0x1480;
	[sflag:s20] =	ssyncadd.s32 $0xFFFFC000  }
0x30: {  	[spmem:s2] =	stream.indirect.scatter.add.f32 [tilespmem:s18], [sflag:$0x3], $0x80, s31, s15, $0xb8;
	[tilespmem:$0x1FC00] =	vst v63  }
0x31: {  	_ =	swait.ge [sflag:s13], $0x4000  }
0x32: {  	[sflag:s13] =	ssyncset.done $0x0  }
0x33: {  	s28 =	simm.s32 $0x180;
	s26 =	simm.s32 $0x400;
	[sflag:s13] =	ssyncadd.s32 $0xFFFFC000  }
.LBB2_2:
0x34: {  	[tilespmem:s18], [sflag:$0x2] =	stream.indirect.gather [hbm4b:s4+s15], $0x80, s28, s15, $0xb8;
	[tilespmem:$0x1FC00] =	vst v63  }
0x35: {  	s28 =	smov.u32 s26  }
0x36: {  	p0 =	sne.s32 s26, $0x4800;
	s26 =	sadd.s32 $0x400, s26;
	_ =	swait.ge [sflag:s19], $0x4000  }
0x37: {  	s28 =	sshra.s32 s28, $0x2;
	[sflag:s19] =	ssyncset.done $0x0  }
0x38: {  	s29 =	sadd.s32 $0x1400, s28;
	[sflag:s19] =	ssyncadd.s32 $0xFFFFC000  }
0x39: {  	[spmem:s2] =	stream.indirect.scatter.add.f32 [tilespmem:s17], [sflag:$0x3], $0x80, s29, s15, $0xb8;
	[tilespmem:$0x1FC00] =	vst v63  }
0x3a: {  	_ =	swait.ge [sflag:s13], $0x4000  }
0x3b: {  	[sflag:s13] =	ssyncset.done $0x0  }
0x3c: {  	s29 =	sadd.s32 $0x100, s28;
	[sflag:s13] =	ssyncadd.s32 $0xFFFFC000  }
0x3d: {  	[tilespmem:s17], [sflag:$0x1] =	stream.indirect.gather [hbm4b:s4+s15], $0x80, s29, s15, $0xb8;
	[tilespmem:$0x1FC00] =	vst v63  }
0x3e: {  	_ =	swait.ge [sflag:s20], $0x4000  }
0x3f: {  	[sflag:s20] =	ssyncset.done $0x0  }
.Ltmp0:
0x40: {  	s29 =	sadd.s32 $0x1480, s28;
	[sflag:s20] =	ssyncadd.s32 $0xFFFFC000;
	(pc) =	sbr.rel @p0 .LBB2_2-.Ltmp0, $4  }
0x41: {  	[spmem:s2] =	stream.indirect.scatter.add.f32 [tilespmem:s18], [sflag:$0x3], $0x80, s29, s15, $0xb8;
	[tilespmem:$0x1FC00] =	vst v63  }
0x42: {  	_ =	swait.ge [sflag:s13], $0x4000  }
0x43: {  	[sflag:s13] =	ssyncset.done $0x0  }
0x44: {  	s28 =	sadd.s32 $0x180, s28;
	[sflag:s13] =	ssyncadd.s32 $0xFFFFC000  }
0x45: {  	[tilespmem:s18], [sflag:$0x2] =	stream.indirect.gather [hbm4b:s4+s15], $0x80, s28, s15, $0xb8;
	[tilespmem:$0x1FC00] =	vst v63  }
0x46: {  	_ =	swait.ge [sflag:s19], $0x4000  }
0x47: {  	[sflag:s19] =	ssyncset.done $0x0  }
0x48: {  	[sflag:s19] =	ssyncadd.s32 $0xFFFFC000  }
0x49: {  	[spmem:s2] =	stream.indirect.scatter.add.f32 [tilespmem:s17], [sflag:$0x3], $0x80, s21, s15, $0xb8;
	[tilespmem:$0x1FC00] =	vst v63  }
0x4a: {  	_ =	swait.ge [sflag:s13], $0x4000  }
0x4b: {  	[sflag:s13] =	ssyncset.done $0x0  }
0x4c: {  	[sflag:s13] =	ssyncadd.s32 $0xFFFFC000  }
0x4d: {  	_ =	swait.ge [sflag:s20], $0x4000  }
0x4e: {  	[sflag:s20] =	ssyncset.done $0x0  }
0x4f: {  	[sflag:s20] =	ssyncadd.s32 $0xFFFFC000  }
0x50: {  	[spmem:s2] =	stream.indirect.scatter.add.f32 [tilespmem:s18], [sflag:$0x3], $0x80, s22, s15, $0xb8;
	[tilespmem:$0x1FC00] =	vst v63  }
0x51: {  	_ =	swait.ge [sflag:s13], $0x4000  }
0x52: {  	[sflag:s13] =	ssyncset.done $0x0  }
0x53: {  	[sflag:s13] =	ssyncadd.s32 $0xFFFFC000  }
0x54: {  	[tilespmem:s3], [sflag:$0x3] =	stream.strided.gather [hbm4b:s9+s15], $0x1400, s16, s15, $0x38;
	[tilespmem:$0x1FC00] =	vst v63  }
0x55: {  	_ =	swait.ge [sflag:s13], $0x1400  }
0x56: {  	[sflag:s13] =	ssyncset.done $0x0  }
0x57: {  	[sflag:s13] =	ssyncadd.s32 $0xFFFFEC00  }
0x58: {  	[tilespmem:s17], [sflag:$0x1] =	stream.indirect.gather [hbm4b:s4+s15], $0x80, s3, s15, $0xb8;
	[tilespmem:$0x1FC00] =	vst v63  }
0x59: {  	_ = 	snop  }
0x5a: {  	[tilespmem:s18], [sflag:$0x2] =	stream.indirect.gather [hbm4b:s4+s15], $0x80, s15, s15, $0xb8;
	[tilespmem:$0x1FC00] =	vst v63  }
0x5b: {  	_ =	swait.ge [sflag:s19], $0x4000  }
0x5c: {  	[sflag:s19] =	ssyncset.done $0x0  }
0x5d: {  	s26 =	simm.s32 $0x2800;
	[sflag:s19] =	ssyncadd.s32 $0xFFFFC000  }
0x5e: {  	[spmem:s2] =	stream.indirect.scatter.add.f32 [tilespmem:s17], [sflag:$0x3], $0x80, s26, s15, $0xb8;
	[tilespmem:$0x1FC00] =	vst v63  }
0x5f: {  	_ =	swait.ge [sflag:s13], $0x4000  }
0x60: {  	[sflag:s13] =	ssyncset.done $0x0  }
0x61: {  	s30 =	simm.s32 $0x100;
	[sflag:s13] =	ssyncadd.s32 $0xFFFFC000  }
0x62: {  	[tilespmem:s17], [sflag:$0x1] =	stream.indirect.gather [hbm4b:s4+s15], $0x80, s30, s15, $0xb8;
	[tilespmem:$0x1FC00] =	vst v63  }
0x63: {  	_ =	swait.ge [sflag:s20], $0x4000  }
0x64: {  	[sflag:s20] =	ssyncset.done $0x0  }
0x65: {  	s31 =	simm.s32 $0x2880;
	[sflag:s20] =	ssyncadd.s32 $0xFFFFC000  }
0x66: {  	[spmem:s2] =	stream.indirect.scatter.add.f32 [tilespmem:s18], [sflag:$0x3], $0x80, s31, s15, $0xb8;
	[tilespmem:$0x1FC00] =	vst v63  }
0x67: {  	_ =	swait.ge [sflag:s13], $0x4000  }
0x68: {  	[sflag:s13] =	ssyncset.done $0x0  }
0x69: {  	s28 =	simm.s32 $0x180;
	s26 =	simm.s32 $0xFFFFB800;
	[sflag:s13] =	ssyncadd.s32 $0xFFFFC000  }
.LBB2_4:
0x6a: {  	[tilespmem:s18], [sflag:$0x2] =	stream.indirect.gather [hbm4b:s4+s15], $0x80, s28, s15, $0xb8;
	[tilespmem:$0x1FC00] =	vst v63  }
0x6b: {  	s28 =	smov.u32 s26  }
0x6c: {  	p0 =	sne.s32 s26, $0xFFFFFC00;
	s26 =	sadd.s32 $0x400, s26;
	_ =	swait.ge [sflag:s19], $0x4000  }
0x6d: {  	s28 =	sshra.s32 s28, $0x2;
	[sflag:s19] =	ssyncset.done $0x0  }
0x6e: {  	s29 =	sadd.s32 $0x3B00, s28;
	[sflag:s19] =	ssyncadd.s32 $0xFFFFC000  }
0x6f: {  	[spmem:s2] =	stream.indirect.scatter.add.f32 [tilespmem:s17], [sflag:$0x3], $0x80, s29, s15, $0xb8;
	[tilespmem:$0x1FC00] =	vst v63  }
0x70: {  	_ =	swait.ge [sflag:s13], $0x4000  }
0x71: {  	[sflag:s13] =	ssyncset.done $0x0  }
0x72: {  	s29 =	sadd.s32 $0x1400, s28;
	[sflag:s13] =	ssyncadd.s32 $0xFFFFC000  }
0x73: {  	[tilespmem:s17], [sflag:$0x1] =	stream.indirect.gather [hbm4b:s4+s15], $0x80, s29, s15, $0xb8;
	[tilespmem:$0x1FC00] =	vst v63  }
0x74: {  	_ =	swait.ge [sflag:s20], $0x4000  }
0x75: {  	[sflag:s20] =	ssyncset.done $0x0  }
.Ltmp1:
0x76: {  	s29 =	sadd.s32 $0x3B80, s28;
	[sflag:s20] =	ssyncadd.s32 $0xFFFFC000;
	(pc) =	sbr.rel @p0 .LBB2_4-.Ltmp1, $4  }
0x77: {  	[spmem:s2] =	stream.indirect.scatter.add.f32 [tilespmem:s18], [sflag:$0x3], $0x80, s29, s15, $0xb8;
	[tilespmem:$0x1FC00] =	vst v63  }
0x78: {  	_ =	swait.ge [sflag:s13], $0x4000  }
0x79: {  	[sflag:s13] =	ssyncset.done $0x0  }
0x7a: {  	s28 =	sadd.s32 $0x1480, s28;
	[sflag:s13] =	ssyncadd.s32 $0xFFFFC000  }
0x7b: {  	[tilespmem:s18], [sflag:$0x2] =	stream.indirect.gather [hbm4b:s4+s15], $0x80, s28, s15, $0xb8;
	[tilespmem:$0x1FC00] =	vst v63  }
0x7c: {  	_ =	swait.ge [sflag:s19], $0x4000  }
0x7d: {  	[sflag:s19] =	ssyncset.done $0x0  }
0x7e: {  	[sflag:s19] =	ssyncadd.s32 $0xFFFFC000  }
0x7f: {  	[spmem:s2] =	stream.indirect.scatter.add.f32 [tilespmem:s17], [sflag:$0x3], $0x80, s23, s15, $0xb8;
	[tilespmem:$0x1FC00] =	vst v63  }
0x80: {  	_ =	swait.ge [sflag:s13], $0x4000  }
0x81: {  	[sflag:s13] =	ssyncset.done $0x0  }
0x82: {  	[sflag:s13] =	ssyncadd.s32 $0xFFFFC000  }
0x83: {  	_ =	swait.ge [sflag:s20], $0x4000  }
0x84: {  	[sflag:s20] =	ssyncset.done $0x0  }
0x85: {  	[sflag:s20] =	ssyncadd.s32 $0xFFFFC000  }
0x86: {  	[spmem:s2] =	stream.indirect.scatter.add.f32 [tilespmem:s18], [sflag:$0x3], $0x80, s24, s15, $0xb8;
	[tilespmem:$0x1FC00] =	vst v63  }
0x87: {  	_ =	swait.ge [sflag:s13], $0x4000  }
0x88: {  	s25 =	sadd.s32 $0x1, s25;
	[sflag:s13] =	ssyncset.done $0x0  }
0x89: {  	p0 =	sne.s32 s25, s11;
	[sflag:s13] =	ssyncadd.s32 $0xFFFFC000  }
.Ltmp2:
0x8a: {  	[bflag:$0x0] =	sbarrier.arrive $0xFFFF;
	(pc) =	sbr.rel @p0 .LBB2_1-.Ltmp2, $4  }
0x8b: {  	[hbm:s10], [sflag:s6] =	dma.local [spmem:s12], $0x2800  }
0x8c: {  	_ =	swait.ge [sflag:s13], $0x2800  }
0x8d: {  	[sflag:s13] =	ssyncset.done $0x0  }
0x8e: {  	[sflag:s13] =	ssyncadd.s32 $0xFFFFD800  }
0x8f: {  	_ =	sfence.sel $0x180000  }
0x90: {  	[bflag:$0x0] =	sbarrier.arrive $0xFFFF  }
0x91: {  	p0 =	sne.s32 s1, $0x0;
	_ =	strace $0x9000004A  }
0x92: {  	s0 =	sadd.s32 @!p0 $0x100000, s0;
	[bflag:$0x2] =	sbarrier.arrive $0xFFFF  }
0x93: {  	[sflag:s0] =	ssyncadd.tile.s32 @!p0 $0x1;
	_ =	shalt  }
.Lfunc_end2:
_tile_overlayer_lowered:
.L_overlay_start_2:
0x94: {  	(tag) =	ssettag $0x2  }
0x95: {  	s0 =	rddreg [dreg:$0x0];
	s2 =	stileid.u32  }
0x96: {  	s1 =	rddreg [dreg:$0x1];
	p0 =	sne.s32 s2, $0x0  }
0x97: {  	s3 =	rddreg [dreg:$0x2];
	[bflag:$0x3] =	sbarrier.arrive $0xFFFF;
	s2 =	simm.s32 @!p0 $0x1C03  }
0x98: {  	[timem:s3], [sflag:s2] =	dma.local @!p0 [hbm:s0], s1  }
0x99: {  	s0 =	simm.s32 @!p0 $0x3  }
0x9a: {  	_ =	swait.ge @!p0 [sflag:s0], s1  }
0x9b: {  	s1 =	ssub.s32 @!p0 $0x0, s1;
	[sflag:s0] =	ssyncset.done @!p0 $0x0  }
0x9c: {  	[sflag:s0] =	ssyncadd.s32 @!p0 s1  }
0x9d: {  	[bflag:$0x3] =	sbarrier.arrive $0xFFFF  }
0x9e: {  	_ =	shalt  }

// kernel: kernel.17.cloned.1.call-start
scs
__scs_entry_jumppad:
0x0: {  	(pc) =	sbr.rel $0x88, $3  }
0x1: {  	(tag) =	ssettag $0x0;
	lr =	simm.s32 $0x1  }
0x2: {  	[smem:$0x3F9C] =	sst lr;
	_ =	strace $0xD0000000  }
0x3: {  	_ = 	snop  }
0x4: {  	_ = 	snop  }
0x5: {  	_ = 	snop  }
0x6: {  	_ = 	snop  }
0x7: {  	_ = 	snop  }
__scs_overlays_trampoline_lowered:
0x8: {  	[smem:$0x3FAB] =	sst s0  }
0x9: {  	[smem:$0x3FAC] =	sst s1  }
0xa: {  	[smem:$0x3FAD] =	sst s2  }
0xb: {  	[smem:$0x3FAE] =	sst s3  }
0xc: {  	[smem:$0x3FAF] =	sst s4  }
0xd: {  	[smem:$0x3FB0] =	sst s5  }
0xe: {  	[smem:$0x3FB1] =	sst s6  }
0xf: {  	[smem:$0x3FB2] =	sst s7  }
0x10: {  	[smem:$0x3FB3] =	sst s8  }
0x11: {  	[smem:$0x3FB4] =	sst s9;
	s0 =	simm.s32 @!p0 $0x0  }
0x12: {  	s1 =	sld [smem:$0x3F9A];
	s0 =	simm.s32 @p0 $0x1  }
0x13: {  	[smem:$0x3FB5] =	sst s0;
	s0 =	simm.s32 @!p1 $0x0  }
0x14: {  	s2 =	sld [smem:$0x3F99];
	s0 =	simm.s32 @p1 $0x1  }
0x15: {  	[smem:$0x3FB6] =	sst s0;
	s0 =	simm.s32 @!p2 $0x0  }
0x16: {  	s3 =	sld [smem:$0x3FDB];
	s0 =	simm.s32 @p2 $0x1  }
0x17: {  	s4 =	simm.s32 $0x1BF5;
	[smem:$0x3FB8] =	sst s0  }
0x18: {  	s0 =	sld [smem:$0x3F9B];
	_ =	swait.ge [sflag:s4], $0x0  }
0x19: {  	s7 =	sld [smem:$0x3F9C]  }
0x1a: {  	s8 =	sadd.s32 $0xFFFFE003, lr  }
0x1b: {  	s9 =	sadd.s32 $0xFFFFFEF7, lr;
	s5 =	simm.s32 $0xFFFFFFFF;
	p2 =	slt.u32 s8, $0xFFFFF086  }
0x1c: {  	p1 =	slt.u32 s9, $0xF7A;
	s5 =	simm.s32 @!p2 $0x0  }
0x1d: {  	s5 =	simm.s32 @p1 $0x1;
	p0 =	seq.s32 s7, s2  }
0x1e: {  	s7 =	smul.u32 @!p0 $0xF7A, s2;
	p2 =	seq.s32 @!p0 s5, $0x0  }
0x1f: {  	s9 =	smul.u32 $0xF7A, s1;
	s8 =	simm.s32 @!p0 $0x1BF5;
	p2 =	por !p2, p0  }
0x20: {  	[sflag:s8] =	ssyncset.s32 @!p0 $0xFFFFF086;
	s6 =	sadd.s32 @!p0 s3, s7;
	s7 =	simm.s32 @!p0 $0x108  }
0x21: {  	s3 =	sadd.s32 s3, s9;
	s6 =	sadd.s32 @!p0 $0x88, s6;
	s7 =	simm.s32 @p2 $0x1082  }
0x22: {  	[simem:s7], [sflag:s8] =	dma.local @!p0 [hbm:s6], $0xF7A  }
0x23: {  	s9 =	sor.u32 $0xD0000000, s2;
	s6 =	simm.s32 $0x108;
	_ =	swait.ge @!p0 [sflag:s8], $0x0  }
0x24: {  	s3 =	sadd.s32 $0x88, s3;
	s6 =	simm.s32 @!p1 $0x1082;
	[sflag:s4] =	ssyncset.s32 $0xFFFFF086  }
0x25: {  	[simem:s6], [sflag:s4] =	dma.local [hbm:s3], $0xF7A  }
0x26: {  	[smem:$0x3F9C] =	sst s1;
	(tag) =	ssettag s2;
	_ =	strace s9  }
0x27: {  	s1 =	sld [smem:$0x3FAC]  }
0x28: {  	s2 =	sld [smem:$0x3FAD]  }
0x29: {  	s4 =	sld [smem:$0x3FAF]  }
0x2a: {  	p0 =	seq.s32 s5, $0x0;
	s5 =	sld [smem:$0x3FB0]  }
0x2b: {  	s6 =	sld [smem:$0x3FB1]  }
0x2c: {  	s7 =	sld [smem:$0x3FB2]  }
0x2d: {  	s3 =	simm.s32 $0x108;
	s8 =	sld [smem:$0x3FB3]  }
0x2e: {  	s3 =	simm.s32 @!p0 $0x1082;
	s9 =	sld [smem:$0x3FB4]  }
0x2f: {  	lr =	sadd.s32 s0, s3;
	s0 =	sld [smem:$0x3FAB]  }
0x30: {  	s3 =	sld [smem:$0x3FAE]  }
0x31: {  	[smem:$0x3FB7] =	sst s10  }
0x32: {  	s10 =	sld [smem:$0x3FB5];
	_ =	sdelay $0x3  }
0x33: {  	p0 =	seq.s32 s10, $0x1;
	s10 =	sld [smem:$0x3FB7];
	_ =	sdelay $0x3  }
0x34: {  	[smem:$0x3FB7] =	sst s10  }
0x35: {  	s10 =	sld [smem:$0x3FB6];
	_ =	sdelay $0x3  }
0x36: {  	p1 =	seq.s32 s10, $0x1;
	s10 =	sld [smem:$0x3FB7];
	_ =	sdelay $0x3  }
0x37: {  	[smem:$0x3FB7] =	sst s10  }
0x38: {  	s10 =	sld [smem:$0x3FB8]  }
0x39: {  	_ = 	snop;
	(pc) =	sbr.ind lr, $3  }
0x3a: {  	_ = 	snop  }
0x3b: {  	_ = 	snop  }
0x3c: {  	p2 =	seq.s32 s10, $0x1;
	s10 =	sld [smem:$0x3FB7]  }
0x3d: {  	_ =	shalt  }
0x3e: {  	_ =	shalt  }
0x3f: {  	_ =	shalt  }
0x40: {  	_ =	shalt  }
0x41: {  	_ =	shalt  }
0x42: {  	_ =	shalt  }
0x43: {  	_ =	shalt  }
0x44: {  	_ =	shalt  }
0x45: {  	_ =	shalt  }
0x46: {  	_ =	shalt  }
0x47: {  	_ =	shalt  }
0x48: {  	_ =	shalt  }
0x49: {  	_ =	shalt  }
0x4a: {  	_ =	shalt  }
0x4b: {  	_ =	shalt  }
0x4c: {  	_ =	shalt  }
0x4d: {  	_ =	shalt  }
0x4e: {  	_ =	shalt  }
0x4f: {  	_ =	shalt  }
0x50: {  	_ =	shalt  }
0x51: {  	_ =	shalt  }
0x52: {  	_ =	shalt  }
0x53: {  	_ =	shalt  }
0x54: {  	_ =	shalt  }
0x55: {  	_ =	shalt  }
0x56: {  	_ =	shalt  }
0x57: {  	_ =	shalt  }
0x58: {  	_ =	shalt  }
0x59: {  	_ =	shalt  }
0x5a: {  	_ =	shalt  }
0x5b: {  	_ =	shalt  }
0x5c: {  	_ =	shalt  }
0x5d: {  	_ =	shalt  }
0x5e: {  	_ =	shalt  }
0x5f: {  	_ =	shalt  }
0x60: {  	_ =	shalt  }
0x61: {  	_ =	shalt  }
0x62: {  	_ =	shalt  }
0x63: {  	_ =	shalt  }
0x64: {  	_ =	shalt  }
0x65: {  	_ =	shalt  }
0x66: {  	_ =	shalt  }
0x67: {  	_ =	shalt  }
0x68: {  	_ =	shalt  }
0x69: {  	_ =	shalt  }
0x6a: {  	_ =	shalt  }
0x6b: {  	_ =	shalt  }
0x6c: {  	_ =	shalt  }
0x6d: {  	_ =	shalt  }
0x6e: {  	_ =	shalt  }
0x6f: {  	_ =	shalt  }
0x70: {  	_ =	shalt  }
0x71: {  	_ =	shalt  }
0x72: {  	_ =	shalt  }
0x73: {  	_ =	shalt  }
0x74: {  	_ =	shalt  }
0x75: {  	_ =	shalt  }
0x76: {  	_ =	shalt  }
0x77: {  	_ =	shalt  }
0x78: {  	_ =	shalt  }
0x79: {  	_ =	shalt  }
0x7a: {  	_ =	shalt  }
0x7b: {  	_ =	shalt  }
0x7c: {  	_ =	shalt  }
0x7d: {  	_ =	shalt  }
0x7e: {  	_ =	shalt  }
0x7f: {  	_ =	shalt  }
0x80: {  	_ =	shalt  }
0x81: {  	_ =	shalt  }
0x82: {  	_ =	shalt  }
0x83: {  	_ =	shalt  }
0x84: {  	_ =	shalt  }
0x85: {  	_ =	shalt  }
0x86: {  	_ =	shalt  }
0x87: {  	_ =	shalt  }
.Lfunc_end0:
.L_simem_size_0:
called_computation.2_lowered:
.L_overlay_start_0:
0x88: {  	s2 =	sld [smem:$0x3FD9]  }
0x89: {  	s3 =	sld [smem:$0x3FFE];
	_ =	sdelay $0x1  }
0x8a: {  	s1 =	srdreg.scid  }
0x8b: {  	s0 =	sand.u32 $0x1, s1  }
0x8c: {  	s17 =	sshll.u32 s0, $0xA;
	s2 =	sadd.s32 s3, s2  }
0x8d: {  	s2 =	sadd.s32 s2, s17  }
0x8e: {  	[smem:$0x3FC3] =	sst s2  }
0x8f: {  	_ = 	snop  }
0x90: {  	s2 =	sld [smem:$0x3FD0];
	(tm) =	ssettm $0x1  }
0x91: {  	s18 =	sld [smem:$0x3FFB];
	_ =	sdelay $0x3  }
0x92: {  	_ =	strace s18  }
0x93: {  	s3 =	sld [smem:$0x3FFC];
	_ =	sdelay $0x3  }
0x94: {  	_ =	strace s3  }
0x95: {  	s3 =	sld [smem:$0x3FFD];
	_ =	sdelay $0x3  }
0x96: {  	_ =	strace s3  }
0x97: {  	_ =	strace $0x8FFFFFFF  }
0x98: {  	s19 =	sld [smem:$0x3FDB];
	_ =	sdelay $0x1  }
0x99: {  	s4 =	simm.s32 $_scs_section_size  }
0x9a: {  	s5 =	simm.s32 $_size__tile_overlayer_lowered;
	s6 =	simm.s32 $_tile_overlayer_lowered  }
0x9b: {  	s22 =	simm.s32 $0x1BFF;
	s21 =	sshll.u32 s6, $0x1;
	s3 =	sadd.s32 s4, s19  }
0x9c: {  	s7 =	simm.s32 $0x0;
	s20 =	sshll.u32 s5, $0x1;
	s5 =	sadd.s32 s21, s3  }
0x9d: {  	[timem:s7], [sflag:s22] =	dma.local [hbm:s5], s20  }
0x9e: {  	_ =	swait.ge [sflag:s22], s20  }
0x9f: {  	s4 =	ssub.s32 $0x0, s20;
	[sflag:s22] =	ssyncset.done $0x0  }
0xa0: {  	[sflag:s22] =	ssyncadd.s32 s4;
	_ =	sdelay $0x1  }
0xa1: {  	s23 =	simm.s32 $0x1B8B  }
0xa2: {  	_ =	swait.ge [sflag:s23], $0x1  }
0xa3: {  	[sflag:s23] =	ssyncset.done $0x0  }
0xa4: {  	s25 =	simm.s32 $0x1B8E;
	s24 =	sld [smem:$0x3FFE];
	[sflag:s23] =	ssyncadd.s32 $0xFFFFFFFF  }
0xa5: {  	s26 =	simm.s32 $execute0_lowered;
	[smem:$0x3FD2] =	sst s25  }
0xa6: {  	s5 =	sshll.u32 s26, $0x1;
	_ =	strace $0x8000004C;
	[dreg:$0x1] =	wrdreg $0xFFFFFFFF  }
0xa7: {  	s28 =	simm.s32 $_size_execute0_lowered;
	s3 =	sadd.s32 s3, s5;
	[dreg:$0x0] =	wrdreg $0x0  }
0xa8: {  	s5 =	sshll.u32 s28, $0x1;
	[dreg:$0x2] =	wrdreg s3  }
0xa9: {  	[dreg:$0x3] =	wrdreg s5  }
0xaa: {  	[dreg:$0x4] =	wrdreg $0xC0  }
0xab: {  	_ =	task [dreg:s7], $0x5FFFF  }
0xac: {  	[dreg:$0x1] =	wrdreg $0xFFFFFFFF  }
0xad: {  	[dreg:$0x0] =	wrdreg $0x60  }
0xae: {  	[dreg:$0x2] =	wrdreg s24  }
0xaf: {  	[dreg:$0x3] =	wrdreg s2  }
0xb0: {  	[dreg:$0x4] =	wrdreg $0xBC000  }
0xb1: {  	[dreg:$0x5] =	wrdreg $0x9  }
0xb2: {  	_ =	task.clear_ibuf [dreg:s7], $0x6FFFF;
	_ =	strace $0x9000004C  }
0xb3: {  	s29 =	simm.s32 $0x9;
	_ =	strace $0x8000004E  }
0xb4: {  	_ =	swait.ge [sflag:s29], $0x1  }
0xb5: {  	[sflag:s29] =	ssyncadd.s32 $0xFFFFFFFF  }
0xb6: {  	_ =	strace $0x9000004E  }
0xb7: {  	_ =	sfence  }
0xb8: {  	s30 =	sld [smem:$0x0];
	_ =	sdelay $0x2  }
0xb9: {  	s31 =	sshll.u32 s1, $0xD;
	s1 =	sshrl.u32 s1, $0x2  }
0xba: {  	s3 =	sand.u32 $0x4000, s31;
	s1 =	sadd.s32 s1, s30  }
0xbb: {  	s0 =	sor.u32 s3, s0;
	s1 =	sshll.u32 s1, $0x11  }
0xbc: {  	s0 =	sor.u32 s1, s0  }
0xbd: {  	s0 =	sadd.s32 $0x8F2B, s0  }
0xbe: {  	[sflag:s0] =	ssyncadd.remote.s32 $0x1  }
0xbf: {  	_ =	sfence.sel $0xFFFF  }
0xc0: {  	[dreg:$0x0] =	wrdreg $0xFFFFFFFF;
	(pc) =	sbr.abs _section_cstart, $3  }
0xc1: {  	[dreg:$0x1] =	wrdreg $0xFFFFFFFF  }
0xc2: {  	_ =	task.clear_ibuf [dreg:s7], $0x2FFFF;
	_ =	strace $0x9FFFFFFF  }
0xc3: {  	(tm) =	ssettm $0x7FFFFFFF  }
tec
execute0_lowered:
.L_overlay_start_1:
0x0: {  	(tag) =	ssettag $0x1  }
0x1: {  	s6 =	rddreg [dreg:$0x0]  }
0x2: {  	s7 =	rddreg [dreg:$0x1];
	s0 =	srdreg.scid  }
0x3: {  	s2 =	rddreg [dreg:$0x2];
	s1 =	stileid.u32  }
0x4: {  	s3 =	simm.s32 $0x0;
	s15 =	simm.s32 $0x80;
	s16 =	simm.s32 $0x400  }
0x5: {  	s17 =	simm.s32 $0x3C00;
	s18 =	simm.s32 $0x7C00;
	s19 =	simm.s32 $0x1  }
0x6: {  	s20 =	simm.s32 $0x2;
	s8 =	sand.u32 $0x1, s0;
	s0 =	rddreg [dreg:$0x3]  }
0x7: {  	s9 =	smul.u32 $0x14000, s1;
	[smem:$0x7FF] =	sst s3;
	s4 =	sadd.s32 $0x2800, s6  }
0x8: {  	s10 =	sadd.s32 $0xAC800, s6;
	s22 =	sshll.u32 s1, $0x1;
	s12 =	smul.u32 $0x50000, s1  }
0x9: {  	s23 =	sshrl.u32 s1, $0x2;
	s26 =	sshll.u32 s1, $0x6;
	s5 =	smul.u32 $0x140000, s8  }
0xa: {  	_ =	strace $0x8000004D;
	s21 =	ssub.s32 $0x2, s8;
	s8 =	sor.u32 s8, s22  }
0xb: {  	s22 =	simm.s32 $0x2780;
	s13 =	sshrl.u32 s21, $0x1;
	s14 =	sshll.u32 s8, $0x7  }
0xc: {  	s24 =	sshrl.u32 s12, $0x2;
	s8 =	smul.u32 $0x500, s8;
	s9 =	sadd.s32 s9, s5  }
0xd: {  	s5 =	sadd.s32 $0x2A800, s6;
	s13 =	ssub.s32 s21, s13;
	s9 =	sshrl.u32 s9, $0x3  }
0xe: {  	s25 =	sand.u32 $0x380, s14;
	s11 =	sadd.s32 s9, s6;
	s9 =	smul.u32 $0x14000, s23  }
0xf: {  	s28 =	sadd.s32 s24, s2;
	s14 =	simm.s32 $0x1400;
	s21 =	simm.s32 $0x2700  }
0x10: {  	s24 =	simm.s32 $0x3B80;
	s7 =	sadd.s32 s7, s8;
	s9 =	sor.u32 s9, s25  }
0x11: {  	s12 =	sshrl.u32 s28, $0x3;
	s6 =	sor.u32 $0x1C03, s26;
	s29 =	sadd.s32 $0xA000, s9  }
0x12: {  	s23 =	simm.s32 $0x3B00;
	s30 =	sshrl.u32 s9, $0x3;
	s31 =	sshrl.u32 s29, $0x3  }
0x13: {  	s25 =	simm.s32 $0x0;
	s8 =	sadd.s32 s10, s30;
	s9 =	sadd.s32 s10, s31  }
0x14: {  	s10 =	sadd.s32 $0x2D000, s11;
	s11 =	smax.u32 s13, $0x1;
	s13 =	simm.s32 $0x3  }
.LBB2_1:
0x15: {  	[spmem:s12], [sflag:s6] =	dma.local [hbm:s5], $0x2800  }
0x16: {  	_ =	swait.ge [sflag:s13], $0x2800  }
0x17: {  	[sflag:s13] =	ssyncset.done $0x0  }
0x18: {  	[sflag:s13] =	ssyncadd.s32 $0xFFFFD800  }
0x19: {  	[tilespmem:s14], [sflag:$0x3] =	stream.linear.gather [hbm4b:s7+s3], $0x2800, $0x38;
	[tilespmem:$0x1FC00] =	vst v63  }
0x1a: {  	_ =	swait.ge [sflag:s13], $0x2800  }
0x1b: {  	[sflag:s13] =	ssyncset.done $0x0  }
0x1c: {  	[sflag:s13] =	ssyncadd.s32 $0xFFFFD800  }
0x1d: {  	[bflag:$0x0] =	sbarrier.arrive $0xFFFF  }
0x1e: {  	[tilespmem:s3], [sflag:$0x3] =	stream.strided.gather [hbm4b:s8+s15], $0x1400, s16, s15, $0x38;
	[tilespmem:$0x1FC00] =	vst v63  }
0x1f: {  	_ =	swait.ge [sflag:s13], $0x1400  }
0x20: {  	[sflag:s13] =	ssyncset.done $0x0  }
0x21: {  	[sflag:s13] =	ssyncadd.s32 $0xFFFFEC00  }
0x22: {  	[tilespmem:s17], [sflag:$0x1] =	stream.indirect.gather [hbm4b:s4+s15], $0x80, s3, s15, $0xb8;
	[tilespmem:$0x1FC00] =	vst v63  }
0x23: {  	_ = 	snop  }
0x24: {  	[tilespmem:s18], [sflag:$0x2] =	stream.indirect.gather [hbm4b:s4+s15], $0x80, s15, s15, $0xb8;
	[tilespmem:$0x1FC00] =	vst v63  }
0x25: {  	_ =	swait.ge [sflag:s19], $0x4000  }
0x26: {  	[sflag:s19] =	ssyncset.done $0x0  }
0x27: {  	s26 =	simm.s32 $0x1400;
	[sflag:s19] =	ssyncadd.s32 $0xFFFFC000  }
0x28: {  	[spmem:s2] =	stream.indirect.scatter.add.f32 [tilespmem:s17], [sflag:$0x3], $0x80, s26, s15, $0xb8;
	[tilespmem:$0x1FC00] =	vst v63  }
0x29: {  	_ =	swait.ge [sflag:s13], $0x4000  }
0x2a: {  	[sflag:s13] =	ssyncset.done $0x0  }
0x2b: {  	s30 =	simm.s32 $0x100;
	[sflag:s13] =	ssyncadd.s32 $0xFFFFC000  }
0x2c: {  	[tilespmem:s17], [sflag:$0x1] =	stream.indirect.gather [hbm4b:s4+s15], $0x80, s30, s15, $0xb8;
	[tilespmem:$0x1FC00] =	vst v63  }
0x2d: {  	_ =	swait.ge [sflag:s20], $0x4000  }
0x2e: {  	[sflag:s20] =	ssyncset.done $0x0  }
0x2f: {  	s31 =	simm.s32 $0x1480;
	[sflag:s20] =	ssyncadd.s32 $0xFFFFC000  }
0x30: {  	[spmem:s2] =	stream.indirect.scatter.add.f32 [tilespmem:s18], [sflag:$0x3], $0x80, s31, s15, $0xb8;
	[tilespmem:$0x1FC00] =	vst v63  }
0x31: {  	_ =	swait.ge [sflag:s13], $0x4000  }
0x32: {  	[sflag:s13] =	ssyncset.done $0x0  }
0x33: {  	s28 =	simm.s32 $0x180;
	s26 =	simm.s32 $0x400;
	[sflag:s13] =	ssyncadd.s32 $0xFFFFC000  }
.LBB2_2:
0x34: {  	[tilespmem:s18], [sflag:$0x2] =	stream.indirect.gather [hbm4b:s4+s15], $0x80, s28, s15, $0xb8;
	[tilespmem:$0x1FC00] =	vst v63  }
0x35: {  	s28 =	smov.u32 s26  }
0x36: {  	p0 =	sne.s32 s26, $0x4800;
	s26 =	sadd.s32 $0x400, s26;
	_ =	swait.ge [sflag:s19], $0x4000  }
0x37: {  	s28 =	sshra.s32 s28, $0x2;
	[sflag:s19] =	ssyncset.done $0x0  }
0x38: {  	s29 =	sadd.s32 $0x1400, s28;
	[sflag:s19] =	ssyncadd.s32 $0xFFFFC000  }
0x39: {  	[spmem:s2] =	stream.indirect.scatter.add.f32 [tilespmem:s17], [sflag:$0x3], $0x80, s29, s15, $0xb8;
	[tilespmem:$0x1FC00] =	vst v63  }
0x3a: {  	_ =	swait.ge [sflag:s13], $0x4000  }
0x3b: {  	[sflag:s13] =	ssyncset.done $0x0  }
0x3c: {  	s29 =	sadd.s32 $0x100, s28;
	[sflag:s13] =	ssyncadd.s32 $0xFFFFC000  }
0x3d: {  	[tilespmem:s17], [sflag:$0x1] =	stream.indirect.gather [hbm4b:s4+s15], $0x80, s29, s15, $0xb8;
	[tilespmem:$0x1FC00] =	vst v63  }
0x3e: {  	_ =	swait.ge [sflag:s20], $0x4000  }
0x3f: {  	[sflag:s20] =	ssyncset.done $0x0  }
.Ltmp0:
0x40: {  	s29 =	sadd.s32 $0x1480, s28;
	[sflag:s20] =	ssyncadd.s32 $0xFFFFC000;
	(pc) =	sbr.rel @p0 .LBB2_2-.Ltmp0, $4  }
0x41: {  	[spmem:s2] =	stream.indirect.scatter.add.f32 [tilespmem:s18], [sflag:$0x3], $0x80, s29, s15, $0xb8;
	[tilespmem:$0x1FC00] =	vst v63  }
0x42: {  	_ =	swait.ge [sflag:s13], $0x4000  }
0x43: {  	[sflag:s13] =	ssyncset.done $0x0  }
0x44: {  	s28 =	sadd.s32 $0x180, s28;
	[sflag:s13] =	ssyncadd.s32 $0xFFFFC000  }
0x45: {  	[tilespmem:s18], [sflag:$0x2] =	stream.indirect.gather [hbm4b:s4+s15], $0x80, s28, s15, $0xb8;
	[tilespmem:$0x1FC00] =	vst v63  }
0x46: {  	_ =	swait.ge [sflag:s19], $0x4000  }
0x47: {  	[sflag:s19] =	ssyncset.done $0x0  }
0x48: {  	[sflag:s19] =	ssyncadd.s32 $0xFFFFC000  }
0x49: {  	[spmem:s2] =	stream.indirect.scatter.add.f32 [tilespmem:s17], [sflag:$0x3], $0x80, s21, s15, $0xb8;
	[tilespmem:$0x1FC00] =	vst v63  }
0x4a: {  	_ =	swait.ge [sflag:s13], $0x4000  }
0x4b: {  	[sflag:s13] =	ssyncset.done $0x0  }
0x4c: {  	[sflag:s13] =	ssyncadd.s32 $0xFFFFC000  }
0x4d: {  	_ =	swait.ge [sflag:s20], $0x4000  }
0x4e: {  	[sflag:s20] =	ssyncset.done $0x0  }
0x4f: {  	[sflag:s20] =	ssyncadd.s32 $0xFFFFC000  }
0x50: {  	[spmem:s2] =	stream.indirect.scatter.add.f32 [tilespmem:s18], [sflag:$0x3], $0x80, s22, s15, $0xb8;
	[tilespmem:$0x1FC00] =	vst v63  }
0x51: {  	_ =	swait.ge [sflag:s13], $0x4000  }
0x52: {  	[sflag:s13] =	ssyncset.done $0x0  }
0x53: {  	[sflag:s13] =	ssyncadd.s32 $0xFFFFC000  }
0x54: {  	[tilespmem:s3], [sflag:$0x3] =	stream.strided.gather [hbm4b:s9+s15], $0x1400, s16, s15, $0x38;
	[tilespmem:$0x1FC00] =	vst v63  }
0x55: {  	_ =	swait.ge [sflag:s13], $0x1400  }
0x56: {  	[sflag:s13] =	ssyncset.done $0x0  }
0x57: {  	[sflag:s13] =	ssyncadd.s32 $0xFFFFEC00  }
0x58: {  	[tilespmem:s17], [sflag:$0x1] =	stream.indirect.gather [hbm4b:s4+s15], $0x80, s3, s15, $0xb8;
	[tilespmem:$0x1FC00] =	vst v63  }
0x59: {  	_ = 	snop  }
0x5a: {  	[tilespmem:s18], [sflag:$0x2] =	stream.indirect.gather [hbm4b:s4+s15], $0x80, s15, s15, $0xb8;
	[tilespmem:$0x1FC00] =	vst v63  }
0x5b: {  	_ =	swait.ge [sflag:s19], $0x4000  }
0x5c: {  	[sflag:s19] =	ssyncset.done $0x0  }
0x5d: {  	s26 =	simm.s32 $0x2800;
	[sflag:s19] =	ssyncadd.s32 $0xFFFFC000  }
0x5e: {  	[spmem:s2] =	stream.indirect.scatter.add.f32 [tilespmem:s17], [sflag:$0x3], $0x80, s26, s15, $0xb8;
	[tilespmem:$0x1FC00] =	vst v63  }
0x5f: {  	_ =	swait.ge [sflag:s13], $0x4000  }
0x60: {  	[sflag:s13] =	ssyncset.done $0x0  }
0x61: {  	s30 =	simm.s32 $0x100;
	[sflag:s13] =	ssyncadd.s32 $0xFFFFC000  }
0x62: {  	[tilespmem:s17], [sflag:$0x1] =	stream.indirect.gather [hbm4b:s4+s15], $0x80, s30, s15, $0xb8;
	[tilespmem:$0x1FC00] =	vst v63  }
0x63: {  	_ =	swait.ge [sflag:s20], $0x4000  }
0x64: {  	[sflag:s20] =	ssyncset.done $0x0  }
0x65: {  	s31 =	simm.s32 $0x2880;
	[sflag:s20] =	ssyncadd.s32 $0xFFFFC000  }
0x66: {  	[spmem:s2] =	stream.indirect.scatter.add.f32 [tilespmem:s18], [sflag:$0x3], $0x80, s31, s15, $0xb8;
	[tilespmem:$0x1FC00] =	vst v63  }
0x67: {  	_ =	swait.ge [sflag:s13], $0x4000  }
0x68: {  	[sflag:s13] =	ssyncset.done $0x0  }
0x69: {  	s28 =	simm.s32 $0x180;
	s26 =	simm.s32 $0xFFFFB800;
	[sflag:s13] =	ssyncadd.s32 $0xFFFFC000  }
.LBB2_4:
0x6a: {  	[tilespmem:s18], [sflag:$0x2] =	stream.indirect.gather [hbm4b:s4+s15], $0x80, s28, s15, $0xb8;
	[tilespmem:$0x1FC00] =	vst v63  }
0x6b: {  	s28 =	smov.u32 s26  }
0x6c: {  	p0 =	sne.s32 s26, $0xFFFFFC00;
	s26 =	sadd.s32 $0x400, s26;
	_ =	swait.ge [sflag:s19], $0x4000  }
0x6d: {  	s28 =	sshra.s32 s28, $0x2;
	[sflag:s19] =	ssyncset.done $0x0  }
0x6e: {  	s29 =	sadd.s32 $0x3B00, s28;
	[sflag:s19] =	ssyncadd.s32 $0xFFFFC000  }
0x6f: {  	[spmem:s2] =	stream.indirect.scatter.add.f32 [tilespmem:s17], [sflag:$0x3], $0x80, s29, s15, $0xb8;
	[tilespmem:$0x1FC00] =	vst v63  }
0x70: {  	_ =	swait.ge [sflag:s13], $0x4000  }
0x71: {  	[sflag:s13] =	ssyncset.done $0x0  }
0x72: {  	s29 =	sadd.s32 $0x1400, s28;
	[sflag:s13] =	ssyncadd.s32 $0xFFFFC000  }
0x73: {  	[tilespmem:s17], [sflag:$0x1] =	stream.indirect.gather [hbm4b:s4+s15], $0x80, s29, s15, $0xb8;
	[tilespmem:$0x1FC00] =	vst v63  }
0x74: {  	_ =	swait.ge [sflag:s20], $0x4000  }
0x75: {  	[sflag:s20] =	ssyncset.done $0x0  }
.Ltmp1:
0x76: {  	s29 =	sadd.s32 $0x3B80, s28;
	[sflag:s20] =	ssyncadd.s32 $0xFFFFC000;
	(pc) =	sbr.rel @p0 .LBB2_4-.Ltmp1, $4  }
0x77: {  	[spmem:s2] =	stream.indirect.scatter.add.f32 [tilespmem:s18], [sflag:$0x3], $0x80, s29, s15, $0xb8;
	[tilespmem:$0x1FC00] =	vst v63  }
0x78: {  	_ =	swait.ge [sflag:s13], $0x4000  }
0x79: {  	[sflag:s13] =	ssyncset.done $0x0  }
0x7a: {  	s28 =	sadd.s32 $0x1480, s28;
	[sflag:s13] =	ssyncadd.s32 $0xFFFFC000  }
0x7b: {  	[tilespmem:s18], [sflag:$0x2] =	stream.indirect.gather [hbm4b:s4+s15], $0x80, s28, s15, $0xb8;
	[tilespmem:$0x1FC00] =	vst v63  }
0x7c: {  	_ =	swait.ge [sflag:s19], $0x4000  }
0x7d: {  	[sflag:s19] =	ssyncset.done $0x0  }
0x7e: {  	[sflag:s19] =	ssyncadd.s32 $0xFFFFC000  }
0x7f: {  	[spmem:s2] =	stream.indirect.scatter.add.f32 [tilespmem:s17], [sflag:$0x3], $0x80, s23, s15, $0xb8;
	[tilespmem:$0x1FC00] =	vst v63  }
0x80: {  	_ =	swait.ge [sflag:s13], $0x4000  }
0x81: {  	[sflag:s13] =	ssyncset.done $0x0  }
0x82: {  	[sflag:s13] =	ssyncadd.s32 $0xFFFFC000  }
0x83: {  	_ =	swait.ge [sflag:s20], $0x4000  }
0x84: {  	[sflag:s20] =	ssyncset.done $0x0  }
0x85: {  	[sflag:s20] =	ssyncadd.s32 $0xFFFFC000  }
0x86: {  	[spmem:s2] =	stream.indirect.scatter.add.f32 [tilespmem:s18], [sflag:$0x3], $0x80, s24, s15, $0xb8;
	[tilespmem:$0x1FC00] =	vst v63  }
0x87: {  	_ =	swait.ge [sflag:s13], $0x4000  }
0x88: {  	s25 =	sadd.s32 $0x1, s25;
	[sflag:s13] =	ssyncset.done $0x0  }
0x89: {  	p0 =	sne.s32 s25, s11;
	[sflag:s13] =	ssyncadd.s32 $0xFFFFC000  }
.Ltmp2:
0x8a: {  	[bflag:$0x0] =	sbarrier.arrive $0xFFFF;
	(pc) =	sbr.rel @p0 .LBB2_1-.Ltmp2, $4  }
0x8b: {  	[hbm:s10], [sflag:s6] =	dma.local [spmem:s12], $0x2800  }
0x8c: {  	_ =	swait.ge [sflag:s13], $0x2800  }
0x8d: {  	[sflag:s13] =	ssyncset.done $0x0  }
0x8e: {  	[sflag:s13] =	ssyncadd.s32 $0xFFFFD800  }
0x8f: {  	_ =	sfence.sel $0x180000  }
0x90: {  	[bflag:$0x0] =	sbarrier.arrive $0xFFFF  }
0x91: {  	p0 =	sne.s32 s1, $0x0;
	_ =	strace $0x9000004D  }
0x92: {  	s0 =	sadd.s32 @!p0 $0x100000, s0;
	[bflag:$0x2] =	sbarrier.arrive $0xFFFF  }
0x93: {  	[sflag:s0] =	ssyncadd.tile.s32 @!p0 $0x1;
	_ =	shalt  }
.Lfunc_end2:
_tile_overlayer_lowered:
.L_overlay_start_2:
0x94: {  	(tag) =	ssettag $0x2  }
0x95: {  	s0 =	rddreg [dreg:$0x0];
	s2 =	stileid.u32  }
0x96: {  	s1 =	rddreg [dreg:$0x1];
	p0 =	sne.s32 s2, $0x0  }
0x97: {  	s3 =	rddreg [dreg:$0x2];
	[bflag:$0x3] =	sbarrier.arrive $0xFFFF;
	s2 =	simm.s32 @!p0 $0x1C03  }
0x98: {  	[timem:s3], [sflag:s2] =	dma.local @!p0 [hbm:s0], s1  }
0x99: {  	s0 =	simm.s32 @!p0 $0x3  }
0x9a: {  	_ =	swait.ge @!p0 [sflag:s0], s1  }
0x9b: {  	s1 =	ssub.s32 @!p0 $0x0, s1;
	[sflag:s0] =	ssyncset.done @!p0 $0x0  }
0x9c: {  	[sflag:s0] =	ssyncadd.s32 @!p0 s1  }
0x9d: {  	[bflag:$0x3] =	sbarrier.arrive $0xFFFF  }
0x9e: {  	_ =	shalt  }

// kernel: kernel.20.cloned.1.call-start
scs
__scs_entry_jumppad:
0x0: {  	(pc) =	sbr.rel $0x88, $3  }
0x1: {  	(tag) =	ssettag $0x0;
	lr =	simm.s32 $0x1  }
0x2: {  	[smem:$0x3F9C] =	sst lr;
	_ =	strace $0xD0000000  }
0x3: {  	_ = 	snop  }
0x4: {  	_ = 	snop  }
0x5: {  	_ = 	snop  }
0x6: {  	_ = 	snop  }
0x7: {  	_ = 	snop  }
__scs_overlays_trampoline_lowered:
0x8: {  	[smem:$0x3FAB] =	sst s0  }
0x9: {  	[smem:$0x3FAC] =	sst s1  }
0xa: {  	[smem:$0x3FAD] =	sst s2  }
0xb: {  	[smem:$0x3FAE] =	sst s3  }
0xc: {  	[smem:$0x3FAF] =	sst s4  }
0xd: {  	[smem:$0x3FB0] =	sst s5  }
0xe: {  	[smem:$0x3FB1] =	sst s6  }
0xf: {  	[smem:$0x3FB2] =	sst s7  }
0x10: {  	[smem:$0x3FB3] =	sst s8  }
0x11: {  	[smem:$0x3FB4] =	sst s9;
	s0 =	simm.s32 @!p0 $0x0  }
0x12: {  	s1 =	sld [smem:$0x3F9A];
	s0 =	simm.s32 @p0 $0x1  }
0x13: {  	[smem:$0x3FB5] =	sst s0;
	s0 =	simm.s32 @!p1 $0x0  }
0x14: {  	s2 =	sld [smem:$0x3F99];
	s0 =	simm.s32 @p1 $0x1  }
0x15: {  	[smem:$0x3FB6] =	sst s0;
	s0 =	simm.s32 @!p2 $0x0  }
0x16: {  	s3 =	sld [smem:$0x3FDB];
	s0 =	simm.s32 @p2 $0x1  }
0x17: {  	s4 =	simm.s32 $0x1BF5;
	[smem:$0x3FB8] =	sst s0  }
0x18: {  	s0 =	sld [smem:$0x3F9B];
	_ =	swait.ge [sflag:s4], $0x0  }
0x19: {  	s7 =	sld [smem:$0x3F9C]  }
0x1a: {  	s8 =	sadd.s32 $0xFFFFE003, lr  }
0x1b: {  	s9 =	sadd.s32 $0xFFFFFEF7, lr;
	s5 =	simm.s32 $0xFFFFFFFF;
	p2 =	slt.u32 s8, $0xFFFFF086  }
0x1c: {  	p1 =	slt.u32 s9, $0xF7A;
	s5 =	simm.s32 @!p2 $0x0  }
0x1d: {  	s5 =	simm.s32 @p1 $0x1;
	p0 =	seq.s32 s7, s2  }
0x1e: {  	s7 =	smul.u32 @!p0 $0xF7A, s2;
	p2 =	seq.s32 @!p0 s5, $0x0  }
0x1f: {  	s9 =	smul.u32 $0xF7A, s1;
	s8 =	simm.s32 @!p0 $0x1BF5;
	p2 =	por !p2, p0  }
0x20: {  	[sflag:s8] =	ssyncset.s32 @!p0 $0xFFFFF086;
	s6 =	sadd.s32 @!p0 s3, s7;
	s7 =	simm.s32 @!p0 $0x108  }
0x21: {  	s3 =	sadd.s32 s3, s9;
	s6 =	sadd.s32 @!p0 $0x88, s6;
	s7 =	simm.s32 @p2 $0x1082  }
0x22: {  	[simem:s7], [sflag:s8] =	dma.local @!p0 [hbm:s6], $0xF7A  }
0x23: {  	s9 =	sor.u32 $0xD0000000, s2;
	s6 =	simm.s32 $0x108;
	_ =	swait.ge @!p0 [sflag:s8], $0x0  }
0x24: {  	s3 =	sadd.s32 $0x88, s3;
	s6 =	simm.s32 @!p1 $0x1082;
	[sflag:s4] =	ssyncset.s32 $0xFFFFF086  }
0x25: {  	[simem:s6], [sflag:s4] =	dma.local [hbm:s3], $0xF7A  }
0x26: {  	[smem:$0x3F9C] =	sst s1;
	(tag) =	ssettag s2;
	_ =	strace s9  }
0x27: {  	s1 =	sld [smem:$0x3FAC]  }
0x28: {  	s2 =	sld [smem:$0x3FAD]  }
0x29: {  	s4 =	sld [smem:$0x3FAF]  }
0x2a: {  	p0 =	seq.s32 s5, $0x0;
	s5 =	sld [smem:$0x3FB0]  }
0x2b: {  	s6 =	sld [smem:$0x3FB1]  }
0x2c: {  	s7 =	sld [smem:$0x3FB2]  }
0x2d: {  	s3 =	simm.s32 $0x108;
	s8 =	sld [smem:$0x3FB3]  }
0x2e: {  	s3 =	simm.s32 @!p0 $0x1082;
	s9 =	sld [smem:$0x3FB4]  }
0x2f: {  	lr =	sadd.s32 s0, s3;
	s0 =	sld [smem:$0x3FAB]  }
0x30: {  	s3 =	sld [smem:$0x3FAE]  }
0x31: {  	[smem:$0x3FB7] =	sst s10  }
0x32: {  	s10 =	sld [smem:$0x3FB5];
	_ =	sdelay $0x3  }
0x33: {  	p0 =	seq.s32 s10, $0x1;
	s10 =	sld [smem:$0x3FB7];
	_ =	sdelay $0x3  }
0x34: {  	[smem:$0x3FB7] =	sst s10  }
0x35: {  	s10 =	sld [smem:$0x3FB6];
	_ =	sdelay $0x3  }
0x36: {  	p1 =	seq.s32 s10, $0x1;
	s10 =	sld [smem:$0x3FB7];
	_ =	sdelay $0x3  }
0x37: {  	[smem:$0x3FB7] =	sst s10  }
0x38: {  	s10 =	sld [smem:$0x3FB8]  }
0x39: {  	_ = 	snop;
	(pc) =	sbr.ind lr, $3  }
0x3a: {  	_ = 	snop  }
0x3b: {  	_ = 	snop  }
0x3c: {  	p2 =	seq.s32 s10, $0x1;
	s10 =	sld [smem:$0x3FB7]  }
0x3d: {  	_ =	shalt  }
0x3e: {  	_ =	shalt  }
0x3f: {  	_ =	shalt  }
0x40: {  	_ =	shalt  }
0x41: {  	_ =	shalt  }
0x42: {  	_ =	shalt  }
0x43: {  	_ =	shalt  }
0x44: {  	_ =	shalt  }
0x45: {  	_ =	shalt  }
0x46: {  	_ =	shalt  }
0x47: {  	_ =	shalt  }
0x48: {  	_ =	shalt  }
0x49: {  	_ =	shalt  }
0x4a: {  	_ =	shalt  }
0x4b: {  	_ =	shalt  }
0x4c: {  	_ =	shalt  }
0x4d: {  	_ =	shalt  }
0x4e: {  	_ =	shalt  }
0x4f: {  	_ =	shalt  }
0x50: {  	_ =	shalt  }
0x51: {  	_ =	shalt  }
0x52: {  	_ =	shalt  }
0x53: {  	_ =	shalt  }
0x54: {  	_ =	shalt  }
0x55: {  	_ =	shalt  }
0x56: {  	_ =	shalt  }
0x57: {  	_ =	shalt  }
0x58: {  	_ =	shalt  }
0x59: {  	_ =	shalt  }
0x5a: {  	_ =	shalt  }
0x5b: {  	_ =	shalt  }
0x5c: {  	_ =	shalt  }
0x5d: {  	_ =	shalt  }
0x5e: {  	_ =	shalt  }
0x5f: {  	_ =	shalt  }
0x60: {  	_ =	shalt  }
0x61: {  	_ =	shalt  }
0x62: {  	_ =	shalt  }
0x63: {  	_ =	shalt  }
0x64: {  	_ =	shalt  }
0x65: {  	_ =	shalt  }
0x66: {  	_ =	shalt  }
0x67: {  	_ =	shalt  }
0x68: {  	_ =	shalt  }
0x69: {  	_ =	shalt  }
0x6a: {  	_ =	shalt  }
0x6b: {  	_ =	shalt  }
0x6c: {  	_ =	shalt  }
0x6d: {  	_ =	shalt  }
0x6e: {  	_ =	shalt  }
0x6f: {  	_ =	shalt  }
0x70: {  	_ =	shalt  }
0x71: {  	_ =	shalt  }
0x72: {  	_ =	shalt  }
0x73: {  	_ =	shalt  }
0x74: {  	_ =	shalt  }
0x75: {  	_ =	shalt  }
0x76: {  	_ =	shalt  }
0x77: {  	_ =	shalt  }
0x78: {  	_ =	shalt  }
0x79: {  	_ =	shalt  }
0x7a: {  	_ =	shalt  }
0x7b: {  	_ =	shalt  }
0x7c: {  	_ =	shalt  }
0x7d: {  	_ =	shalt  }
0x7e: {  	_ =	shalt  }
0x7f: {  	_ =	shalt  }
0x80: {  	_ =	shalt  }
0x81: {  	_ =	shalt  }
0x82: {  	_ =	shalt  }
0x83: {  	_ =	shalt  }
0x84: {  	_ =	shalt  }
0x85: {  	_ =	shalt  }
0x86: {  	_ =	shalt  }
0x87: {  	_ =	shalt  }
.Lfunc_end0:
.L_simem_size_0:
called_computation.3_lowered:
.L_overlay_start_0:
0x88: {  	s2 =	sld [smem:$0x3FD9]  }
0x89: {  	s3 =	sld [smem:$0x3FFE];
	_ =	sdelay $0x1  }
0x8a: {  	s1 =	srdreg.scid  }
0x8b: {  	s0 =	sand.u32 $0x1, s1  }
0x8c: {  	s17 =	sshll.u32 s0, $0xA;
	s2 =	sadd.s32 s3, s2  }
0x8d: {  	s2 =	sadd.s32 s2, s17  }
0x8e: {  	[smem:$0x3FC3] =	sst s2  }
0x8f: {  	_ = 	snop  }
0x90: {  	s2 =	sld [smem:$0x3FD0];
	(tm) =	ssettm $0x1  }
0x91: {  	s18 =	sld [smem:$0x3FFB];
	_ =	sdelay $0x3  }
0x92: {  	_ =	strace s18  }
0x93: {  	s3 =	sld [smem:$0x3FFC];
	_ =	sdelay $0x3  }
0x94: {  	_ =	strace s3  }
0x95: {  	s3 =	sld [smem:$0x3FFD];
	_ =	sdelay $0x3  }
0x96: {  	_ =	strace s3  }
0x97: {  	_ =	strace $0x8FFFFFFF  }
0x98: {  	s19 =	sld [smem:$0x3FDB];
	_ =	sdelay $0x1  }
0x99: {  	s4 =	simm.s32 $_scs_section_size  }
0x9a: {  	s5 =	simm.s32 $_size__tile_overlayer_lowered;
	s6 =	simm.s32 $_tile_overlayer_lowered  }
0x9b: {  	s22 =	simm.s32 $0x1BFF;
	s21 =	sshll.u32 s6, $0x1;
	s3 =	sadd.s32 s4, s19  }
0x9c: {  	s7 =	simm.s32 $0x0;
	s20 =	sshll.u32 s5, $0x1;
	s5 =	sadd.s32 s21, s3  }
0x9d: {  	[timem:s7], [sflag:s22] =	dma.local [hbm:s5], s20  }
0x9e: {  	_ =	swait.ge [sflag:s22], s20  }
0x9f: {  	s4 =	ssub.s32 $0x0, s20;
	[sflag:s22] =	ssyncset.done $0x0  }
0xa0: {  	[sflag:s22] =	ssyncadd.s32 s4;
	_ =	sdelay $0x1  }
0xa1: {  	s23 =	simm.s32 $0x1B8B  }
0xa2: {  	_ =	swait.ge [sflag:s23], $0x1  }
0xa3: {  	[sflag:s23] =	ssyncset.done $0x0  }
0xa4: {  	s25 =	simm.s32 $0x1B8E;
	s24 =	sld [smem:$0x3FFE];
	[sflag:s23] =	ssyncadd.s32 $0xFFFFFFFF  }
0xa5: {  	s26 =	simm.s32 $execute0_lowered;
	[smem:$0x3FD2] =	sst s25  }
0xa6: {  	s5 =	sshll.u32 s26, $0x1;
	_ =	strace $0x8000004F;
	[dreg:$0x1] =	wrdreg $0xFFFFFFFF  }
0xa7: {  	s28 =	simm.s32 $_size_execute0_lowered;
	s3 =	sadd.s32 s3, s5;
	[dreg:$0x0] =	wrdreg $0x0  }
0xa8: {  	s5 =	sshll.u32 s28, $0x1;
	[dreg:$0x2] =	wrdreg s3  }
0xa9: {  	[dreg:$0x3] =	wrdreg s5  }
0xaa: {  	[dreg:$0x4] =	wrdreg $0xC0  }
0xab: {  	_ =	task [dreg:s7], $0x5FFFF  }
0xac: {  	[dreg:$0x1] =	wrdreg $0xFFFFFFFF  }
0xad: {  	[dreg:$0x0] =	wrdreg $0x60  }
0xae: {  	[dreg:$0x2] =	wrdreg s24  }
0xaf: {  	[dreg:$0x3] =	wrdreg s2  }
0xb0: {  	[dreg:$0x4] =	wrdreg $0xBC000  }
0xb1: {  	[dreg:$0x5] =	wrdreg $0x9  }
0xb2: {  	_ =	task.clear_ibuf [dreg:s7], $0x6FFFF;
	_ =	strace $0x9000004F  }
0xb3: {  	s29 =	simm.s32 $0x9;
	_ =	strace $0x80000051  }
0xb4: {  	_ =	swait.ge [sflag:s29], $0x1  }
0xb5: {  	[sflag:s29] =	ssyncadd.s32 $0xFFFFFFFF  }
0xb6: {  	_ =	strace $0x90000051  }
0xb7: {  	_ =	sfence  }
0xb8: {  	s30 =	sld [smem:$0x0];
	_ =	sdelay $0x2  }
0xb9: {  	s31 =	sshll.u32 s1, $0xD;
	s1 =	sshrl.u32 s1, $0x2  }
0xba: {  	s3 =	sand.u32 $0x4000, s31;
	s1 =	sadd.s32 s1, s30  }
0xbb: {  	s0 =	sor.u32 s3, s0;
	s1 =	sshll.u32 s1, $0x11  }
0xbc: {  	s0 =	sor.u32 s1, s0  }
0xbd: {  	s0 =	sadd.s32 $0x8F2B, s0  }
0xbe: {  	[sflag:s0] =	ssyncadd.remote.s32 $0x1  }
0xbf: {  	_ =	sfence.sel $0xFFFF  }
0xc0: {  	[dreg:$0x0] =	wrdreg $0xFFFFFFFF;
	(pc) =	sbr.abs _section_cstart, $3  }
0xc1: {  	[dreg:$0x1] =	wrdreg $0xFFFFFFFF  }
0xc2: {  	_ =	task.clear_ibuf [dreg:s7], $0x2FFFF;
	_ =	strace $0x9FFFFFFF  }
0xc3: {  	(tm) =	ssettm $0x7FFFFFFF  }
tec
execute0_lowered:
.L_overlay_start_1:
0x0: {  	(tag) =	ssettag $0x1  }
0x1: {  	s6 =	rddreg [dreg:$0x0]  }
0x2: {  	s7 =	rddreg [dreg:$0x1];
	s0 =	srdreg.scid  }
0x3: {  	s2 =	rddreg [dreg:$0x2];
	s1 =	stileid.u32  }
0x4: {  	s3 =	simm.s32 $0x0;
	s15 =	simm.s32 $0x80;
	s16 =	simm.s32 $0x400  }
0x5: {  	s17 =	simm.s32 $0x3C00;
	s18 =	simm.s32 $0x7C00;
	s19 =	simm.s32 $0x1  }
0x6: {  	s20 =	simm.s32 $0x2;
	s8 =	sand.u32 $0x1, s0;
	s0 =	rddreg [dreg:$0x3]  }
0x7: {  	s9 =	smul.u32 $0x14000, s1;
	[smem:$0x7FF] =	sst s3;
	s4 =	sadd.s32 $0x2800, s6  }
0x8: {  	s10 =	sadd.s32 $0xAC800, s6;
	s22 =	sshll.u32 s1, $0x1;
	s12 =	smul.u32 $0x50000, s1  }
0x9: {  	s23 =	sshrl.u32 s1, $0x2;
	s26 =	sshll.u32 s1, $0x6;
	s5 =	smul.u32 $0x140000, s8  }
0xa: {  	_ =	strace $0x80000050;
	s21 =	ssub.s32 $0x2, s8;
	s8 =	sor.u32 s8, s22  }
0xb: {  	s22 =	simm.s32 $0x2780;
	s13 =	sshrl.u32 s21, $0x1;
	s14 =	sshll.u32 s8, $0x7  }
0xc: {  	s24 =	sshrl.u32 s12, $0x2;
	s8 =	smul.u32 $0x500, s8;
	s9 =	sadd.s32 s9, s5  }
0xd: {  	s5 =	sadd.s32 $0x2A800, s6;
	s13 =	ssub.s32 s21, s13;
	s9 =	sshrl.u32 s9, $0x3  }
0xe: {  	s25 =	sand.u32 $0x380, s14;
	s11 =	sadd.s32 s9, s6;
	s9 =	smul.u32 $0x14000, s23  }
0xf: {  	s28 =	sadd.s32 s24, s2;
	s14 =	simm.s32 $0x1400;
	s21 =	simm.s32 $0x2700  }
0x10: {  	s24 =	simm.s32 $0x3B80;
	s7 =	sadd.s32 s7, s8;
	s9 =	sor.u32 s9, s25  }
0x11: {  	s12 =	sshrl.u32 s28, $0x3;
	s6 =	sor.u32 $0x1C03, s26;
	s29 =	sadd.s32 $0xA000, s9  }
0x12: {  	s23 =	simm.s32 $0x3B00;
	s30 =	sshrl.u32 s9, $0x3;
	s31 =	sshrl.u32 s29, $0x3  }
0x13: {  	s25 =	simm.s32 $0x0;
	s8 =	sadd.s32 s10, s30;
	s9 =	sadd.s32 s10, s31  }
0x14: {  	s10 =	sadd.s32 $0x2D000, s11;
	s11 =	smax.u32 s13, $0x1;
	s13 =	simm.s32 $0x3  }
.LBB2_1:
0x15: {  	[spmem:s12], [sflag:s6] =	dma.local [hbm:s5], $0x2800  }
0x16: {  	_ =	swait.ge [sflag:s13], $0x2800  }
0x17: {  	[sflag:s13] =	ssyncset.done $0x0  }
0x18: {  	[sflag:s13] =	ssyncadd.s32 $0xFFFFD800  }
0x19: {  	[tilespmem:s14], [sflag:$0x3] =	stream.linear.gather [hbm4b:s7+s3], $0x2800, $0x38;
	[tilespmem:$0x1FC00] =	vst v63  }
0x1a: {  	_ =	swait.ge [sflag:s13], $0x2800  }
0x1b: {  	[sflag:s13] =	ssyncset.done $0x0  }
0x1c: {  	[sflag:s13] =	ssyncadd.s32 $0xFFFFD800  }
0x1d: {  	[bflag:$0x0] =	sbarrier.arrive $0xFFFF  }
0x1e: {  	[tilespmem:s3], [sflag:$0x3] =	stream.strided.gather [hbm4b:s8+s15], $0x1400, s16, s15, $0x38;
	[tilespmem:$0x1FC00] =	vst v63  }
0x1f: {  	_ =	swait.ge [sflag:s13], $0x1400  }
0x20: {  	[sflag:s13] =	ssyncset.done $0x0  }
0x21: {  	[sflag:s13] =	ssyncadd.s32 $0xFFFFEC00  }
0x22: {  	[tilespmem:s17], [sflag:$0x1] =	stream.indirect.gather [hbm4b:s4+s15], $0x80, s3, s15, $0xb8;
	[tilespmem:$0x1FC00] =	vst v63  }
0x23: {  	_ = 	snop  }
0x24: {  	[tilespmem:s18], [sflag:$0x2] =	stream.indirect.gather [hbm4b:s4+s15], $0x80, s15, s15, $0xb8;
	[tilespmem:$0x1FC00] =	vst v63  }
0x25: {  	_ =	swait.ge [sflag:s19], $0x4000  }
0x26: {  	[sflag:s19] =	ssyncset.done $0x0  }
0x27: {  	s26 =	simm.s32 $0x1400;
	[sflag:s19] =	ssyncadd.s32 $0xFFFFC000  }
0x28: {  	[spmem:s2] =	stream.indirect.scatter.add.f32 [tilespmem:s17], [sflag:$0x3], $0x80, s26, s15, $0xb8;
	[tilespmem:$0x1FC00] =	vst v63  }
0x29: {  	_ =	swait.ge [sflag:s13], $0x4000  }
0x2a: {  	[sflag:s13] =	ssyncset.done $0x0  }
0x2b: {  	s30 =	simm.s32 $0x100;
	[sflag:s13] =	ssyncadd.s32 $0xFFFFC000  }
0x2c: {  	[tilespmem:s17], [sflag:$0x1] =	stream.indirect.gather [hbm4b:s4+s15], $0x80, s30, s15, $0xb8;
	[tilespmem:$0x1FC00] =	vst v63  }
0x2d: {  	_ =	swait.ge [sflag:s20], $0x4000  }
0x2e: {  	[sflag:s20] =	ssyncset.done $0x0  }
0x2f: {  	s31 =	simm.s32 $0x1480;
	[sflag:s20] =	ssyncadd.s32 $0xFFFFC000  }
0x30: {  	[spmem:s2] =	stream.indirect.scatter.add.f32 [tilespmem:s18], [sflag:$0x3], $0x80, s31, s15, $0xb8;
	[tilespmem:$0x1FC00] =	vst v63  }
0x31: {  	_ =	swait.ge [sflag:s13], $0x4000  }
0x32: {  	[sflag:s13] =	ssyncset.done $0x0  }
0x33: {  	s28 =	simm.s32 $0x180;
	s26 =	simm.s32 $0x400;
	[sflag:s13] =	ssyncadd.s32 $0xFFFFC000  }
.LBB2_2:
0x34: {  	[tilespmem:s18], [sflag:$0x2] =	stream.indirect.gather [hbm4b:s4+s15], $0x80, s28, s15, $0xb8;
	[tilespmem:$0x1FC00] =	vst v63  }
0x35: {  	s28 =	smov.u32 s26  }
0x36: {  	p0 =	sne.s32 s26, $0x4800;
	s26 =	sadd.s32 $0x400, s26;
	_ =	swait.ge [sflag:s19], $0x4000  }
0x37: {  	s28 =	sshra.s32 s28, $0x2;
	[sflag:s19] =	ssyncset.done $0x0  }
0x38: {  	s29 =	sadd.s32 $0x1400, s28;
	[sflag:s19] =	ssyncadd.s32 $0xFFFFC000  }
0x39: {  	[spmem:s2] =	stream.indirect.scatter.add.f32 [tilespmem:s17], [sflag:$0x3], $0x80, s29, s15, $0xb8;
	[tilespmem:$0x1FC00] =	vst v63  }
0x3a: {  	_ =	swait.ge [sflag:s13], $0x4000  }
0x3b: {  	[sflag:s13] =	ssyncset.done $0x0  }
0x3c: {  	s29 =	sadd.s32 $0x100, s28;
	[sflag:s13] =	ssyncadd.s32 $0xFFFFC000  }
0x3d: {  	[tilespmem:s17], [sflag:$0x1] =	stream.indirect.gather [hbm4b:s4+s15], $0x80, s29, s15, $0xb8;
	[tilespmem:$0x1FC00] =	vst v63  }
0x3e: {  	_ =	swait.ge [sflag:s20], $0x4000  }
0x3f: {  	[sflag:s20] =	ssyncset.done $0x0  }
.Ltmp0:
0x40: {  	s29 =	sadd.s32 $0x1480, s28;
	[sflag:s20] =	ssyncadd.s32 $0xFFFFC000;
	(pc) =	sbr.rel @p0 .LBB2_2-.Ltmp0, $4  }
0x41: {  	[spmem:s2] =	stream.indirect.scatter.add.f32 [tilespmem:s18], [sflag:$0x3], $0x80, s29, s15, $0xb8;
	[tilespmem:$0x1FC00] =	vst v63  }
0x42: {  	_ =	swait.ge [sflag:s13], $0x4000  }
0x43: {  	[sflag:s13] =	ssyncset.done $0x0  }
0x44: {  	s28 =	sadd.s32 $0x180, s28;
	[sflag:s13] =	ssyncadd.s32 $0xFFFFC000  }
0x45: {  	[tilespmem:s18], [sflag:$0x2] =	stream.indirect.gather [hbm4b:s4+s15], $0x80, s28, s15, $0xb8;
	[tilespmem:$0x1FC00] =	vst v63  }
0x46: {  	_ =	swait.ge [sflag:s19], $0x4000  }
0x47: {  	[sflag:s19] =	ssyncset.done $0x0  }
0x48: {  	[sflag:s19] =	ssyncadd.s32 $0xFFFFC000  }
0x49: {  	[spmem:s2] =	stream.indirect.scatter.add.f32 [tilespmem:s17], [sflag:$0x3], $0x80, s21, s15, $0xb8;
	[tilespmem:$0x1FC00] =	vst v63  }
0x4a: {  	_ =	swait.ge [sflag:s13], $0x4000  }
0x4b: {  	[sflag:s13] =	ssyncset.done $0x0  }
0x4c: {  	[sflag:s13] =	ssyncadd.s32 $0xFFFFC000  }
0x4d: {  	_ =	swait.ge [sflag:s20], $0x4000  }
0x4e: {  	[sflag:s20] =	ssyncset.done $0x0  }
0x4f: {  	[sflag:s20] =	ssyncadd.s32 $0xFFFFC000  }
0x50: {  	[spmem:s2] =	stream.indirect.scatter.add.f32 [tilespmem:s18], [sflag:$0x3], $0x80, s22, s15, $0xb8;
	[tilespmem:$0x1FC00] =	vst v63  }
0x51: {  	_ =	swait.ge [sflag:s13], $0x4000  }
0x52: {  	[sflag:s13] =	ssyncset.done $0x0  }
0x53: {  	[sflag:s13] =	ssyncadd.s32 $0xFFFFC000  }
0x54: {  	[tilespmem:s3], [sflag:$0x3] =	stream.strided.gather [hbm4b:s9+s15], $0x1400, s16, s15, $0x38;
	[tilespmem:$0x1FC00] =	vst v63  }
0x55: {  	_ =	swait.ge [sflag:s13], $0x1400  }
0x56: {  	[sflag:s13] =	ssyncset.done $0x0  }
0x57: {  	[sflag:s13] =	ssyncadd.s32 $0xFFFFEC00  }
0x58: {  	[tilespmem:s17], [sflag:$0x1] =	stream.indirect.gather [hbm4b:s4+s15], $0x80, s3, s15, $0xb8;
	[tilespmem:$0x1FC00] =	vst v63  }
0x59: {  	_ = 	snop  }
0x5a: {  	[tilespmem:s18], [sflag:$0x2] =	stream.indirect.gather [hbm4b:s4+s15], $0x80, s15, s15, $0xb8;
	[tilespmem:$0x1FC00] =	vst v63  }
0x5b: {  	_ =	swait.ge [sflag:s19], $0x4000  }
0x5c: {  	[sflag:s19] =	ssyncset.done $0x0  }
0x5d: {  	s26 =	simm.s32 $0x2800;
	[sflag:s19] =	ssyncadd.s32 $0xFFFFC000  }
0x5e: {  	[spmem:s2] =	stream.indirect.scatter.add.f32 [tilespmem:s17], [sflag:$0x3], $0x80, s26, s15, $0xb8;
	[tilespmem:$0x1FC00] =	vst v63  }
0x5f: {  	_ =	swait.ge [sflag:s13], $0x4000  }
0x60: {  	[sflag:s13] =	ssyncset.done $0x0  }
0x61: {  	s30 =	simm.s32 $0x100;
	[sflag:s13] =	ssyncadd.s32 $0xFFFFC000  }
0x62: {  	[tilespmem:s17], [sflag:$0x1] =	stream.indirect.gather [hbm4b:s4+s15], $0x80, s30, s15, $0xb8;
	[tilespmem:$0x1FC00] =	vst v63  }
0x63: {  	_ =	swait.ge [sflag:s20], $0x4000  }
0x64: {  	[sflag:s20] =	ssyncset.done $0x0  }
0x65: {  	s31 =	simm.s32 $0x2880;
	[sflag:s20] =	ssyncadd.s32 $0xFFFFC000  }
0x66: {  	[spmem:s2] =	stream.indirect.scatter.add.f32 [tilespmem:s18], [sflag:$0x3], $0x80, s31, s15, $0xb8;
	[tilespmem:$0x1FC00] =	vst v63  }
0x67: {  	_ =	swait.ge [sflag:s13], $0x4000  }
0x68: {  	[sflag:s13] =	ssyncset.done $0x0  }
0x69: {  	s28 =	simm.s32 $0x180;
	s26 =	simm.s32 $0xFFFFB800;
	[sflag:s13] =	ssyncadd.s32 $0xFFFFC000  }
.LBB2_4:
0x6a: {  	[tilespmem:s18], [sflag:$0x2] =	stream.indirect.gather [hbm4b:s4+s15], $0x80, s28, s15, $0xb8;
	[tilespmem:$0x1FC00] =	vst v63  }
0x6b: {  	s28 =	smov.u32 s26  }
0x6c: {  	p0 =	sne.s32 s26, $0xFFFFFC00;
	s26 =	sadd.s32 $0x400, s26;
	_ =	swait.ge [sflag:s19], $0x4000  }
0x6d: {  	s28 =	sshra.s32 s28, $0x2;
	[sflag:s19] =	ssyncset.done $0x0  }
0x6e: {  	s29 =	sadd.s32 $0x3B00, s28;
	[sflag:s19] =	ssyncadd.s32 $0xFFFFC000  }
0x6f: {  	[spmem:s2] =	stream.indirect.scatter.add.f32 [tilespmem:s17], [sflag:$0x3], $0x80, s29, s15, $0xb8;
	[tilespmem:$0x1FC00] =	vst v63  }
0x70: {  	_ =	swait.ge [sflag:s13], $0x4000  }
0x71: {  	[sflag:s13] =	ssyncset.done $0x0  }
0x72: {  	s29 =	sadd.s32 $0x1400, s28;
	[sflag:s13] =	ssyncadd.s32 $0xFFFFC000  }
0x73: {  	[tilespmem:s17], [sflag:$0x1] =	stream.indirect.gather [hbm4b:s4+s15], $0x80, s29, s15, $0xb8;
	[tilespmem:$0x1FC00] =	vst v63  }
0x74: {  	_ =	swait.ge [sflag:s20], $0x4000  }
0x75: {  	[sflag:s20] =	ssyncset.done $0x0  }
.Ltmp1:
0x76: {  	s29 =	sadd.s32 $0x3B80, s28;
	[sflag:s20] =	ssyncadd.s32 $0xFFFFC000;
	(pc) =	sbr.rel @p0 .LBB2_4-.Ltmp1, $4  }
0x77: {  	[spmem:s2] =	stream.indirect.scatter.add.f32 [tilespmem:s18], [sflag:$0x3], $0x80, s29, s15, $0xb8;
	[tilespmem:$0x1FC00] =	vst v63  }
0x78: {  	_ =	swait.ge [sflag:s13], $0x4000  }
0x79: {  	[sflag:s13] =	ssyncset.done $0x0  }
0x7a: {  	s28 =	sadd.s32 $0x1480, s28;
	[sflag:s13] =	ssyncadd.s32 $0xFFFFC000  }
0x7b: {  	[tilespmem:s18], [sflag:$0x2] =	stream.indirect.gather [hbm4b:s4+s15], $0x80, s28, s15, $0xb8;
	[tilespmem:$0x1FC00] =	vst v63  }
0x7c: {  	_ =	swait.ge [sflag:s19], $0x4000  }
0x7d: {  	[sflag:s19] =	ssyncset.done $0x0  }
0x7e: {  	[sflag:s19] =	ssyncadd.s32 $0xFFFFC000  }
0x7f: {  	[spmem:s2] =	stream.indirect.scatter.add.f32 [tilespmem:s17], [sflag:$0x3], $0x80, s23, s15, $0xb8;
	[tilespmem:$0x1FC00] =	vst v63  }
0x80: {  	_ =	swait.ge [sflag:s13], $0x4000  }
0x81: {  	[sflag:s13] =	ssyncset.done $0x0  }
0x82: {  	[sflag:s13] =	ssyncadd.s32 $0xFFFFC000  }
0x83: {  	_ =	swait.ge [sflag:s20], $0x4000  }
0x84: {  	[sflag:s20] =	ssyncset.done $0x0  }
0x85: {  	[sflag:s20] =	ssyncadd.s32 $0xFFFFC000  }
0x86: {  	[spmem:s2] =	stream.indirect.scatter.add.f32 [tilespmem:s18], [sflag:$0x3], $0x80, s24, s15, $0xb8;
	[tilespmem:$0x1FC00] =	vst v63  }
0x87: {  	_ =	swait.ge [sflag:s13], $0x4000  }
0x88: {  	s25 =	sadd.s32 $0x1, s25;
	[sflag:s13] =	ssyncset.done $0x0  }
0x89: {  	p0 =	sne.s32 s25, s11;
	[sflag:s13] =	ssyncadd.s32 $0xFFFFC000  }
.Ltmp2:
0x8a: {  	[bflag:$0x0] =	sbarrier.arrive $0xFFFF;
	(pc) =	sbr.rel @p0 .LBB2_1-.Ltmp2, $4  }
0x8b: {  	[hbm:s10], [sflag:s6] =	dma.local [spmem:s12], $0x2800  }
0x8c: {  	_ =	swait.ge [sflag:s13], $0x2800  }
0x8d: {  	[sflag:s13] =	ssyncset.done $0x0  }
0x8e: {  	[sflag:s13] =	ssyncadd.s32 $0xFFFFD800  }
0x8f: {  	_ =	sfence.sel $0x180000  }
0x90: {  	[bflag:$0x0] =	sbarrier.arrive $0xFFFF  }
0x91: {  	p0 =	sne.s32 s1, $0x0;
	_ =	strace $0x90000050  }
0x92: {  	s0 =	sadd.s32 @!p0 $0x100000, s0;
	[bflag:$0x2] =	sbarrier.arrive $0xFFFF  }
0x93: {  	[sflag:s0] =	ssyncadd.tile.s32 @!p0 $0x1;
	_ =	shalt  }
.Lfunc_end2:
_tile_overlayer_lowered:
.L_overlay_start_2:
0x94: {  	(tag) =	ssettag $0x2  }
0x95: {  	s0 =	rddreg [dreg:$0x0];
	s2 =	stileid.u32  }
0x96: {  	s1 =	rddreg [dreg:$0x1];
	p0 =	sne.s32 s2, $0x0  }
0x97: {  	s3 =	rddreg [dreg:$0x2];
	[bflag:$0x3] =	sbarrier.arrive $0xFFFF;
	s2 =	simm.s32 @!p0 $0x1C03  }
0x98: {  	[timem:s3], [sflag:s2] =	dma.local @!p0 [hbm:s0], s1  }
0x99: {  	s0 =	simm.s32 @!p0 $0x3  }
0x9a: {  	_ =	swait.ge @!p0 [sflag:s0], s1  }
0x9b: {  	s1 =	ssub.s32 @!p0 $0x0, s1;
	[sflag:s0] =	ssyncset.done @!p0 $0x0  }
0x9c: {  	[sflag:s0] =	ssyncadd.s32 @!p0 s1  }
0x9d: {  	[bflag:$0x3] =	sbarrier.arrive $0xFFFF  }
0x9e: {  	_ =	shalt  }

</sc_bundles>
